<compile_context>
chip_gen: v7x
topology: tpu7x:2x2x1
jax: 0.10.2.dev20260603
libtpu: 0.0.44.dev20260713+nightly
codegen_flags: <defaults>
</compile_context>

<pallas_src>
import functools

import jax
import jax.numpy as jnp
from jax import lax
from jax.experimental import pallas as pl
from jax.experimental.pallas import tpu as pltpu
from jax.experimental.pallas import tpu_sc as plsc

U_NUM = 1000000
I_NUM = 100000
DIM = 16
B = 16384

_NC = 2
_NS = 16
_NW = _NC * _NS
_BPW = B // _NW
_PCH = 32
_NPASS = _BPW // _PCH

_mesh = plsc.VectorSubcoreMesh(core_axis_name="c", subcore_axis_name="s")


@functools.partial(
    pl.kernel,
    out_type=jax.ShapeDtypeStruct((B,), jnp.float32),
    mesh=_mesh,
    scratch_types=[
        pltpu.VMEM((_BPW,), jnp.int32),
        pltpu.VMEM((_BPW,), jnp.int32),
        pltpu.VMEM((_PCH * 8, DIM), jnp.float32),
        pltpu.VMEM((_PCH * 8, DIM), jnp.float32),
        pltpu.VMEM((_PCH * 8, DIM), jnp.float32),
        pltpu.VMEM((_BPW,), jnp.float32),
        pltpu.SemaphoreType.DMA,
    ],
    compiler_params=pltpu.CompilerParams(
        needs_layout_passes=False, skip_device_barrier=True
    ),
)
def _irt_sc(uid_hbm, iid_hbm, theta_hbm, a_hbm, b_hbm, out_hbm,
            uid_v, iid_v, th_v, a_v, b_v, out_v, sem):
    wid = lax.axis_index("s") * _NC + lax.axis_index("c")
    base = wid * _BPW

    pltpu.sync_copy(uid_hbm.at[pl.ds(base, _BPW)], uid_v)
    pltpu.sync_copy(iid_hbm.at[pl.ds(base, _BPW)], iid_v)

    lane = lax.iota(jnp.int32, 16)
    dcoef = jnp.full((16,), 1.702, jnp.float32)
    one = jnp.full((16,), 1.0, jnp.float32)
    half = jnp.full((16,), 0.5, jnp.float32)

    def pass_body(p, _):
        for blk in range(_PCH // 16):
            uvec = uid_v[pl.ds(p * _PCH + blk * 16, 16)]
            ivec = iid_v[pl.ds(p * _PCH + blk * 16, 16)]
            for r in range(16):
                j = blk * 16 + r
                dst = pl.ds(j * 8, 8)
                ug = pl.multiple_of(uvec[r] & ~7, 8)
                ig = pl.multiple_of(ivec[r] & ~7, 8)
                pltpu.async_copy(theta_hbm.at[pl.ds(ug, 8), :], th_v.at[dst, :], sem)
                pltpu.async_copy(a_hbm.at[pl.ds(ig, 8), :], a_v.at[dst, :], sem)
                pltpu.async_copy(b_hbm.at[pl.ds(ig, 8), :], b_v.at[dst, :], sem)

        for ref in (th_v, a_v, b_v):
            pltpu.make_async_copy(theta_hbm.at[pl.ds(0, _PCH * 8), :], ref, sem).wait()

        for blk in range(_PCH // 16):
            sl16 = pl.ds(p * _PCH + blk * 16, 16)
            u16 = uid_v[sl16]
            i16 = iid_v[sl16]
            urow = (lane + blk * 16) * 8 + (u16 & 7)
            irow = (lane + blk * 16) * 8 + (i16 & 7)
            acc = jnp.zeros((16,), jnp.float32)
            for t in range(DIM):
                d_idx = (lane + t) & 15
                th = plsc.load_gather(th_v, [urow, d_idx])
                av = plsc.load_gather(a_v, [irow, d_idx])
                bv = plsc.load_gather(b_v, [irow, d_idx])
                acc = acc + av * (th - bv)
            sig = one / (one + jnp.exp(-dcoef * acc))
            out_v[sl16] = half + half * sig
        return _

    lax.fori_loop(0, _NPASS, pass_body, 0, unroll=False)

    pltpu.sync_copy(out_v, out_hbm.at[pl.ds(base, _BPW)])


def kernel(user_id, item_id, theta_w, a_w, b_w, c_w):
    del c_w
    uid = jnp.asarray(user_id, jnp.int32)
    iid = jnp.asarray(item_id, jnp.int32)
    return _irt_sc(uid, iid, theta_w, a_w, b_w)

# --- scband reference (transcript-rebuilt; emitter-appended) ---
"""Pipeline reference for scband-irtnet-45792941310565 (READ-ONLY COPY).

The authoritative reference and input builder live on the scoring server;
editing this copy changes nothing except your own understanding.
"""

import jax, jax.numpy as jnp
import numpy as np

U_NUM = 1000000
I_NUM = 100000
DIM = 16
B = 16384


def setup_inputs(seed: int = 0) -> dict:
    key = jax.random.key(seed)
    ks = jax.random.split(key, 6)
    user_id = jax.random.randint(ks[0], (B,), 0, U_NUM)
    item_id = jax.random.randint(ks[1], (B,), 0, I_NUM)
    # xavier-normal-like init for theta and b
    theta_w = jax.random.normal(ks[2], (U_NUM, DIM), dtype=jnp.float32) * (2.0 / (U_NUM + DIM)) ** 0.5
    b_w = jax.random.normal(ks[3], (I_NUM, DIM), dtype=jnp.float32) * (2.0 / (I_NUM + DIM)) ** 0.5
    a_w = 1.0 + 0.1 * jax.random.normal(ks[4], (I_NUM, DIM), dtype=jnp.float32)
    c_w = jnp.zeros((I_NUM, 1), dtype=jnp.float32)
    return {
        "user_id": user_id,
        "item_id": item_id,
        "theta_w": theta_w,
        "a_w": a_w,
        "b_w": b_w,
        "c_w": c_w,
    }


def reference(user_id, item_id, theta_w, a_w, b_w, c_w):
    theta = jnp.take(theta_w, user_id, axis=0)
    a = jnp.take(a_w, item_id, axis=0)
    b = jnp.take(b_w, item_id, axis=0)
    c = jax.nn.sigmoid(jnp.take(c_w, item_id, axis=0))
    D = 1.702
    input_x = jnp.sum(a * (theta - b), axis=1, keepdims=True)
    prob = c + (1.0 - c) * jax.nn.sigmoid(D * input_x)
    return prob.reshape(-1)

if __name__ == "__main__":
    import jax
    _d = setup_inputs()
    print(jax.jit(kernel)(*tuple(_d.values())))

</pallas_src>

<mosaic_0001>
#map = affine_map<(d0, d1) -> (0)>
#map1 = affine_map<(d0, d1) -> (0, 0)>
module attributes {stable_mosaic.version = 14 : i64} {
  func.func @_irt_sc(%arg0: i32, %arg1: i32, %arg2: memref<16384xi32, #tpu.memory_space<hbm>>, %arg3: memref<16384xi32, #tpu.memory_space<hbm>>, %arg4: memref<1000000x16xf32, #tpu.memory_space<hbm>>, %arg5: memref<100000x16xf32, #tpu.memory_space<hbm>>, %arg6: memref<100000x16xf32, #tpu.memory_space<hbm>>, %arg7: memref<16384xf32, #tpu.memory_space<hbm>>, %arg8: memref<512xi32, #tpu.memory_space<vmem>>, %arg9: memref<512xi32, #tpu.memory_space<vmem>>, %arg10: memref<256x16xf32, #tpu.memory_space<vmem>>, %arg11: memref<256x16xf32, #tpu.memory_space<vmem>>, %arg12: memref<256x16xf32, #tpu.memory_space<vmem>>, %arg13: memref<512xf32, #tpu.memory_space<vmem>>, %arg14: memref<!tpu.dma_semaphore, #tpu.memory_space<semaphore_mem>>) attributes {dimension_semantics = [#tpu.dimension_semantics<core_parallel>, #tpu.dimension_semantics<subcore_parallel>], iteration_bounds = array<i64: 2, 16>, scalar_prefetch = 0 : i64, scratch_operands = 7 : i64, tpu.core_type = #tpu.core_type<sc_vector_subcore>, window_params = [{transform_indices = #map}, {transform_indices = #map}, {transform_indices = #map1}, {transform_indices = #map1}, {transform_indices = #map1}, {transform_indices = #map}]} {
    %mul3A = arith.constant 2 : i32
    %mul3A_0 = arith.muli %arg1, %mul3A : i32
    %add3A = arith.addi %mul3A_0, %arg0 : i32
    %mul3A_1 = arith.constant 512 : i32
    %mul3A_2 = arith.muli %add3A, %mul3A_1 : i32
    "tpu.region"() ({
      %run_scoped3A = tpu.sem_alloc : memref<!tpu.dma_semaphore, #tpu.memory_space<semaphore_mem>>
      %dma_start3A = tpu.memref_slice %arg2[%mul3A_2] : memref<16384xi32, #tpu.memory_space<hbm>> -> memref<512xi32, #tpu.memory_space<hbm>>
      %dma_start3A_13 = tpu.memref_slice %arg2[%mul3A_2] : memref<16384xi32, #tpu.memory_space<hbm>> -> memref<512xi32, #tpu.memory_space<hbm>>
      tpu.enqueue_dma source(%dma_start3A_13 : memref<512xi32, #tpu.memory_space<hbm>>) target(%arg8 : memref<512xi32, #tpu.memory_space<vmem>>) target_semaphore(%run_scoped3A : memref<!tpu.dma_semaphore, #tpu.memory_space<semaphore_mem>>)
      %dma_wait3A = tpu.memref_slice %arg2[%mul3A_2] : memref<16384xi32, #tpu.memory_space<hbm>> -> memref<512xi32, #tpu.memory_space<hbm>>
      %dma_wait3A_14 = tpu.memref_slice %arg2[%mul3A_2] : memref<16384xi32, #tpu.memory_space<hbm>> -> memref<512xi32, #tpu.memory_space<hbm>>
      tpu.wait_dma2 semaphore(%run_scoped3A : memref<!tpu.dma_semaphore, #tpu.memory_space<semaphore_mem>>) src(%dma_wait3A_14 : memref<512xi32, #tpu.memory_space<hbm>>) dst(%arg8 : memref<512xi32, #tpu.memory_space<vmem>>)
      tpu.yield
    }) : () -> ()
    "tpu.region"() ({
      %run_scoped3A = tpu.sem_alloc : memref<!tpu.dma_semaphore, #tpu.memory_space<semaphore_mem>>
      %dma_start3A = tpu.memref_slice %arg3[%mul3A_2] : memref<16384xi32, #tpu.memory_space<hbm>> -> memref<512xi32, #tpu.memory_space<hbm>>
      %dma_start3A_13 = tpu.memref_slice %arg3[%mul3A_2] : memref<16384xi32, #tpu.memory_space<hbm>> -> memref<512xi32, #tpu.memory_space<hbm>>
      tpu.enqueue_dma source(%dma_start3A_13 : memref<512xi32, #tpu.memory_space<hbm>>) target(%arg9 : memref<512xi32, #tpu.memory_space<vmem>>) target_semaphore(%run_scoped3A : memref<!tpu.dma_semaphore, #tpu.memory_space<semaphore_mem>>)
      %dma_wait3A = tpu.memref_slice %arg3[%mul3A_2] : memref<16384xi32, #tpu.memory_space<hbm>> -> memref<512xi32, #tpu.memory_space<hbm>>
      %dma_wait3A_14 = tpu.memref_slice %arg3[%mul3A_2] : memref<16384xi32, #tpu.memory_space<hbm>> -> memref<512xi32, #tpu.memory_space<hbm>>
      tpu.wait_dma2 semaphore(%run_scoped3A : memref<!tpu.dma_semaphore, #tpu.memory_space<semaphore_mem>>) src(%dma_wait3A_14 : memref<512xi32, #tpu.memory_space<hbm>>) dst(%arg9 : memref<512xi32, #tpu.memory_space<vmem>>)
      tpu.yield
    }) : () -> ()
    %iota3A = tpu.iota {dimensions = array<i32: 0>} : vector<16xi32>
    %broadcast_in_dim3A = arith.constant 1.702000e+00 : f32
    %broadcast_in_dim3A_3 = vector.broadcast %broadcast_in_dim3A : f32 to vector<16xf32>
    %broadcast_in_dim3A_4 = arith.constant 1.000000e+00 : f32
    %broadcast_in_dim3A_5 = vector.broadcast %broadcast_in_dim3A_4 : f32 to vector<16xf32>
    %broadcast_in_dim3A_6 = arith.constant 5.000000e-01 : f32
    %broadcast_in_dim3A_7 = vector.broadcast %broadcast_in_dim3A_6 : f32 to vector<16xf32>
    %scan3A = arith.constant 0 : i32
    %scan3A_8 = arith.constant 0 : i32
    %scan3A_9 = arith.constant 16 : i32
    %scan3A_10 = arith.addi %scan3A_8, %scan3A_9 : i32
    %scan3A_11 = arith.constant 1 : i32
    scf.for %scan3A_13 = %scan3A_8 to %scan3A_10 step %scan3A_11  : i32 {
      %mul3A_14 = arith.constant 32 : i32
      %mul3A_15 = arith.muli %scan3A_13, %mul3A_14 : i32
      %add3A_16 = arith.constant 0 : i32
      %add3A_17 = arith.addi %mul3A_15, %add3A_16 : i32
      %get3A = arith.index_cast %add3A_17 : i32 to index
      %get3A_18 = tpu.vector_load %arg8[%get3A] {strides = array<i32>} : memref<512xi32, #tpu.memory_space<vmem>>, vector<16xi32>,
      %mul3A_19 = arith.constant 32 : i32
      %mul3A_20 = arith.muli %scan3A_13, %mul3A_19 : i32
      %add3A_21 = arith.constant 0 : i32
      %add3A_22 = arith.addi %mul3A_20, %add3A_21 : i32
      %get3A_23 = arith.index_cast %add3A_22 : i32 to index
      %get3A_24 = tpu.vector_load %arg9[%get3A_23] {strides = array<i32>} : memref<512xi32, #tpu.memory_space<vmem>>, vector<16xi32>,
      %slice3A = vector.extract_strided_slice %get3A_18 {offsets = [0], sizes = [1], strides = [1]} : vector<16xi32> to vector<1xi32>
      %squeeze3A = vector.extract %slice3A[0] : i32 from vector<1xi32>
      %and3A = arith.constant -8 : i32
      %and3A_25 = arith.andi %squeeze3A, %and3A : i32
      %multiple_of3A = tpu.assume_multiple %and3A_25, 8 : i32
      %slice3A_26 = vector.extract_strided_slice %get3A_24 {offsets = [0], sizes = [1], strides = [1]} : vector<16xi32> to vector<1xi32>
      %squeeze3A_27 = vector.extract %slice3A_26[0] : i32 from vector<1xi32>
      %and3A_28 = arith.constant -8 : i32
      %and3A_29 = arith.andi %squeeze3A_27, %and3A_28 : i32
      %multiple_of3A_30 = tpu.assume_multiple %and3A_29, 8 : i32
      %dma_start3A = arith.constant 0 : i32
      %dma_start3A_31 = arith.constant 0 : i32
      %dma_start3A_32 = tpu.memref_slice %arg10[%dma_start3A, %dma_start3A_31] : memref<256x16xf32, #tpu.memory_space<vmem>> -> memref<8x16xf32, #tpu.memory_space<vmem>>
      %dma_start3A_33 = arith.constant 0 : i32
      %dma_start3A_34 = tpu.memref_slice %arg4[%multiple_of3A, %dma_start3A_33] : memref<1000000x16xf32, #tpu.memory_space<hbm>> -> memref<8x16xf32, #tpu.memory_space<hbm>>
      %dma_start3A_35 = arith.constant 0 : i32
      %dma_start3A_36 = arith.constant 0 : i32
      %dma_start3A_37 = tpu.memref_slice %arg10[%dma_start3A_35, %dma_start3A_36] : memref<256x16xf32, #tpu.memory_space<vmem>> -> memref<8x16xf32, #tpu.memory_space<vmem>>
      %dma_start3A_38 = arith.constant 0 : i32
      %dma_start3A_39 = tpu.memref_slice %arg4[%multiple_of3A, %dma_start3A_38] : memref<1000000x16xf32, #tpu.memory_space<hbm>> -> memref<8x16xf32, #tpu.memory_space<hbm>>
      tpu.enqueue_dma source(%dma_start3A_39 : memref<8x16xf32, #tpu.memory_space<hbm>>) target(%dma_start3A_37 : memref<8x16xf32, #tpu.memory_space<vmem>>) target_semaphore(%arg14 : memref<!tpu.dma_semaphore, #tpu.memory_space<semaphore_mem>>)
      %dma_start3A_40 = arith.constant 0 : i32
      %dma_start3A_41 = arith.constant 0 : i32
      %dma_start3A_42 = tpu.memref_slice %arg11[%dma_start3A_40, %dma_start3A_41] : memref<256x16xf32, #tpu.memory_space<vmem>> -> memref<8x16xf32, #tpu.memory_space<vmem>>
      %dma_start3A_43 = arith.constant 0 : i32
      %dma_start3A_44 = tpu.memref_slice %arg5[%multiple_of3A_30, %dma_start3A_43] : memref<100000x16xf32, #tpu.memory_space<hbm>> -> memref<8x16xf32, #tpu.memory_space<hbm>>
      %dma_start3A_45 = arith.constant 0 : i32
      %dma_start3A_46 = arith.constant 0 : i32
      %dma_start3A_47 = tpu.memref_slice %arg11[%dma_start3A_45, %dma_start3A_46] : memref<256x16xf32, #tpu.memory_space<vmem>> -> memref<8x16xf32, #tpu.memory_space<vmem>>
      %dma_start3A_48 = arith.constant 0 : i32
      %dma_start3A_49 = tpu.memref_slice %arg5[%multiple_of3A_30, %dma_start3A_48] : memref<100000x16xf32, #tpu.memory_space<hbm>> -> memref<8x16xf32, #tpu.memory_space<hbm>>
      tpu.enqueue_dma source(%dma_start3A_49 : memref<8x16xf32, #tpu.memory_space<hbm>>) target(%dma_start3A_47 : memref<8x16xf32, #tpu.memory_space<vmem>>) target_semaphore(%arg14 : memref<!tpu.dma_semaphore, #tpu.memory_space<semaphore_mem>>)
      %dma_start3A_50 = arith.constant 0 : i32
      %dma_start3A_51 = arith.constant 0 : i32
      %dma_start3A_52 = tpu.memref_slice %arg12[%dma_start3A_50, %dma_start3A_51] : memref<256x16xf32, #tpu.memory_space<vmem>> -> memref<8x16xf32, #tpu.memory_space<vmem>>
      %dma_start3A_53 = arith.constant 0 : i32
      %dma_start3A_54 = tpu.memref_slice %arg6[%multiple_of3A_30, %dma_start3A_53] : memref<100000x16xf32, #tpu.memory_space<hbm>> -> memref<8x16xf32, #tpu.memory_space<hbm>>
      %dma_start3A_55 = arith.constant 0 : i32
      %dma_start3A_56 = arith.constant 0 : i32
      %dma_start3A_57 = tpu.memref_slice %arg12[%dma_start3A_55, %dma_start3A_56] : memref<256x16xf32, #tpu.memory_space<vmem>> -> memref<8x16xf32, #tpu.memory_space<vmem>>
      %dma_start3A_58 = arith.constant 0 : i32
      %dma_start3A_59 = tpu.memref_slice %arg6[%multiple_of3A_30, %dma_start3A_58] : memref<100000x16xf32, #tpu.memory_space<hbm>> -> memref<8x16xf32, #tpu.memory_space<hbm>>
      tpu.enqueue_dma source(%dma_start3A_59 : memref<8x16xf32, #tpu.memory_space<hbm>>) target(%dma_start3A_57 : memref<8x16xf32, #tpu.memory_space<vmem>>) target_semaphore(%arg14 : memref<!tpu.dma_semaphore, #tpu.memory_space<semaphore_mem>>)
      %slice3A_60 = vector.extract_strided_slice %get3A_18 {offsets = [1], sizes = [1], strides = [1]} : vector<16xi32> to vector<1xi32>
      %squeeze3A_61 = vector.extract %slice3A_60[0] : i32 from vector<1xi32>
      %and3A_62 = arith.constant -8 : i32
      %and3A_63 = arith.andi %squeeze3A_61, %and3A_62 : i32
      %multiple_of3A_64 = tpu.assume_multiple %and3A_63, 8 : i32
      %slice3A_65 = vector.extract_strided_slice %get3A_24 {offsets = [1], sizes = [1], strides = [1]} : vector<16xi32> to vector<1xi32>
      %squeeze3A_66 = vector.extract %slice3A_65[0] : i32 from vector<1xi32>
      %and3A_67 = arith.constant -8 : i32
      %and3A_68 = arith.andi %squeeze3A_66, %and3A_67 : i32
      %multiple_of3A_69 = tpu.assume_multiple %and3A_68, 8 : i32
      %dma_start3A_70 = arith.constant 8 : i32
      %dma_start3A_71 = arith.constant 0 : i32
      %dma_start3A_72 = tpu.memref_slice %arg10[%dma_start3A_70, %dma_start3A_71] : memref<256x16xf32, #tpu.memory_space<vmem>> -> memref<8x16xf32, #tpu.memory_space<vmem>>
      %dma_start3A_73 = arith.constant 0 : i32
      %dma_start3A_74 = tpu.memref_slice %arg4[%multiple_of3A_64, %dma_start3A_73] : memref<1000000x16xf32, #tpu.memory_space<hbm>> -> memref<8x16xf32, #tpu.memory_space<hbm>>
      %dma_start3A_75 = arith.constant 8 : i32
      %dma_start3A_76 = arith.constant 0 : i32
      %dma_start3A_77 = tpu.memref_slice %arg10[%dma_start3A_75, %dma_start3A_76] : memref<256x16xf32, #tpu.memory_space<vmem>> -> memref<8x16xf32, #tpu.memory_space<vmem>>
      %dma_start3A_78 = arith.constant 0 : i32
      %dma_start3A_79 = tpu.memref_slice %arg4[%multiple_of3A_64, %dma_start3A_78] : memref<1000000x16xf32, #tpu.memory_space<hbm>> -> memref<8x16xf32, #tpu.memory_space<hbm>>
      tpu.enqueue_dma source(%dma_start3A_79 : memref<8x16xf32, #tpu.memory_space<hbm>>) target(%dma_start3A_77 : memref<8x16xf32, #tpu.memory_space<vmem>>) target_semaphore(%arg14 : memref<!tpu.dma_semaphore, #tpu.memory_space<semaphore_mem>>)
      %dma_start3A_80 = arith.constant 8 : i32
      %dma_start3A_81 = arith.constant 0 : i32
      %dma_start3A_82 = tpu.memref_slice %arg11[%dma_start3A_80, %dma_start3A_81] : memref<256x16xf32, #tpu.memory_space<vmem>> -> memref<8x16xf32, #tpu.memory_space<vmem>>
      %dma_start3A_83 = arith.constant 0 : i32
      %dma_start3A_84 = tpu.memref_slice %arg5[%multiple_of3A_69, %dma_start3A_83] : memref<100000x16xf32, #tpu.memory_space<hbm>> -> memref<8x16xf32, #tpu.memory_space<hbm>>
      %dma_start3A_85 = arith.constant 8 : i32
      %dma_start3A_86 = arith.constant 0 : i32
      %dma_start3A_87 = tpu.memref_slice %arg11[%dma_start3A_85, %dma_start3A_86] : memref<256x16xf32, #tpu.memory_space<vmem>> -> memref<8x16xf32, #tpu.memory_space<vmem>>
      %dma_start3A_88 = arith.constant 0 : i32
      %dma_start3A_89 = tpu.memref_slice %arg5[%multiple_of3A_69, %dma_start3A_88] : memref<100000x16xf32, #tpu.memory_space<hbm>> -> memref<8x16xf32, #tpu.memory_space<hbm>>
      tpu.enqueue_dma source(%dma_start3A_89 : memref<8x16xf32, #tpu.memory_space<hbm>>) target(%dma_start3A_87 : memref<8x16xf32, #tpu.memory_space<vmem>>) target_semaphore(%arg14 : memref<!tpu.dma_semaphore, #tpu.memory_space<semaphore_mem>>)
      %dma_start3A_90 = arith.constant 8 : i32
      %dma_start3A_91 = arith.constant 0 : i32
      %dma_start3A_92 = tpu.memref_slice %arg12[%dma_start3A_90, %dma_start3A_91] : memref<256x16xf32, #tpu.memory_space<vmem>> -> memref<8x16xf32, #tpu.memory_space<vmem>>
      %dma_start3A_93 = arith.constant 0 : i32
      %dma_start3A_94 = tpu.memref_slice %arg6[%multiple_of3A_69, %dma_start3A_93] : memref<100000x16xf32, #tpu.memory_space<hbm>> -> memref<8x16xf32, #tpu.memory_space<hbm>>
      %dma_start3A_95 = arith.constant 8 : i32
      %dma_start3A_96 = arith.constant 0 : i32
      %dma_start3A_97 = tpu.memref_slice %arg12[%dma_start3A_95, %dma_start3A_96] : memref<256x16xf32, #tpu.memory_space<vmem>> -> memref<8x16xf32, #tpu.memory_space<vmem>>
      %dma_start3A_98 = arith.constant 0 : i32
      %dma_start3A_99 = tpu.memref_slice %arg6[%multiple_of3A_69, %dma_start3A_98] : memref<100000x16xf32, #tpu.memory_space<hbm>> -> memref<8x16xf32, #tpu.memory_space<hbm>>
      tpu.enqueue_dma source(%dma_start3A_99 : memref<8x16xf32, #tpu.memory_space<hbm>>) target(%dma_start3A_97 : memref<8x16xf32, #tpu.memory_space<vmem>>) target_semaphore(%arg14 : memref<!tpu.dma_semaphore, #tpu.memory_space<semaphore_mem>>)
      %slice3A_100 = vector.extract_strided_slice %get3A_18 {offsets = [2], sizes = [1], strides = [1]} : vector<16xi32> to vector<1xi32>
      %squeeze3A_101 = vector.extract %slice3A_100[0] : i32 from vector<1xi32>
      %and3A_102 = arith.constant -8 : i32
      %and3A_103 = arith.andi %squeeze3A_101, %and3A_102 : i32
      %multiple_of3A_104 = tpu.assume_multiple %and3A_103, 8 : i32
      %slice3A_105 = vector.extract_strided_slice %get3A_24 {offsets = [2], sizes = [1], strides = [1]} : vector<16xi32> to vector<1xi32>
      %squeeze3A_106 = vector.extract %slice3A_105[0] : i32 from vector<1xi32>
      %and3A_107 = arith.constant -8 : i32
      %and3A_108 = arith.andi %squeeze3A_106, %and3A_107 : i32
      %multiple_of3A_109 = tpu.assume_multiple %and3A_108, 8 : i32
      %dma_start3A_110 = arith.constant 16 : i32
      %dma_start3A_111 = arith.constant 0 : i32
      %dma_start3A_112 = tpu.memref_slice %arg10[%dma_start3A_110, %dma_start3A_111] : memref<256x16xf32, #tpu.memory_space<vmem>> -> memref<8x16xf32, #tpu.memory_space<vmem>>
      %dma_start3A_113 = arith.constant 0 : i32
      %dma_start3A_114 = tpu.memref_slice %arg4[%multiple_of3A_104, %dma_start3A_113] : memref<1000000x16xf32, #tpu.memory_space<hbm>> -> memref<8x16xf32, #tpu.memory_space<hbm>>
      %dma_start3A_115 = arith.constant 16 : i32
      %dma_start3A_116 = arith.constant 0 : i32
      %dma_start3A_117 = tpu.memref_slice %arg10[%dma_start3A_115, %dma_start3A_116] : memref<256x16xf32, #tpu.memory_space<vmem>> -> memref<8x16xf32, #tpu.memory_space<vmem>>
      %dma_start3A_118 = arith.constant 0 : i32
      %dma_start3A_119 = tpu.memref_slice %arg4[%multiple_of3A_104, %dma_start3A_118] : memref<1000000x16xf32, #tpu.memory_space<hbm>> -> memref<8x16xf32, #tpu.memory_space<hbm>>
      tpu.enqueue_dma source(%dma_start3A_119 : memref<8x16xf32, #tpu.memory_space<hbm>>) target(%dma_start3A_117 : memref<8x16xf32, #tpu.memory_space<vmem>>) target_semaphore(%arg14 : memref<!tpu.dma_semaphore, #tpu.memory_space<semaphore_mem>>)
      %dma_start3A_120 = arith.constant 16 : i32
      %dma_start3A_121 = arith.constant 0 : i32
      %dma_start3A_122 = tpu.memref_slice %arg11[%dma_start3A_120, %dma_start3A_121] : memref<256x16xf32, #tpu.memory_space<vmem>> -> memref<8x16xf32, #tpu.memory_space<vmem>>
      %dma_start3A_123 = arith.constant 0 : i32
      %dma_start3A_124 = tpu.memref_slice %arg5[%multiple_of3A_109, %dma_start3A_123] : memref<100000x16xf32, #tpu.memory_space<hbm>> -> memref<8x16xf32, #tpu.memory_space<hbm>>
      %dma_start3A_125 = arith.constant 16 : i32
      %dma_start3A_126 = arith.constant 0 : i32
      %dma_start3A_127 = tpu.memref_slice %arg11[%dma_start3A_125, %dma_start3A_126] : memref<256x16xf32, #tpu.memory_space<vmem>> -> memref<8x16xf32, #tpu.memory_space<vmem>>
      %dma_start3A_128 = arith.constant 0 : i32
      %dma_start3A_129 = tpu.memref_slice %arg5[%multiple_of3A_109, %dma_start3A_128] : memref<100000x16xf32, #tpu.memory_space<hbm>> -> memref<8x16xf32, #tpu.memory_space<hbm>>
      tpu.enqueue_dma source(%dma_start3A_129 : memref<8x16xf32, #tpu.memory_space<hbm>>) target(%dma_start3A_127 : memref<8x16xf32, #tpu.memory_space<vmem>>) target_semaphore(%arg14 : memref<!tpu.dma_semaphore, #tpu.memory_space<semaphore_mem>>)
      %dma_start3A_130 = arith.constant 16 : i32
      %dma_start3A_131 = arith.constant 0 : i32
      %dma_start3A_132 = tpu.memref_slice %arg12[%dma_start3A_130, %dma_start3A_131] : memref<256x16xf32, #tpu.memory_space<vmem>> -> memref<8x16xf32, #tpu.memory_space<vmem>>
      %dma_start3A_133 = arith.constant 0 : i32
      %dma_start3A_134 = tpu.memref_slice %arg6[%multiple_of3A_109, %dma_start3A_133] : memref<100000x16xf32, #tpu.memory_space<hbm>> -> memref<8x16xf32, #tpu.memory_space<hbm>>
      %dma_start3A_135 = arith.constant 16 : i32
      %dma_start3A_136 = arith.constant 0 : i32
      %dma_start3A_137 = tpu.memref_slice %arg12[%dma_start3A_135, %dma_start3A_136] : memref<256x16xf32, #tpu.memory_space<vmem>> -> memref<8x16xf32, #tpu.memory_space<vmem>>
      %dma_start3A_138 = arith.constant 0 : i32
      %dma_start3A_139 = tpu.memref_slice %arg6[%multiple_of3A_109, %dma_start3A_138] : memref<100000x16xf32, #tpu.memory_space<hbm>> -> memref<8x16xf32, #tpu.memory_space<hbm>>
      tpu.enqueue_dma source(%dma_start3A_139 : memref<8x16xf32, #tpu.memory_space<hbm>>) target(%dma_start3A_137 : memref<8x16xf32, #tpu.memory_space<vmem>>) target_semaphore(%arg14 : memref<!tpu.dma_semaphore, #tpu.memory_space<semaphore_mem>>)
      %slice3A_140 = vector.extract_strided_slice %get3A_18 {offsets = [3], sizes = [1], strides = [1]} : vector<16xi32> to vector<1xi32>
      %squeeze3A_141 = vector.extract %slice3A_140[0] : i32 from vector<1xi32>
      %and3A_142 = arith.constant -8 : i32
      %and3A_143 = arith.andi %squeeze3A_141, %and3A_142 : i32
      %multiple_of3A_144 = tpu.assume_multiple %and3A_143, 8 : i32
      %slice3A_145 = vector.extract_strided_slice %get3A_24 {offsets = [3], sizes = [1], strides = [1]} : vector<16xi32> to vector<1xi32>
      %squeeze3A_146 = vector.extract %slice3A_145[0] : i32 from vector<1xi32>
      %and3A_147 = arith.constant -8 : i32
      %and3A_148 = arith.andi %squeeze3A_146, %and3A_147 : i32
      %multiple_of3A_149 = tpu.assume_multiple %and3A_148, 8 : i32
      %dma_start3A_150 = arith.constant 24 : i32
      %dma_start3A_151 = arith.constant 0 : i32
      %dma_start3A_152 = tpu.memref_slice %arg10[%dma_start3A_150, %dma_start3A_151] : memref<256x16xf32, #tpu.memory_space<vmem>> -> memref<8x16xf32, #tpu.memory_space<vmem>>
      %dma_start3A_153 = arith.constant 0 : i32
      %dma_start3A_154 = tpu.memref_slice %arg4[%multiple_of3A_144, %dma_start3A_153] : memref<1000000x16xf32, #tpu.memory_space<hbm>> -> memref<8x16xf32, #tpu.memory_space<hbm>>
      %dma_start3A_155 = arith.constant 24 : i32
      %dma_start3A_156 = arith.constant 0 : i32
      %dma_start3A_157 = tpu.memref_slice %arg10[%dma_start3A_155, %dma_start3A_156] : memref<256x16xf32, #tpu.memory_space<vmem>> -> memref<8x16xf32, #tpu.memory_space<vmem>>
      %dma_start3A_158 = arith.constant 0 : i32
      %dma_start3A_159 = tpu.memref_slice %arg4[%multiple_of3A_144, %dma_start3A_158] : memref<1000000x16xf32, #tpu.memory_space<hbm>> -> memref<8x16xf32, #tpu.memory_space<hbm>>
      tpu.enqueue_dma source(%dma_start3A_159 : memref<8x16xf32, #tpu.memory_space<hbm>>) target(%dma_start3A_157 : memref<8x16xf32, #tpu.memory_space<vmem>>) target_semaphore(%arg14 : memref<!tpu.dma_semaphore, #tpu.memory_space<semaphore_mem>>)
      %dma_start3A_160 = arith.constant 24 : i32
      %dma_start3A_161 = arith.constant 0 : i32
      %dma_start3A_162 = tpu.memref_slice %arg11[%dma_start3A_160, %dma_start3A_161] : memref<256x16xf32, #tpu.memory_space<vmem>> -> memref<8x16xf32, #tpu.memory_space<vmem>>
      %dma_start3A_163 = arith.constant 0 : i32
      %dma_start3A_164 = tpu.memref_slice %arg5[%multiple_of3A_149, %dma_start3A_163] : memref<100000x16xf32, #tpu.memory_space<hbm>> -> memref<8x16xf32, #tpu.memory_space<hbm>>
      %dma_start3A_165 = arith.constant 24 : i32
      %dma_start3A_166 = arith.constant 0 : i32
      %dma_start3A_167 = tpu.memref_slice %arg11[%dma_start3A_165, %dma_start3A_166] : memref<256x16xf32, #tpu.memory_space<vmem>> -> memref<8x16xf32, #tpu.memory_space<vmem>>
      %dma_start3A_168 = arith.constant 0 : i32
      %dma_start3A_169 = tpu.memref_slice %arg5[%multiple_of3A_149, %dma_start3A_168] : memref<100000x16xf32, #tpu.memory_space<hbm>> -> memref<8x16xf32, #tpu.memory_space<hbm>>
      tpu.enqueue_dma source(%dma_start3A_169 : memref<8x16xf32, #tpu.memory_space<hbm>>) target(%dma_start3A_167 : memref<8x16xf32, #tpu.memory_space<vmem>>) target_semaphore(%arg14 : memref<!tpu.dma_semaphore, #tpu.memory_space<semaphore_mem>>)
      %dma_start3A_170 = arith.constant 24 : i32
      %dma_start3A_171 = arith.constant 0 : i32
      %dma_start3A_172 = tpu.memref_slice %arg12[%dma_start3A_170, %dma_start3A_171] : memref<256x16xf32, #tpu.memory_space<vmem>> -> memref<8x16xf32, #tpu.memory_space<vmem>>
      %dma_start3A_173 = arith.constant 0 : i32
      %dma_start3A_174 = tpu.memref_slice %arg6[%multiple_of3A_149, %dma_start3A_173] : memref<100000x16xf32, #tpu.memory_space<hbm>> -> memref<8x16xf32, #tpu.memory_space<hbm>>
      %dma_start3A_175 = arith.constant 24 : i32
      %dma_start3A_176 = arith.constant 0 : i32
      %dma_start3A_177 = tpu.memref_slice %arg12[%dma_start3A_175, %dma_start3A_176] : memref<256x16xf32, #tpu.memory_space<vmem>> -> memref<8x16xf32, #tpu.memory_space<vmem>>
      %dma_start3A_178 = arith.constant 0 : i32
      %dma_start3A_179 = tpu.memref_slice %arg6[%multiple_of3A_149, %dma_start3A_178] : memref<100000x16xf32, #tpu.memory_space<hbm>> -> memref<8x16xf32, #tpu.memory_space<hbm>>
      tpu.enqueue_dma source(%dma_start3A_179 : memref<8x16xf32, #tpu.memory_space<hbm>>) target(%dma_start3A_177 : memref<8x16xf32, #tpu.memory_space<vmem>>) target_semaphore(%arg14 : memref<!tpu.dma_semaphore, #tpu.memory_space<semaphore_mem>>)
      %slice3A_180 = vector.extract_strided_slice %get3A_18 {offsets = [4], sizes = [1], strides = [1]} : vector<16xi32> to vector<1xi32>
      %squeeze3A_181 = vector.extract %slice3A_180[0] : i32 from vector<1xi32>
      %and3A_182 = arith.constant -8 : i32
      %and3A_183 = arith.andi %squeeze3A_181, %and3A_182 : i32
      %multiple_of3A_184 = tpu.assume_multiple %and3A_183, 8 : i32
      %slice3A_185 = vector.extract_strided_slice %get3A_24 {offsets = [4], sizes = [1], strides = [1]} : vector<16xi32> to vector<1xi32>
      %squeeze3A_186 = vector.extract %slice3A_185[0] : i32 from vector<1xi32>
      %and3A_187 = arith.constant -8 : i32
      %and3A_188 = arith.andi %squeeze3A_186, %and3A_187 : i32
      %multiple_of3A_189 = tpu.assume_multiple %and3A_188, 8 : i32
      %dma_start3A_190 = arith.constant 32 : i32
      %dma_start3A_191 = arith.constant 0 : i32
      %dma_start3A_192 = tpu.memref_slice %arg10[%dma_start3A_190, %dma_start3A_191] : memref<256x16xf32, #tpu.memory_space<vmem>> -> memref<8x16xf32, #tpu.memory_space<vmem>>
      %dma_start3A_193 = arith.constant 0 : i32
      %dma_start3A_194 = tpu.memref_slice %arg4[%multiple_of3A_184, %dma_start3A_193] : memref<1000000x16xf32, #tpu.memory_space<hbm>> -> memref<8x16xf32, #tpu.memory_space<hbm>>
      %dma_start3A_195 = arith.constant 32 : i32
      %dma_start3A_196 = arith.constant 0 : i32
      %dma_start3A_197 = tpu.memref_slice %arg10[%dma_start3A_195, %dma_start3A_196] : memref<256x16xf32, #tpu.memory_space<vmem>> -> memref<8x16xf32, #tpu.memory_space<vmem>>
      %dma_start3A_198 = arith.constant 0 : i32
      %dma_start3A_199 = tpu.memref_slice %arg4[%multiple_of3A_184, %dma_start3A_198] : memref<1000000x16xf32, #tpu.memory_space<hbm>> -> memref<8x16xf32, #tpu.memory_space<hbm>>
      tpu.enqueue_dma source(%dma_start3A_199 : memref<8x16xf32, #tpu.memory_space<hbm>>) target(%dma_start3A_197 : memref<8x16xf32, #tpu.memory_space<vmem>>) target_semaphore(%arg14 : memref<!tpu.dma_semaphore, #tpu.memory_space<semaphore_mem>>)
      %dma_start3A_200 = arith.constant 32 : i32
      %dma_start3A_201 = arith.constant 0 : i32
      %dma_start3A_202 = tpu.memref_slice %arg11[%dma_start3A_200, %dma_start3A_201] : memref<256x16xf32, #tpu.memory_space<vmem>> -> memref<8x16xf32, #tpu.memory_space<vmem>>
      %dma_start3A_203 = arith.constant 0 : i32
      %dma_start3A_204 = tpu.memref_slice %arg5[%multiple_of3A_189, %dma_start3A_203] : memref<100000x16xf32, #tpu.memory_space<hbm>> -> memref<8x16xf32, #tpu.memory_space<hbm>>
      %dma_start3A_205 = arith.constant 32 : i32
      %dma_start3A_206 = arith.constant 0 : i32
      %dma_start3A_207 = tpu.memref_slice %arg11[%dma_start3A_205, %dma_start3A_206] : memref<256x16xf32, #tpu.memory_space<vmem>> -> memref<8x16xf32, #tpu.memory_space<vmem>>
      %dma_start3A_208 = arith.constant 0 : i32
      %dma_start3A_209 = tpu.memref_slice %arg5[%multiple_of3A_189, %dma_start3A_208] : memref<100000x16xf32, #tpu.memory_space<hbm>> -> memref<8x16xf32, #tpu.memory_space<hbm>>
      tpu.enqueue_dma source(%dma_start3A_209 : memref<8x16xf32, #tpu.memory_space<hbm>>) target(%dma_start3A_207 : memref<8x16xf32, #tpu.memory_space<vmem>>) target_semaphore(%arg14 : memref<!tpu.dma_semaphore, #tpu.memory_space<semaphore_mem>>)
      %dma_start3A_210 = arith.constant 32 : i32
      %dma_start3A_211 = arith.constant 0 : i32
      %dma_start3A_212 = tpu.memref_slice %arg12[%dma_start3A_210, %dma_start3A_211] : memref<256x16xf32, #tpu.memory_space<vmem>> -> memref<8x16xf32, #tpu.memory_space<vmem>>
      %dma_start3A_213 = arith.constant 0 : i32
      %dma_start3A_214 = tpu.memref_slice %arg6[%multiple_of3A_189, %dma_start3A_213] : memref<100000x16xf32, #tpu.memory_space<hbm>> -> memref<8x16xf32, #tpu.memory_space<hbm>>
      %dma_start3A_215 = arith.constant 32 : i32
      %dma_start3A_216 = arith.constant 0 : i32
      %dma_start3A_217 = tpu.memref_slice %arg12[%dma_start3A_215, %dma_start3A_216] : memref<256x16xf32, #tpu.memory_space<vmem>> -> memref<8x16xf32, #tpu.memory_space<vmem>>
      %dma_start3A_218 = arith.constant 0 : i32
      %dma_start3A_219 = tpu.memref_slice %arg6[%multiple_of3A_189, %dma_start3A_218] : memref<100000x16xf32, #tpu.memory_space<hbm>> -> memref<8x16xf32, #tpu.memory_space<hbm>>
      tpu.enqueue_dma source(%dma_start3A_219 : memref<8x16xf32, #tpu.memory_space<hbm>>) target(%dma_start3A_217 : memref<8x16xf32, #tpu.memory_space<vmem>>) target_semaphore(%arg14 : memref<!tpu.dma_semaphore, #tpu.memory_space<semaphore_mem>>)
      %slice3A_220 = vector.extract_strided_slice %get3A_18 {offsets = [5], sizes = [1], strides = [1]} : vector<16xi32> to vector<1xi32>
      %squeeze3A_221 = vector.extract %slice3A_220[0] : i32 from vector<1xi32>
      %and3A_222 = arith.constant -8 : i32
      %and3A_223 = arith.andi %squeeze3A_221, %and3A_222 : i32
      %multiple_of3A_224 = tpu.assume_multiple %and3A_223, 8 : i32
      %slice3A_225 = vector.extract_strided_slice %get3A_24 {offsets = [5], sizes = [1], strides = [1]} : vector<16xi32> to vector<1xi32>
      %squeeze3A_226 = vector.extract %slice3A_225[0] : i32 from vector<1xi32>
      %and3A_227 = arith.constant -8 : i32
      %and3A_228 = arith.andi %squeeze3A_226, %and3A_227 : i32
      %multiple_of3A_229 = tpu.assume_multiple %and3A_228, 8 : i32
      %dma_start3A_230 = arith.constant 40 : i32
      %dma_start3A_231 = arith.constant 0 : i32
      %dma_start3A_232 = tpu.memref_slice %arg10[%dma_start3A_230, %dma_start3A_231] : memref<256x16xf32, #tpu.memory_space<vmem>> -> memref<8x16xf32, #tpu.memory_space<vmem>>
      %dma_start3A_233 = arith.constant 0 : i32
      %dma_start3A_234 = tpu.memref_slice %arg4[%multiple_of3A_224, %dma_start3A_233] : memref<1000000x16xf32, #tpu.memory_space<hbm>> -> memref<8x16xf32, #tpu.memory_space<hbm>>
      %dma_start3A_235 = arith.constant 40 : i32
      %dma_start3A_236 = arith.constant 0 : i32
      %dma_start3A_237 = tpu.memref_slice %arg10[%dma_start3A_235, %dma_start3A_236] : memref<256x16xf32, #tpu.memory_space<vmem>> -> memref<8x16xf32, #tpu.memory_space<vmem>>
      %dma_start3A_238 = arith.constant 0 : i32
      %dma_start3A_239 = tpu.memref_slice %arg4[%multiple_of3A_224, %dma_start3A_238] : memref<1000000x16xf32, #tpu.memory_space<hbm>> -> memref<8x16xf32, #tpu.memory_space<hbm>>
      tpu.enqueue_dma source(%dma_start3A_239 : memref<8x16xf32, #tpu.memory_space<hbm>>) target(%dma_start3A_237 : memref<8x16xf32, #tpu.memory_space<vmem>>) target_semaphore(%arg14 : memref<!tpu.dma_semaphore, #tpu.memory_space<semaphore_mem>>)
      %dma_start3A_240 = arith.constant 40 : i32
      %dma_start3A_241 = arith.constant 0 : i32
      %dma_start3A_242 = tpu.memref_slice %arg11[%dma_start3A_240, %dma_start3A_241] : memref<256x16xf32, #tpu.memory_space<vmem>> -> memref<8x16xf32, #tpu.memory_space<vmem>>
      %dma_start3A_243 = arith.constant 0 : i32
      %dma_start3A_244 = tpu.memref_slice %arg5[%multiple_of3A_229, %dma_start3A_243] : memref<100000x16xf32, #tpu.memory_space<hbm>> -> memref<8x16xf32, #tpu.memory_space<hbm>>
      %dma_start3A_245 = arith.constant 40 : i32
      %dma_start3A_246 = arith.constant 0 : i32
      %dma_start3A_247 = tpu.memref_slice %arg11[%dma_start3A_245, %dma_start3A_246] : memref<256x16xf32, #tpu.memory_space<vmem>> -> memref<8x16xf32, #tpu.memory_space<vmem>>
      %dma_start3A_248 = arith.constant 0 : i32
      %dma_start3A_249 = tpu.memref_slice %arg5[%multiple_of3A_229, %dma_start3A_248] : memref<100000x16xf32, #tpu.memory_space<hbm>> -> memref<8x16xf32, #tpu.memory_space<hbm>>
      tpu.enqueue_dma source(%dma_start3A_249 : memref<8x16xf32, #tpu.memory_space<hbm>>) target(%dma_start3A_247 : memref<8x16xf32, #tpu.memory_space<vmem>>) target_semaphore(%arg14 : memref<!tpu.dma_semaphore, #tpu.memory_space<semaphore_mem>>)
      %dma_start3A_250 = arith.constant 40 : i32
      %dma_start3A_251 = arith.constant 0 : i32
      %dma_start3A_252 = tpu.memref_slice %arg12[%dma_start3A_250, %dma_start3A_251] : memref<256x16xf32, #tpu.memory_space<vmem>> -> memref<8x16xf32, #tpu.memory_space<vmem>>
      %dma_start3A_253 = arith.constant 0 : i32
      %dma_start3A_254 = tpu.memref_slice %arg6[%multiple_of3A_229, %dma_start3A_253] : memref<100000x16xf32, #tpu.memory_space<hbm>> -> memref<8x16xf32, #tpu.memory_space<hbm>>
      %dma_start3A_255 = arith.constant 40 : i32
      %dma_start3A_256 = arith.constant 0 : i32
      %dma_start3A_257 = tpu.memref_slice %arg12[%dma_start3A_255, %dma_start3A_256] : memref<256x16xf32, #tpu.memory_space<vmem>> -> memref<8x16xf32, #tpu.memory_space<vmem>>
      %dma_start3A_258 = arith.constant 0 : i32
      %dma_start3A_259 = tpu.memref_slice %arg6[%multiple_of3A_229, %dma_start3A_258] : memref<100000x16xf32, #tpu.memory_space<hbm>> -> memref<8x16xf32, #tpu.memory_space<hbm>>
      tpu.enqueue_dma source(%dma_start3A_259 : memref<8x16xf32, #tpu.memory_space<hbm>>) target(%dma_start3A_257 : memref<8x16xf32, #tpu.memory_space<vmem>>) target_semaphore(%arg14 : memref<!tpu.dma_semaphore, #tpu.memory_space<semaphore_mem>>)
      %slice3A_260 = vector.extract_strided_slice %get3A_18 {offsets = [6], sizes = [1], strides = [1]} : vector<16xi32> to vector<1xi32>
      %squeeze3A_261 = vector.extract %slice3A_260[0] : i32 from vector<1xi32>
      %and3A_262 = arith.constant -8 : i32
      %and3A_263 = arith.andi %squeeze3A_261, %and3A_262 : i32
      %multiple_of3A_264 = tpu.assume_multiple %and3A_263, 8 : i32
      %slice3A_265 = vector.extract_strided_slice %get3A_24 {offsets = [6], sizes = [1], strides = [1]} : vector<16xi32> to vector<1xi32>
      %squeeze3A_266 = vector.extract %slice3A_265[0] : i32 from vector<1xi32>
      %and3A_267 = arith.constant -8 : i32
      %and3A_268 = arith.andi %squeeze3A_266, %and3A_267 : i32
      %multiple_of3A_269 = tpu.assume_multiple %and3A_268, 8 : i32
      %dma_start3A_270 = arith.constant 48 : i32
      %dma_start3A_271 = arith.constant 0 : i32
      %dma_start3A_272 = tpu.memref_slice %arg10[%dma_start3A_270, %dma_start3A_271] : memref<256x16xf32, #tpu.memory_space<vmem>> -> memref<8x16xf32, #tpu.memory_space<vmem>>
      %dma_start3A_273 = arith.constant 0 : i32
      %dma_start3A_274 = tpu.memref_slice %arg4[%multiple_of3A_264, %dma_start3A_273] : memref<1000000x16xf32, #tpu.memory_space<hbm>> -> memref<8x16xf32, #tpu.memory_space<hbm>>
      %dma_start3A_275 = arith.constant 48 : i32
      %dma_start3A_276 = arith.constant 0 : i32
      %dma_start3A_277 = tpu.memref_slice %arg10[%dma_start3A_275, %dma_start3A_276] : memref<256x16xf32, #tpu.memory_space<vmem>> -> memref<8x16xf32, #tpu.memory_space<vmem>>
      %dma_start3A_278 = arith.constant 0 : i32
      %dma_start3A_279 = tpu.memref_slice %arg4[%multiple_of3A_264, %dma_start3A_278] : memref<1000000x16xf32, #tpu.memory_space<hbm>> -> memref<8x16xf32, #tpu.memory_space<hbm>>
      tpu.enqueue_dma source(%dma_start3A_279 : memref<8x16xf32, #tpu.memory_space<hbm>>) target(%dma_start3A_277 : memref<8x16xf32, #tpu.memory_space<vmem>>) target_semaphore(%arg14 : memref<!tpu.dma_semaphore, #tpu.memory_space<semaphore_mem>>)
      %dma_start3A_280 = arith.constant 48 : i32
      %dma_start3A_281 = arith.constant 0 : i32
      %dma_start3A_282 = tpu.memref_slice %arg11[%dma_start3A_280, %dma_start3A_281] : memref<256x16xf32, #tpu.memory_space<vmem>> -> memref<8x16xf32, #tpu.memory_space<vmem>>
      %dma_start3A_283 = arith.constant 0 : i32
      %dma_start3A_284 = tpu.memref_slice %arg5[%multiple_of3A_269, %dma_start3A_283] : memref<100000x16xf32, #tpu.memory_space<hbm>> -> memref<8x16xf32, #tpu.memory_space<hbm>>
      %dma_start3A_285 = arith.constant 48 : i32
      %dma_start3A_286 = arith.constant 0 : i32
      %dma_start3A_287 = tpu.memref_slice %arg11[%dma_start3A_285, %dma_start3A_286] : memref<256x16xf32, #tpu.memory_space<vmem>> -> memref<8x16xf32, #tpu.memory_space<vmem>>
      %dma_start3A_288 = arith.constant 0 : i32
      %dma_start3A_289 = tpu.memref_slice %arg5[%multiple_of3A_269, %dma_start3A_288] : memref<100000x16xf32, #tpu.memory_space<hbm>> -> memref<8x16xf32, #tpu.memory_space<hbm>>
      tpu.enqueue_dma source(%dma_start3A_289 : memref<8x16xf32, #tpu.memory_space<hbm>>) target(%dma_start3A_287 : memref<8x16xf32, #tpu.memory_space<vmem>>) target_semaphore(%arg14 : memref<!tpu.dma_semaphore, #tpu.memory_space<semaphore_mem>>)
      %dma_start3A_290 = arith.constant 48 : i32
      %dma_start3A_291 = arith.constant 0 : i32
      %dma_start3A_292 = tpu.memref_slice %arg12[%dma_start3A_290, %dma_start3A_291] : memref<256x16xf32, #tpu.memory_space<vmem>> -> memref<8x16xf32, #tpu.memory_space<vmem>>
      %dma_start3A_293 = arith.constant 0 : i32
      %dma_start3A_294 = tpu.memref_slice %arg6[%multiple_of3A_269, %dma_start3A_293] : memref<100000x16xf32, #tpu.memory_space<hbm>> -> memref<8x16xf32, #tpu.memory_space<hbm>>
      %dma_start3A_295 = arith.constant 48 : i32
      %dma_start3A_296 = arith.constant 0 : i32
      %dma_start3A_297 = tpu.memref_slice %arg12[%dma_start3A_295, %dma_start3A_296] : memref<256x16xf32, #tpu.memory_space<vmem>> -> memref<8x16xf32, #tpu.memory_space<vmem>>
      %dma_start3A_298 = arith.constant 0 : i32
      %dma_start3A_299 = tpu.memref_slice %arg6[%multiple_of3A_269, %dma_start3A_298] : memref<100000x16xf32, #tpu.memory_space<hbm>> -> memref<8x16xf32, #tpu.memory_space<hbm>>
      tpu.enqueue_dma source(%dma_start3A_299 : memref<8x16xf32, #tpu.memory_space<hbm>>) target(%dma_start3A_297 : memref<8x16xf32, #tpu.memory_space<vmem>>) target_semaphore(%arg14 : memref<!tpu.dma_semaphore, #tpu.memory_space<semaphore_mem>>)
      %slice3A_300 = vector.extract_strided_slice %get3A_18 {offsets = [7], sizes = [1], strides = [1]} : vector<16xi32> to vector<1xi32>
      %squeeze3A_301 = vector.extract %slice3A_300[0] : i32 from vector<1xi32>
      %and3A_302 = arith.constant -8 : i32
      %and3A_303 = arith.andi %squeeze3A_301, %and3A_302 : i32
      %multiple_of3A_304 = tpu.assume_multiple %and3A_303, 8 : i32
      %slice3A_305 = vector.extract_strided_slice %get3A_24 {offsets = [7], sizes = [1], strides = [1]} : vector<16xi32> to vector<1xi32>
      %squeeze3A_306 = vector.extract %slice3A_305[0] : i32 from vector<1xi32>
      %and3A_307 = arith.constant -8 : i32
      %and3A_308 = arith.andi %squeeze3A_306, %and3A_307 : i32
      %multiple_of3A_309 = tpu.assume_multiple %and3A_308, 8 : i32
      %dma_start3A_310 = arith.constant 56 : i32
      %dma_start3A_311 = arith.constant 0 : i32
      %dma_start3A_312 = tpu.memref_slice %arg10[%dma_start3A_310, %dma_start3A_311] : memref<256x16xf32, #tpu.memory_space<vmem>> -> memref<8x16xf32, #tpu.memory_space<vmem>>
      %dma_start3A_313 = arith.constant 0 : i32
      %dma_start3A_314 = tpu.memref_slice %arg4[%multiple_of3A_304, %dma_start3A_313] : memref<1000000x16xf32, #tpu.memory_space<hbm>> -> memref<8x16xf32, #tpu.memory_space<hbm>>
      %dma_start3A_315 = arith.constant 56 : i32
      %dma_start3A_316 = arith.constant 0 : i32
      %dma_start3A_317 = tpu.memref_slice %arg10[%dma_start3A_315, %dma_start3A_316] : memref<256x16xf32, #tpu.memory_space<vmem>> -> memref<8x16xf32, #tpu.memory_space<vmem>>
      %dma_start3A_318 = arith.constant 0 : i32
      %dma_start3A_319 = tpu.memref_slice %arg4[%multiple_of3A_304, %dma_start3A_318] : memref<1000000x16xf32, #tpu.memory_space<hbm>> -> memref<8x16xf32, #tpu.memory_space<hbm>>
      tpu.enqueue_dma source(%dma_start3A_319 : memref<8x16xf32, #tpu.memory_space<hbm>>) target(%dma_start3A_317 : memref<8x16xf32, #tpu.memory_space<vmem>>) target_semaphore(%arg14 : memref<!tpu.dma_semaphore, #tpu.memory_space<semaphore_mem>>)
      %dma_start3A_320 = arith.constant 56 : i32
      %dma_start3A_321 = arith.constant 0 : i32
      %dma_start3A_322 = tpu.memref_slice %arg11[%dma_start3A_320, %dma_start3A_321] : memref<256x16xf32, #tpu.memory_space<vmem>> -> memref<8x16xf32, #tpu.memory_space<vmem>>
      %dma_start3A_323 = arith.constant 0 : i32
      %dma_start3A_324 = tpu.memref_slice %arg5[%multiple_of3A_309, %dma_start3A_323] : memref<100000x16xf32, #tpu.memory_space<hbm>> -> memref<8x16xf32, #tpu.memory_space<hbm>>
      %dma_start3A_325 = arith.constant 56 : i32
      %dma_start3A_326 = arith.constant 0 : i32
      %dma_start3A_327 = tpu.memref_slice %arg11[%dma_start3A_325, %dma_start3A_326] : memref<256x16xf32, #tpu.memory_space<vmem>> -> memref<8x16xf32, #tpu.memory_space<vmem>>
      %dma_start3A_328 = arith.constant 0 : i32
      %dma_start3A_329 = tpu.memref_slice %arg5[%multiple_of3A_309, %dma_start3A_328] : memref<100000x16xf32, #tpu.memory_space<hbm>> -> memref<8x16xf32, #tpu.memory_space<hbm>>
      tpu.enqueue_dma source(%dma_start3A_329 : memref<8x16xf32, #tpu.memory_space<hbm>>) target(%dma_start3A_327 : memref<8x16xf32, #tpu.memory_space<vmem>>) target_semaphore(%arg14 : memref<!tpu.dma_semaphore, #tpu.memory_space<semaphore_mem>>)
      %dma_start3A_330 = arith.constant 56 : i32
      %dma_start3A_331 = arith.constant 0 : i32
      %dma_start3A_332 = tpu.memref_slice %arg12[%dma_start3A_330, %dma_start3A_331] : memref<256x16xf32, #tpu.memory_space<vmem>> -> memref<8x16xf32, #tpu.memory_space<vmem>>
      %dma_start3A_333 = arith.constant 0 : i32
      %dma_start3A_334 = tpu.memref_slice %arg6[%multiple_of3A_309, %dma_start3A_333] : memref<100000x16xf32, #tpu.memory_space<hbm>> -> memref<8x16xf32, #tpu.memory_space<hbm>>
      %dma_start3A_335 = arith.constant 56 : i32
      %dma_start3A_336 = arith.constant 0 : i32
      %dma_start3A_337 = tpu.memref_slice %arg12[%dma_start3A_335, %dma_start3A_336] : memref<256x16xf32, #tpu.memory_space<vmem>> -> memref<8x16xf32, #tpu.memory_space<vmem>>
      %dma_start3A_338 = arith.constant 0 : i32
      %dma_start3A_339 = tpu.memref_slice %arg6[%multiple_of3A_309, %dma_start3A_338] : memref<100000x16xf32, #tpu.memory_space<hbm>> -> memref<8x16xf32, #tpu.memory_space<hbm>>
      tpu.enqueue_dma source(%dma_start3A_339 : memref<8x16xf32, #tpu.memory_space<hbm>>) target(%dma_start3A_337 : memref<8x16xf32, #tpu.memory_space<vmem>>) target_semaphore(%arg14 : memref<!tpu.dma_semaphore, #tpu.memory_space<semaphore_mem>>)
      %slice3A_340 = vector.extract_strided_slice %get3A_18 {offsets = [8], sizes = [1], strides = [1]} : vector<16xi32> to vector<1xi32>
      %squeeze3A_341 = vector.extract %slice3A_340[0] : i32 from vector<1xi32>
      %and3A_342 = arith.constant -8 : i32
      %and3A_343 = arith.andi %squeeze3A_341, %and3A_342 : i32
      %multiple_of3A_344 = tpu.assume_multiple %and3A_343, 8 : i32
      %slice3A_345 = vector.extract_strided_slice %get3A_24 {offsets = [8], sizes = [1], strides = [1]} : vector<16xi32> to vector<1xi32>
      %squeeze3A_346 = vector.extract %slice3A_345[0] : i32 from vector<1xi32>
      %and3A_347 = arith.constant -8 : i32
      %and3A_348 = arith.andi %squeeze3A_346, %and3A_347 : i32
      %multiple_of3A_349 = tpu.assume_multiple %and3A_348, 8 : i32
      %dma_start3A_350 = arith.constant 64 : i32
      %dma_start3A_351 = arith.constant 0 : i32
      %dma_start3A_352 = tpu.memref_slice %arg10[%dma_start3A_350, %dma_start3A_351] : memref<256x16xf32, #tpu.memory_space<vmem>> -> memref<8x16xf32, #tpu.memory_space<vmem>>
      %dma_start3A_353 = arith.constant 0 : i32
      %dma_start3A_354 = tpu.memref_slice %arg4[%multiple_of3A_344, %dma_start3A_353] : memref<1000000x16xf32, #tpu.memory_space<hbm>> -> memref<8x16xf32, #tpu.memory_space<hbm>>
      %dma_start3A_355 = arith.constant 64 : i32
      %dma_start3A_356 = arith.constant 0 : i32
      %dma_start3A_357 = tpu.memref_slice %arg10[%dma_start3A_355, %dma_start3A_356] : memref<256x16xf32, #tpu.memory_space<vmem>> -> memref<8x16xf32, #tpu.memory_space<vmem>>
      %dma_start3A_358 = arith.constant 0 : i32
      %dma_start3A_359 = tpu.memref_slice %arg4[%multiple_of3A_344, %dma_start3A_358] : memref<1000000x16xf32, #tpu.memory_space<hbm>> -> memref<8x16xf32, #tpu.memory_space<hbm>>
      tpu.enqueue_dma source(%dma_start3A_359 : memref<8x16xf32, #tpu.memory_space<hbm>>) target(%dma_start3A_357 : memref<8x16xf32, #tpu.memory_space<vmem>>) target_semaphore(%arg14 : memref<!tpu.dma_semaphore, #tpu.memory_space<semaphore_mem>>)
      %dma_start3A_360 = arith.constant 64 : i32
      %dma_start3A_361 = arith.constant 0 : i32
      %dma_start3A_362 = tpu.memref_slice %arg11[%dma_start3A_360, %dma_start3A_361] : memref<256x16xf32, #tpu.memory_space<vmem>> -> memref<8x16xf32, #tpu.memory_space<vmem>>
      %dma_start3A_363 = arith.constant 0 : i32
      %dma_start3A_364 = tpu.memref_slice %arg5[%multiple_of3A_349, %dma_start3A_363] : memref<100000x16xf32, #tpu.memory_space<hbm>> -> memref<8x16xf32, #tpu.memory_space<hbm>>
      %dma_start3A_365 = arith.constant 64 : i32
      %dma_start3A_366 = arith.constant 0 : i32
      %dma_start3A_367 = tpu.memref_slice %arg11[%dma_start3A_365, %dma_start3A_366] : memref<256x16xf32, #tpu.memory_space<vmem>> -> memref<8x16xf32, #tpu.memory_space<vmem>>
      %dma_start3A_368 = arith.constant 0 : i32
      %dma_start3A_369 = tpu.memref_slice %arg5[%multiple_of3A_349, %dma_start3A_368] : memref<100000x16xf32, #tpu.memory_space<hbm>> -> memref<8x16xf32, #tpu.memory_space<hbm>>
      tpu.enqueue_dma source(%dma_start3A_369 : memref<8x16xf32, #tpu.memory_space<hbm>>) target(%dma_start3A_367 : memref<8x16xf32, #tpu.memory_space<vmem>>) target_semaphore(%arg14 : memref<!tpu.dma_semaphore, #tpu.memory_space<semaphore_mem>>)
      %dma_start3A_370 = arith.constant 64 : i32
      %dma_start3A_371 = arith.constant 0 : i32
      %dma_start3A_372 = tpu.memref_slice %arg12[%dma_start3A_370, %dma_start3A_371] : memref<256x16xf32, #tpu.memory_space<vmem>> -> memref<8x16xf32, #tpu.memory_space<vmem>>
      %dma_start3A_373 = arith.constant 0 : i32
      %dma_start3A_374 = tpu.memref_slice %arg6[%multiple_of3A_349, %dma_start3A_373] : memref<100000x16xf32, #tpu.memory_space<hbm>> -> memref<8x16xf32, #tpu.memory_space<hbm>>
      %dma_start3A_375 = arith.constant 64 : i32
      %dma_start3A_376 = arith.constant 0 : i32
      %dma_start3A_377 = tpu.memref_slice %arg12[%dma_start3A_375, %dma_start3A_376] : memref<256x16xf32, #tpu.memory_space<vmem>> -> memref<8x16xf32, #tpu.memory_space<vmem>>
      %dma_start3A_378 = arith.constant 0 : i32
      %dma_start3A_379 = tpu.memref_slice %arg6[%multiple_of3A_349, %dma_start3A_378] : memref<100000x16xf32, #tpu.memory_space<hbm>> -> memref<8x16xf32, #tpu.memory_space<hbm>>
      tpu.enqueue_dma source(%dma_start3A_379 : memref<8x16xf32, #tpu.memory_space<hbm>>) target(%dma_start3A_377 : memref<8x16xf32, #tpu.memory_space<vmem>>) target_semaphore(%arg14 : memref<!tpu.dma_semaphore, #tpu.memory_space<semaphore_mem>>)
      %slice3A_380 = vector.extract_strided_slice %get3A_18 {offsets = [9], sizes = [1], strides = [1]} : vector<16xi32> to vector<1xi32>
      %squeeze3A_381 = vector.extract %slice3A_380[0] : i32 from vector<1xi32>
      %and3A_382 = arith.constant -8 : i32
      %and3A_383 = arith.andi %squeeze3A_381, %and3A_382 : i32
      %multiple_of3A_384 = tpu.assume_multiple %and3A_383, 8 : i32
      %slice3A_385 = vector.extract_strided_slice %get3A_24 {offsets = [9], sizes = [1], strides = [1]} : vector<16xi32> to vector<1xi32>
      %squeeze3A_386 = vector.extract %slice3A_385[0] : i32 from vector<1xi32>
      %and3A_387 = arith.constant -8 : i32
      %and3A_388 = arith.andi %squeeze3A_386, %and3A_387 : i32
      %multiple_of3A_389 = tpu.assume_multiple %and3A_388, 8 : i32
      %dma_start3A_390 = arith.constant 72 : i32
      %dma_start3A_391 = arith.constant 0 : i32
      %dma_start3A_392 = tpu.memref_slice %arg10[%dma_start3A_390, %dma_start3A_391] : memref<256x16xf32, #tpu.memory_space<vmem>> -> memref<8x16xf32, #tpu.memory_space<vmem>>
      %dma_start3A_393 = arith.constant 0 : i32
      %dma_start3A_394 = tpu.memref_slice %arg4[%multiple_of3A_384, %dma_start3A_393] : memref<1000000x16xf32, #tpu.memory_space<hbm>> -> memref<8x16xf32, #tpu.memory_space<hbm>>
      %dma_start3A_395 = arith.constant 72 : i32
      %dma_start3A_396 = arith.constant 0 : i32
      %dma_start3A_397 = tpu.memref_slice %arg10[%dma_start3A_395, %dma_start3A_396] : memref<256x16xf32, #tpu.memory_space<vmem>> -> memref<8x16xf32, #tpu.memory_space<vmem>>
      %dma_start3A_398 = arith.constant 0 : i32
      %dma_start3A_399 = tpu.memref_slice %arg4[%multiple_of3A_384, %dma_start3A_398] : memref<1000000x16xf32, #tpu.memory_space<hbm>> -> memref<8x16xf32, #tpu.memory_space<hbm>>
      tpu.enqueue_dma source(%dma_start3A_399 : memref<8x16xf32, #tpu.memory_space<hbm>>) target(%dma_start3A_397 : memref<8x16xf32, #tpu.memory_space<vmem>>) target_semaphore(%arg14 : memref<!tpu.dma_semaphore, #tpu.memory_space<semaphore_mem>>)
      %dma_start3A_400 = arith.constant 72 : i32
      %dma_start3A_401 = arith.constant 0 : i32
      %dma_start3A_402 = tpu.memref_slice %arg11[%dma_start3A_400, %dma_start3A_401] : memref<256x16xf32, #tpu.memory_space<vmem>> -> memref<8x16xf32, #tpu.memory_space<vmem>>
      %dma_start3A_403 = arith.constant 0 : i32
      %dma_start3A_404 = tpu.memref_slice %arg5[%multiple_of3A_389, %dma_start3A_403] : memref<100000x16xf32, #tpu.memory_space<hbm>> -> memref<8x16xf32, #tpu.memory_space<hbm>>
      %dma_start3A_405 = arith.constant 72 : i32
      %dma_start3A_406 = arith.constant 0 : i32
      %dma_start3A_407 = tpu.memref_slice %arg11[%dma_start3A_405, %dma_start3A_406] : memref<256x16xf32, #tpu.memory_space<vmem>> -> memref<8x16xf32, #tpu.memory_space<vmem>>
      %dma_start3A_408 = arith.constant 0 : i32
      %dma_start3A_409 = tpu.memref_slice %arg5[%multiple_of3A_389, %dma_start3A_408] : memref<100000x16xf32, #tpu.memory_space<hbm>> -> memref<8x16xf32, #tpu.memory_space<hbm>>
      tpu.enqueue_dma source(%dma_start3A_409 : memref<8x16xf32, #tpu.memory_space<hbm>>) target(%dma_start3A_407 : memref<8x16xf32, #tpu.memory_space<vmem>>) target_semaphore(%arg14 : memref<!tpu.dma_semaphore, #tpu.memory_space<semaphore_mem>>)
      %dma_start3A_410 = arith.constant 72 : i32
      %dma_start3A_411 = arith.constant 0 : i32
      %dma_start3A_412 = tpu.memref_slice %arg12[%dma_start3A_410, %dma_start3A_411] : memref<256x16xf32, #tpu.memory_space<vmem>> -> memref<8x16xf32, #tpu.memory_space<vmem>>
      %dma_start3A_413 = arith.constant 0 : i32
      %dma_start3A_414 = tpu.memref_slice %arg6[%multiple_of3A_389, %dma_start3A_413] : memref<100000x16xf32, #tpu.memory_space<hbm>> -> memref<8x16xf32, #tpu.memory_space<hbm>>
      %dma_start3A_415 = arith.constant 72 : i32
      %dma_start3A_416 = arith.constant 0 : i32
      %dma_start3A_417 = tpu.memref_slice %arg12[%dma_start3A_415, %dma_start3A_416] : memref<256x16xf32, #tpu.memory_space<vmem>> -> memref<8x16xf32, #tpu.memory_space<vmem>>
      %dma_start3A_418 = arith.constant 0 : i32
      %dma_start3A_419 = tpu.memref_slice %arg6[%multiple_of3A_389, %dma_start3A_418] : memref<100000x16xf32, #tpu.memory_space<hbm>> -> memref<8x16xf32, #tpu.memory_space<hbm>>
      tpu.enqueue_dma source(%dma_start3A_419 : memref<8x16xf32, #tpu.memory_space<hbm>>) target(%dma_start3A_417 : memref<8x16xf32, #tpu.memory_space<vmem>>) target_semaphore(%arg14 : memref<!tpu.dma_semaphore, #tpu.memory_space<semaphore_mem>>)
      %slice3A_420 = vector.extract_strided_slice %get3A_18 {offsets = [10], sizes = [1], strides = [1]} : vector<16xi32> to vector<1xi32>
      %squeeze3A_421 = vector.extract %slice3A_420[0] : i32 from vector<1xi32>
      %and3A_422 = arith.constant -8 : i32
      %and3A_423 = arith.andi %squeeze3A_421, %and3A_422 : i32
      %multiple_of3A_424 = tpu.assume_multiple %and3A_423, 8 : i32
      %slice3A_425 = vector.extract_strided_slice %get3A_24 {offsets = [10], sizes = [1], strides = [1]} : vector<16xi32> to vector<1xi32>
      %squeeze3A_426 = vector.extract %slice3A_425[0] : i32 from vector<1xi32>
      %and3A_427 = arith.constant -8 : i32
      %and3A_428 = arith.andi %squeeze3A_426, %and3A_427 : i32
      %multiple_of3A_429 = tpu.assume_multiple %and3A_428, 8 : i32
      %dma_start3A_430 = arith.constant 80 : i32
      %dma_start3A_431 = arith.constant 0 : i32
      %dma_start3A_432 = tpu.memref_slice %arg10[%dma_start3A_430, %dma_start3A_431] : memref<256x16xf32, #tpu.memory_space<vmem>> -> memref<8x16xf32, #tpu.memory_space<vmem>>
      %dma_start3A_433 = arith.constant 0 : i32
      %dma_start3A_434 = tpu.memref_slice %arg4[%multiple_of3A_424, %dma_start3A_433] : memref<1000000x16xf32, #tpu.memory_space<hbm>> -> memref<8x16xf32, #tpu.memory_space<hbm>>
      %dma_start3A_435 = arith.constant 80 : i32
      %dma_start3A_436 = arith.constant 0 : i32
      %dma_start3A_437 = tpu.memref_slice %arg10[%dma_start3A_435, %dma_start3A_436] : memref<256x16xf32, #tpu.memory_space<vmem>> -> memref<8x16xf32, #tpu.memory_space<vmem>>
      %dma_start3A_438 = arith.constant 0 : i32
      %dma_start3A_439 = tpu.memref_slice %arg4[%multiple_of3A_424, %dma_start3A_438] : memref<1000000x16xf32, #tpu.memory_space<hbm>> -> memref<8x16xf32, #tpu.memory_space<hbm>>
      tpu.enqueue_dma source(%dma_start3A_439 : memref<8x16xf32, #tpu.memory_space<hbm>>) target(%dma_start3A_437 : memref<8x16xf32, #tpu.memory_space<vmem>>) target_semaphore(%arg14 : memref<!tpu.dma_semaphore, #tpu.memory_space<semaphore_mem>>)
      %dma_start3A_440 = arith.constant 80 : i32
      %dma_start3A_441 = arith.constant 0 : i32
      %dma_start3A_442 = tpu.memref_slice %arg11[%dma_start3A_440, %dma_start3A_441] : memref<256x16xf32, #tpu.memory_space<vmem>> -> memref<8x16xf32, #tpu.memory_space<vmem>>
      %dma_start3A_443 = arith.constant 0 : i32
      %dma_start3A_444 = tpu.memref_slice %arg5[%multiple_of3A_429, %dma_start3A_443] : memref<100000x16xf32, #tpu.memory_space<hbm>> -> memref<8x16xf32, #tpu.memory_space<hbm>>
      %dma_start3A_445 = arith.constant 80 : i32
      %dma_start3A_446 = arith.constant 0 : i32
      %dma_start3A_447 = tpu.memref_slice %arg11[%dma_start3A_445, %dma_start3A_446] : memref<256x16xf32, #tpu.memory_space<vmem>> -> memref<8x16xf32, #tpu.memory_space<vmem>>
      %dma_start3A_448 = arith.constant 0 : i32
      %dma_start3A_449 = tpu.memref_slice %arg5[%multiple_of3A_429, %dma_start3A_448] : memref<100000x16xf32, #tpu.memory_space<hbm>> -> memref<8x16xf32, #tpu.memory_space<hbm>>
      tpu.enqueue_dma source(%dma_start3A_449 : memref<8x16xf32, #tpu.memory_space<hbm>>) target(%dma_start3A_447 : memref<8x16xf32, #tpu.memory_space<vmem>>) target_semaphore(%arg14 : memref<!tpu.dma_semaphore, #tpu.memory_space<semaphore_mem>>)
      %dma_start3A_450 = arith.constant 80 : i32
      %dma_start3A_451 = arith.constant 0 : i32
      %dma_start3A_452 = tpu.memref_slice %arg12[%dma_start3A_450, %dma_start3A_451] : memref<256x16xf32, #tpu.memory_space<vmem>> -> memref<8x16xf32, #tpu.memory_space<vmem>>
      %dma_start3A_453 = arith.constant 0 : i32
      %dma_start3A_454 = tpu.memref_slice %arg6[%multiple_of3A_429, %dma_start3A_453] : memref<100000x16xf32, #tpu.memory_space<hbm>> -> memref<8x16xf32, #tpu.memory_space<hbm>>
      %dma_start3A_455 = arith.constant 80 : i32
      %dma_start3A_456 = arith.constant 0 : i32
      %dma_start3A_457 = tpu.memref_slice %arg12[%dma_start3A_455, %dma_start3A_456] : memref<256x16xf32, #tpu.memory_space<vmem>> -> memref<8x16xf32, #tpu.memory_space<vmem>>
      %dma_start3A_458 = arith.constant 0 : i32
      %dma_start3A_459 = tpu.memref_slice %arg6[%multiple_of3A_429, %dma_start3A_458] : memref<100000x16xf32, #tpu.memory_space<hbm>> -> memref<8x16xf32, #tpu.memory_space<hbm>>
      tpu.enqueue_dma source(%dma_start3A_459 : memref<8x16xf32, #tpu.memory_space<hbm>>) target(%dma_start3A_457 : memref<8x16xf32, #tpu.memory_space<vmem>>) target_semaphore(%arg14 : memref<!tpu.dma_semaphore, #tpu.memory_space<semaphore_mem>>)
      %slice3A_460 = vector.extract_strided_slice %get3A_18 {offsets = [11], sizes = [1], strides = [1]} : vector<16xi32> to vector<1xi32>
      %squeeze3A_461 = vector.extract %slice3A_460[0] : i32 from vector<1xi32>
      %and3A_462 = arith.constant -8 : i32
      %and3A_463 = arith.andi %squeeze3A_461, %and3A_462 : i32
      %multiple_of3A_464 = tpu.assume_multiple %and3A_463, 8 : i32
      %slice3A_465 = vector.extract_strided_slice %get3A_24 {offsets = [11], sizes = [1], strides = [1]} : vector<16xi32> to vector<1xi32>
      %squeeze3A_466 = vector.extract %slice3A_465[0] : i32 from vector<1xi32>
      %and3A_467 = arith.constant -8 : i32
      %and3A_468 = arith.andi %squeeze3A_466, %and3A_467 : i32
      %multiple_of3A_469 = tpu.assume_multiple %and3A_468, 8 : i32
      %dma_start3A_470 = arith.constant 88 : i32
      %dma_start3A_471 = arith.constant 0 : i32
      %dma_start3A_472 = tpu.memref_slice %arg10[%dma_start3A_470, %dma_start3A_471] : memref<256x16xf32, #tpu.memory_space<vmem>> -> memref<8x16xf32, #tpu.memory_space<vmem>>
      %dma_start3A_473 = arith.constant 0 : i32
      %dma_start3A_474 = tpu.memref_slice %arg4[%multiple_of3A_464, %dma_start3A_473] : memref<1000000x16xf32, #tpu.memory_space<hbm>> -> memref<8x16xf32, #tpu.memory_space<hbm>>
      %dma_start3A_475 = arith.constant 88 : i32
      %dma_start3A_476 = arith.constant 0 : i32
      %dma_start3A_477 = tpu.memref_slice %arg10[%dma_start3A_475, %dma_start3A_476] : memref<256x16xf32, #tpu.memory_space<vmem>> -> memref<8x16xf32, #tpu.memory_space<vmem>>
      %dma_start3A_478 = arith.constant 0 : i32
      %dma_start3A_479 = tpu.memref_slice %arg4[%multiple_of3A_464, %dma_start3A_478] : memref<1000000x16xf32, #tpu.memory_space<hbm>> -> memref<8x16xf32, #tpu.memory_space<hbm>>
      tpu.enqueue_dma source(%dma_start3A_479 : memref<8x16xf32, #tpu.memory_space<hbm>>) target(%dma_start3A_477 : memref<8x16xf32, #tpu.memory_space<vmem>>) target_semaphore(%arg14 : memref<!tpu.dma_semaphore, #tpu.memory_space<semaphore_mem>>)
      %dma_start3A_480 = arith.constant 88 : i32
      %dma_start3A_481 = arith.constant 0 : i32
      %dma_start3A_482 = tpu.memref_slice %arg11[%dma_start3A_480, %dma_start3A_481] : memref<256x16xf32, #tpu.memory_space<vmem>> -> memref<8x16xf32, #tpu.memory_space<vmem>>
      %dma_start3A_483 = arith.constant 0 : i32
      %dma_start3A_484 = tpu.memref_slice %arg5[%multiple_of3A_469, %dma_start3A_483] : memref<100000x16xf32, #tpu.memory_space<hbm>> -> memref<8x16xf32, #tpu.memory_space<hbm>>
      %dma_start3A_485 = arith.constant 88 : i32
      %dma_start3A_486 = arith.constant 0 : i32
      %dma_start3A_487 = tpu.memref_slice %arg11[%dma_start3A_485, %dma_start3A_486] : memref<256x16xf32, #tpu.memory_space<vmem>> -> memref<8x16xf32, #tpu.memory_space<vmem>>
      %dma_start3A_488 = arith.constant 0 : i32
      %dma_start3A_489 = tpu.memref_slice %arg5[%multiple_of3A_469, %dma_start3A_488] : memref<100000x16xf32, #tpu.memory_space<hbm>> -> memref<8x16xf32, #tpu.memory_space<hbm>>
      tpu.enqueue_dma source(%dma_start3A_489 : memref<8x16xf32, #tpu.memory_space<hbm>>) target(%dma_start3A_487 : memref<8x16xf32, #tpu.memory_space<vmem>>) target_semaphore(%arg14 : memref<!tpu.dma_semaphore, #tpu.memory_space<semaphore_mem>>)
      %dma_start3A_490 = arith.constant 88 : i32
      %dma_start3A_491 = arith.constant 0 : i32
      %dma_start3A_492 = tpu.memref_slice %arg12[%dma_start3A_490, %dma_start3A_491] : memref<256x16xf32, #tpu.memory_space<vmem>> -> memref<8x16xf32, #tpu.memory_space<vmem>>
      %dma_start3A_493 = arith.constant 0 : i32
      %dma_start3A_494 = tpu.memref_slice %arg6[%multiple_of3A_469, %dma_start3A_493] : memref<100000x16xf32, #tpu.memory_space<hbm>> -> memref<8x16xf32, #tpu.memory_space<hbm>>
      %dma_start3A_495 = arith.constant 88 : i32
      %dma_start3A_496 = arith.constant 0 : i32
      %dma_start3A_497 = tpu.memref_slice %arg12[%dma_start3A_495, %dma_start3A_496] : memref<256x16xf32, #tpu.memory_space<vmem>> -> memref<8x16xf32, #tpu.memory_space<vmem>>
      %dma_start3A_498 = arith.constant 0 : i32
      %dma_start3A_499 = tpu.memref_slice %arg6[%multiple_of3A_469, %dma_start3A_498] : memref<100000x16xf32, #tpu.memory_space<hbm>> -> memref<8x16xf32, #tpu.memory_space<hbm>>
      tpu.enqueue_dma source(%dma_start3A_499 : memref<8x16xf32, #tpu.memory_space<hbm>>) target(%dma_start3A_497 : memref<8x16xf32, #tpu.memory_space<vmem>>) target_semaphore(%arg14 : memref<!tpu.dma_semaphore, #tpu.memory_space<semaphore_mem>>)
      %slice3A_500 = vector.extract_strided_slice %get3A_18 {offsets = [12], sizes = [1], strides = [1]} : vector<16xi32> to vector<1xi32>
      %squeeze3A_501 = vector.extract %slice3A_500[0] : i32 from vector<1xi32>
      %and3A_502 = arith.constant -8 : i32
      %and3A_503 = arith.andi %squeeze3A_501, %and3A_502 : i32
      %multiple_of3A_504 = tpu.assume_multiple %and3A_503, 8 : i32
      %slice3A_505 = vector.extract_strided_slice %get3A_24 {offsets = [12], sizes = [1], strides = [1]} : vector<16xi32> to vector<1xi32>
      %squeeze3A_506 = vector.extract %slice3A_505[0] : i32 from vector<1xi32>
      %and3A_507 = arith.constant -8 : i32
      %and3A_508 = arith.andi %squeeze3A_506, %and3A_507 : i32
      %multiple_of3A_509 = tpu.assume_multiple %and3A_508, 8 : i32
      %dma_start3A_510 = arith.constant 96 : i32
      %dma_start3A_511 = arith.constant 0 : i32
      %dma_start3A_512 = tpu.memref_slice %arg10[%dma_start3A_510, %dma_start3A_511] : memref<256x16xf32, #tpu.memory_space<vmem>> -> memref<8x16xf32, #tpu.memory_space<vmem>>
      %dma_start3A_513 = arith.constant 0 : i32
      %dma_start3A_514 = tpu.memref_slice %arg4[%multiple_of3A_504, %dma_start3A_513] : memref<1000000x16xf32, #tpu.memory_space<hbm>> -> memref<8x16xf32, #tpu.memory_space<hbm>>
      %dma_start3A_515 = arith.constant 96 : i32
      %dma_start3A_516 = arith.constant 0 : i32
      %dma_start3A_517 = tpu.memref_slice %arg10[%dma_start3A_515, %dma_start3A_516] : memref<256x16xf32, #tpu.memory_space<vmem>> -> memref<8x16xf32, #tpu.memory_space<vmem>>
      %dma_start3A_518 = arith.constant 0 : i32
      %dma_start3A_519 = tpu.memref_slice %arg4[%multiple_of3A_504, %dma_start3A_518] : memref<1000000x16xf32, #tpu.memory_space<hbm>> -> memref<8x16xf32, #tpu.memory_space<hbm>>
      tpu.enqueue_dma source(%dma_start3A_519 : memref<8x16xf32, #tpu.memory_space<hbm>>) target(%dma_start3A_517 : memref<8x16xf32, #tpu.memory_space<vmem>>) target_semaphore(%arg14 : memref<!tpu.dma_semaphore, #tpu.memory_space<semaphore_mem>>)
      %dma_start3A_520 = arith.constant 96 : i32
      %dma_start3A_521 = arith.constant 0 : i32
      %dma_start3A_522 = tpu.memref_slice %arg11[%dma_start3A_520, %dma_start3A_521] : memref<256x16xf32, #tpu.memory_space<vmem>> -> memref<8x16xf32, #tpu.memory_space<vmem>>
      %dma_start3A_523 = arith.constant 0 : i32
      %dma_start3A_524 = tpu.memref_slice %arg5[%multiple_of3A_509, %dma_start3A_523] : memref<100000x16xf32, #tpu.memory_space<hbm>> -> memref<8x16xf32, #tpu.memory_space<hbm>>
      %dma_start3A_525 = arith.constant 96 : i32
      %dma_start3A_526 = arith.constant 0 : i32
      %dma_start3A_527 = tpu.memref_slice %arg11[%dma_start3A_525, %dma_start3A_526] : memref<256x16xf32, #tpu.memory_space<vmem>> -> memref<8x16xf32, #tpu.memory_space<vmem>>
      %dma_start3A_528 = arith.constant 0 : i32
      %dma_start3A_529 = tpu.memref_slice %arg5[%multiple_of3A_509, %dma_start3A_528] : memref<100000x16xf32, #tpu.memory_space<hbm>> -> memref<8x16xf32, #tpu.memory_space<hbm>>
      tpu.enqueue_dma source(%dma_start3A_529 : memref<8x16xf32, #tpu.memory_space<hbm>>) target(%dma_start3A_527 : memref<8x16xf32, #tpu.memory_space<vmem>>) target_semaphore(%arg14 : memref<!tpu.dma_semaphore, #tpu.memory_space<semaphore_mem>>)
      %dma_start3A_530 = arith.constant 96 : i32
      %dma_start3A_531 = arith.constant 0 : i32
      %dma_start3A_532 = tpu.memref_slice %arg12[%dma_start3A_530, %dma_start3A_531] : memref<256x16xf32, #tpu.memory_space<vmem>> -> memref<8x16xf32, #tpu.memory_space<vmem>>
      %dma_start3A_533 = arith.constant 0 : i32
      %dma_start3A_534 = tpu.memref_slice %arg6[%multiple_of3A_509, %dma_start3A_533] : memref<100000x16xf32, #tpu.memory_space<hbm>> -> memref<8x16xf32, #tpu.memory_space<hbm>>
      %dma_start3A_535 = arith.constant 96 : i32
      %dma_start3A_536 = arith.constant 0 : i32
      %dma_start3A_537 = tpu.memref_slice %arg12[%dma_start3A_535, %dma_start3A_536] : memref<256x16xf32, #tpu.memory_space<vmem>> -> memref<8x16xf32, #tpu.memory_space<vmem>>
      %dma_start3A_538 = arith.constant 0 : i32
      %dma_start3A_539 = tpu.memref_slice %arg6[%multiple_of3A_509, %dma_start3A_538] : memref<100000x16xf32, #tpu.memory_space<hbm>> -> memref<8x16xf32, #tpu.memory_space<hbm>>
      tpu.enqueue_dma source(%dma_start3A_539 : memref<8x16xf32, #tpu.memory_space<hbm>>) target(%dma_start3A_537 : memref<8x16xf32, #tpu.memory_space<vmem>>) target_semaphore(%arg14 : memref<!tpu.dma_semaphore, #tpu.memory_space<semaphore_mem>>)
      %slice3A_540 = vector.extract_strided_slice %get3A_18 {offsets = [13], sizes = [1], strides = [1]} : vector<16xi32> to vector<1xi32>
      %squeeze3A_541 = vector.extract %slice3A_540[0] : i32 from vector<1xi32>
      %and3A_542 = arith.constant -8 : i32
      %and3A_543 = arith.andi %squeeze3A_541, %and3A_542 : i32
      %multiple_of3A_544 = tpu.assume_multiple %and3A_543, 8 : i32
      %slice3A_545 = vector.extract_strided_slice %get3A_24 {offsets = [13], sizes = [1], strides = [1]} : vector<16xi32> to vector<1xi32>
      %squeeze3A_546 = vector.extract %slice3A_545[0] : i32 from vector<1xi32>
      %and3A_547 = arith.constant -8 : i32
      %and3A_548 = arith.andi %squeeze3A_546, %and3A_547 : i32
      %multiple_of3A_549 = tpu.assume_multiple %and3A_548, 8 : i32
      %dma_start3A_550 = arith.constant 104 : i32
      %dma_start3A_551 = arith.constant 0 : i32
      %dma_start3A_552 = tpu.memref_slice %arg10[%dma_start3A_550, %dma_start3A_551] : memref<256x16xf32, #tpu.memory_space<vmem>> -> memref<8x16xf32, #tpu.memory_space<vmem>>
      %dma_start3A_553 = arith.constant 0 : i32
      %dma_start3A_554 = tpu.memref_slice %arg4[%multiple_of3A_544, %dma_start3A_553] : memref<1000000x16xf32, #tpu.memory_space<hbm>> -> memref<8x16xf32, #tpu.memory_space<hbm>>
      %dma_start3A_555 = arith.constant 104 : i32
      %dma_start3A_556 = arith.constant 0 : i32
      %dma_start3A_557 = tpu.memref_slice %arg10[%dma_start3A_555, %dma_start3A_556] : memref<256x16xf32, #tpu.memory_space<vmem>> -> memref<8x16xf32, #tpu.memory_space<vmem>>
      %dma_start3A_558 = arith.constant 0 : i32
      %dma_start3A_559 = tpu.memref_slice %arg4[%multiple_of3A_544, %dma_start3A_558] : memref<1000000x16xf32, #tpu.memory_space<hbm>> -> memref<8x16xf32, #tpu.memory_space<hbm>>
      tpu.enqueue_dma source(%dma_start3A_559 : memref<8x16xf32, #tpu.memory_space<hbm>>) target(%dma_start3A_557 : memref<8x16xf32, #tpu.memory_space<vmem>>) target_semaphore(%arg14 : memref<!tpu.dma_semaphore, #tpu.memory_space<semaphore_mem>>)
      %dma_start3A_560 = arith.constant 104 : i32
      %dma_start3A_561 = arith.constant 0 : i32
      %dma_start3A_562 = tpu.memref_slice %arg11[%dma_start3A_560, %dma_start3A_561] : memref<256x16xf32, #tpu.memory_space<vmem>> -> memref<8x16xf32, #tpu.memory_space<vmem>>
      %dma_start3A_563 = arith.constant 0 : i32
      %dma_start3A_564 = tpu.memref_slice %arg5[%multiple_of3A_549, %dma_start3A_563] : memref<100000x16xf32, #tpu.memory_space<hbm>> -> memref<8x16xf32, #tpu.memory_space<hbm>>
      %dma_start3A_565 = arith.constant 104 : i32
      %dma_start3A_566 = arith.constant 0 : i32
      %dma_start3A_567 = tpu.memref_slice %arg11[%dma_start3A_565, %dma_start3A_566] : memref<256x16xf32, #tpu.memory_space<vmem>> -> memref<8x16xf32, #tpu.memory_space<vmem>>
      %dma_start3A_568 = arith.constant 0 : i32
      %dma_start3A_569 = tpu.memref_slice %arg5[%multiple_of3A_549, %dma_start3A_568] : memref<100000x16xf32, #tpu.memory_space<hbm>> -> memref<8x16xf32, #tpu.memory_space<hbm>>
      tpu.enqueue_dma source(%dma_start3A_569 : memref<8x16xf32, #tpu.memory_space<hbm>>) target(%dma_start3A_567 : memref<8x16xf32, #tpu.memory_space<vmem>>) target_semaphore(%arg14 : memref<!tpu.dma_semaphore, #tpu.memory_space<semaphore_mem>>)
      %dma_start3A_570 = arith.constant 104 : i32
      %dma_start3A_571 = arith.constant 0 : i32
      %dma_start3A_572 = tpu.memref_slice %arg12[%dma_start3A_570, %dma_start3A_571] : memref<256x16xf32, #tpu.memory_space<vmem>> -> memref<8x16xf32, #tpu.memory_space<vmem>>
      %dma_start3A_573 = arith.constant 0 : i32
      %dma_start3A_574 = tpu.memref_slice %arg6[%multiple_of3A_549, %dma_start3A_573] : memref<100000x16xf32, #tpu.memory_space<hbm>> -> memref<8x16xf32, #tpu.memory_space<hbm>>
      %dma_start3A_575 = arith.constant 104 : i32
      %dma_start3A_576 = arith.constant 0 : i32
      %dma_start3A_577 = tpu.memref_slice %arg12[%dma_start3A_575, %dma_start3A_576] : memref<256x16xf32, #tpu.memory_space<vmem>> -> memref<8x16xf32, #tpu.memory_space<vmem>>
      %dma_start3A_578 = arith.constant 0 : i32
      %dma_start3A_579 = tpu.memref_slice %arg6[%multiple_of3A_549, %dma_start3A_578] : memref<100000x16xf32, #tpu.memory_space<hbm>> -> memref<8x16xf32, #tpu.memory_space<hbm>>
      tpu.enqueue_dma source(%dma_start3A_579 : memref<8x16xf32, #tpu.memory_space<hbm>>) target(%dma_start3A_577 : memref<8x16xf32, #tpu.memory_space<vmem>>) target_semaphore(%arg14 : memref<!tpu.dma_semaphore, #tpu.memory_space<semaphore_mem>>)
      %slice3A_580 = vector.extract_strided_slice %get3A_18 {offsets = [14], sizes = [1], strides = [1]} : vector<16xi32> to vector<1xi32>
      %squeeze3A_581 = vector.extract %slice3A_580[0] : i32 from vector<1xi32>
      %and3A_582 = arith.constant -8 : i32
      %and3A_583 = arith.andi %squeeze3A_581, %and3A_582 : i32
      %multiple_of3A_584 = tpu.assume_multiple %and3A_583, 8 : i32
      %slice3A_585 = vector.extract_strided_slice %get3A_24 {offsets = [14], sizes = [1], strides = [1]} : vector<16xi32> to vector<1xi32>
      %squeeze3A_586 = vector.extract %slice3A_585[0] : i32 from vector<1xi32>
      %and3A_587 = arith.constant -8 : i32
      %and3A_588 = arith.andi %squeeze3A_586, %and3A_587 : i32
      %multiple_of3A_589 = tpu.assume_multiple %and3A_588, 8 : i32
      %dma_start3A_590 = arith.constant 112 : i32
      %dma_start3A_591 = arith.constant 0 : i32
      %dma_start3A_592 = tpu.memref_slice %arg10[%dma_start3A_590, %dma_start3A_591] : memref<256x16xf32, #tpu.memory_space<vmem>> -> memref<8x16xf32, #tpu.memory_space<vmem>>
      %dma_start3A_593 = arith.constant 0 : i32
      %dma_start3A_594 = tpu.memref_slice %arg4[%multiple_of3A_584, %dma_start3A_593] : memref<1000000x16xf32, #tpu.memory_space<hbm>> -> memref<8x16xf32, #tpu.memory_space<hbm>>
      %dma_start3A_595 = arith.constant 112 : i32
      %dma_start3A_596 = arith.constant 0 : i32
      %dma_start3A_597 = tpu.memref_slice %arg10[%dma_start3A_595, %dma_start3A_596] : memref<256x16xf32, #tpu.memory_space<vmem>> -> memref<8x16xf32, #tpu.memory_space<vmem>>
      %dma_start3A_598 = arith.constant 0 : i32
      %dma_start3A_599 = tpu.memref_slice %arg4[%multiple_of3A_584, %dma_start3A_598] : memref<1000000x16xf32, #tpu.memory_space<hbm>> -> memref<8x16xf32, #tpu.memory_space<hbm>>
      tpu.enqueue_dma source(%dma_start3A_599 : memref<8x16xf32, #tpu.memory_space<hbm>>) target(%dma_start3A_597 : memref<8x16xf32, #tpu.memory_space<vmem>>) target_semaphore(%arg14 : memref<!tpu.dma_semaphore, #tpu.memory_space<semaphore_mem>>)
      %dma_start3A_600 = arith.constant 112 : i32
      %dma_start3A_601 = arith.constant 0 : i32
      %dma_start3A_602 = tpu.memref_slice %arg11[%dma_start3A_600, %dma_start3A_601] : memref<256x16xf32, #tpu.memory_space<vmem>> -> memref<8x16xf32, #tpu.memory_space<vmem>>
      %dma_start3A_603 = arith.constant 0 : i32
      %dma_start3A_604 = tpu.memref_slice %arg5[%multiple_of3A_589, %dma_start3A_603] : memref<100000x16xf32, #tpu.memory_space<hbm>> -> memref<8x16xf32, #tpu.memory_space<hbm>>
      %dma_start3A_605 = arith.constant 112 : i32
      %dma_start3A_606 = arith.constant 0 : i32
      %dma_start3A_607 = tpu.memref_slice %arg11[%dma_start3A_605, %dma_start3A_606] : memref<256x16xf32, #tpu.memory_space<vmem>> -> memref<8x16xf32, #tpu.memory_space<vmem>>
      %dma_start3A_608 = arith.constant 0 : i32
      %dma_start3A_609 = tpu.memref_slice %arg5[%multiple_of3A_589, %dma_start3A_608] : memref<100000x16xf32, #tpu.memory_space<hbm>> -> memref<8x16xf32, #tpu.memory_space<hbm>>
      tpu.enqueue_dma source(%dma_start3A_609 : memref<8x16xf32, #tpu.memory_space<hbm>>) target(%dma_start3A_607 : memref<8x16xf32, #tpu.memory_space<vmem>>) target_semaphore(%arg14 : memref<!tpu.dma_semaphore, #tpu.memory_space<semaphore_mem>>)
      %dma_start3A_610 = arith.constant 112 : i32
      %dma_start3A_611 = arith.constant 0 : i32
      %dma_start3A_612 = tpu.memref_slice %arg12[%dma_start3A_610, %dma_start3A_611] : memref<256x16xf32, #tpu.memory_space<vmem>> -> memref<8x16xf32, #tpu.memory_space<vmem>>
      %dma_start3A_613 = arith.constant 0 : i32
      %dma_start3A_614 = tpu.memref_slice %arg6[%multiple_of3A_589, %dma_start3A_613] : memref<100000x16xf32, #tpu.memory_space<hbm>> -> memref<8x16xf32, #tpu.memory_space<hbm>>
      %dma_start3A_615 = arith.constant 112 : i32
      %dma_start3A_616 = arith.constant 0 : i32
      %dma_start3A_617 = tpu.memref_slice %arg12[%dma_start3A_615, %dma_start3A_616] : memref<256x16xf32, #tpu.memory_space<vmem>> -> memref<8x16xf32, #tpu.memory_space<vmem>>
      %dma_start3A_618 = arith.constant 0 : i32
      %dma_start3A_619 = tpu.memref_slice %arg6[%multiple_of3A_589, %dma_start3A_618] : memref<100000x16xf32, #tpu.memory_space<hbm>> -> memref<8x16xf32, #tpu.memory_space<hbm>>
      tpu.enqueue_dma source(%dma_start3A_619 : memref<8x16xf32, #tpu.memory_space<hbm>>) target(%dma_start3A_617 : memref<8x16xf32, #tpu.memory_space<vmem>>) target_semaphore(%arg14 : memref<!tpu.dma_semaphore, #tpu.memory_space<semaphore_mem>>)
      %slice3A_620 = vector.extract_strided_slice %get3A_18 {offsets = [15], sizes = [1], strides = [1]} : vector<16xi32> to vector<1xi32>
      %squeeze3A_621 = vector.extract %slice3A_620[0] : i32 from vector<1xi32>
      %and3A_622 = arith.constant -8 : i32
      %and3A_623 = arith.andi %squeeze3A_621, %and3A_622 : i32
      %multiple_of3A_624 = tpu.assume_multiple %and3A_623, 8 : i32
      %slice3A_625 = vector.extract_strided_slice %get3A_24 {offsets = [15], sizes = [1], strides = [1]} : vector<16xi32> to vector<1xi32>
      %squeeze3A_626 = vector.extract %slice3A_625[0] : i32 from vector<1xi32>
      %and3A_627 = arith.constant -8 : i32
      %and3A_628 = arith.andi %squeeze3A_626, %and3A_627 : i32
      %multiple_of3A_629 = tpu.assume_multiple %and3A_628, 8 : i32
      %dma_start3A_630 = arith.constant 120 : i32
      %dma_start3A_631 = arith.constant 0 : i32
      %dma_start3A_632 = tpu.memref_slice %arg10[%dma_start3A_630, %dma_start3A_631] : memref<256x16xf32, #tpu.memory_space<vmem>> -> memref<8x16xf32, #tpu.memory_space<vmem>>
      %dma_start3A_633 = arith.constant 0 : i32
      %dma_start3A_634 = tpu.memref_slice %arg4[%multiple_of3A_624, %dma_start3A_633] : memref<1000000x16xf32, #tpu.memory_space<hbm>> -> memref<8x16xf32, #tpu.memory_space<hbm>>
      %dma_start3A_635 = arith.constant 120 : i32
      %dma_start3A_636 = arith.constant 0 : i32
      %dma_start3A_637 = tpu.memref_slice %arg10[%dma_start3A_635, %dma_start3A_636] : memref<256x16xf32, #tpu.memory_space<vmem>> -> memref<8x16xf32, #tpu.memory_space<vmem>>
      %dma_start3A_638 = arith.constant 0 : i32
      %dma_start3A_639 = tpu.memref_slice %arg4[%multiple_of3A_624, %dma_start3A_638] : memref<1000000x16xf32, #tpu.memory_space<hbm>> -> memref<8x16xf32, #tpu.memory_space<hbm>>
      tpu.enqueue_dma source(%dma_start3A_639 : memref<8x16xf32, #tpu.memory_space<hbm>>) target(%dma_start3A_637 : memref<8x16xf32, #tpu.memory_space<vmem>>) target_semaphore(%arg14 : memref<!tpu.dma_semaphore, #tpu.memory_space<semaphore_mem>>)
      %dma_start3A_640 = arith.constant 120 : i32
      %dma_start3A_641 = arith.constant 0 : i32
      %dma_start3A_642 = tpu.memref_slice %arg11[%dma_start3A_640, %dma_start3A_641] : memref<256x16xf32, #tpu.memory_space<vmem>> -> memref<8x16xf32, #tpu.memory_space<vmem>>
      %dma_start3A_643 = arith.constant 0 : i32
      %dma_start3A_644 = tpu.memref_slice %arg5[%multiple_of3A_629, %dma_start3A_643] : memref<100000x16xf32, #tpu.memory_space<hbm>> -> memref<8x16xf32, #tpu.memory_space<hbm>>
      %dma_start3A_645 = arith.constant 120 : i32
      %dma_start3A_646 = arith.constant 0 : i32
      %dma_start3A_647 = tpu.memref_slice %arg11[%dma_start3A_645, %dma_start3A_646] : memref<256x16xf32, #tpu.memory_space<vmem>> -> memref<8x16xf32, #tpu.memory_space<vmem>>
      %dma_start3A_648 = arith.constant 0 : i32
      %dma_start3A_649 = tpu.memref_slice %arg5[%multiple_of3A_629, %dma_start3A_648] : memref<100000x16xf32, #tpu.memory_space<hbm>> -> memref<8x16xf32, #tpu.memory_space<hbm>>
      tpu.enqueue_dma source(%dma_start3A_649 : memref<8x16xf32, #tpu.memory_space<hbm>>) target(%dma_start3A_647 : memref<8x16xf32, #tpu.memory_space<vmem>>) target_semaphore(%arg14 : memref<!tpu.dma_semaphore, #tpu.memory_space<semaphore_mem>>)
      %dma_start3A_650 = arith.constant 120 : i32
      %dma_start3A_651 = arith.constant 0 : i32
      %dma_start3A_652 = tpu.memref_slice %arg12[%dma_start3A_650, %dma_start3A_651] : memref<256x16xf32, #tpu.memory_space<vmem>> -> memref<8x16xf32, #tpu.memory_space<vmem>>
      %dma_start3A_653 = arith.constant 0 : i32
      %dma_start3A_654 = tpu.memref_slice %arg6[%multiple_of3A_629, %dma_start3A_653] : memref<100000x16xf32, #tpu.memory_space<hbm>> -> memref<8x16xf32, #tpu.memory_space<hbm>>
      %dma_start3A_655 = arith.constant 120 : i32
      %dma_start3A_656 = arith.constant 0 : i32
      %dma_start3A_657 = tpu.memref_slice %arg12[%dma_start3A_655, %dma_start3A_656] : memref<256x16xf32, #tpu.memory_space<vmem>> -> memref<8x16xf32, #tpu.memory_space<vmem>>
      %dma_start3A_658 = arith.constant 0 : i32
      %dma_start3A_659 = tpu.memref_slice %arg6[%multiple_of3A_629, %dma_start3A_658] : memref<100000x16xf32, #tpu.memory_space<hbm>> -> memref<8x16xf32, #tpu.memory_space<hbm>>
      tpu.enqueue_dma source(%dma_start3A_659 : memref<8x16xf32, #tpu.memory_space<hbm>>) target(%dma_start3A_657 : memref<8x16xf32, #tpu.memory_space<vmem>>) target_semaphore(%arg14 : memref<!tpu.dma_semaphore, #tpu.memory_space<semaphore_mem>>)
      %mul3A_660 = arith.constant 32 : i32
      %mul3A_661 = arith.muli %scan3A_13, %mul3A_660 : i32
      %add3A_662 = arith.constant 16 : i32
      %add3A_663 = arith.addi %mul3A_661, %add3A_662 : i32
      %get3A_664 = arith.index_cast %add3A_663 : i32 to index
      %get3A_665 = tpu.vector_load %arg8[%get3A_664] {strides = array<i32>} : memref<512xi32, #tpu.memory_space<vmem>>, vector<16xi32>,
      %mul3A_666 = arith.constant 32 : i32
      %mul3A_667 = arith.muli %scan3A_13, %mul3A_666 : i32
      %add3A_668 = arith.constant 16 : i32
      %add3A_669 = arith.addi %mul3A_667, %add3A_668 : i32
      %get3A_670 = arith.index_cast %add3A_669 : i32 to index
      %get3A_671 = tpu.vector_load %arg9[%get3A_670] {strides = array<i32>} : memref<512xi32, #tpu.memory_space<vmem>>, vector<16xi32>,
      %slice3A_672 = vector.extract_strided_slice %get3A_665 {offsets = [0], sizes = [1], strides = [1]} : vector<16xi32> to vector<1xi32>
      %squeeze3A_673 = vector.extract %slice3A_672[0] : i32 from vector<1xi32>
      %and3A_674 = arith.constant -8 : i32
      %and3A_675 = arith.andi %squeeze3A_673, %and3A_674 : i32
      %multiple_of3A_676 = tpu.assume_multiple %and3A_675, 8 : i32
      %slice3A_677 = vector.extract_strided_slice %get3A_671 {offsets = [0], sizes = [1], strides = [1]} : vector<16xi32> to vector<1xi32>
      %squeeze3A_678 = vector.extract %slice3A_677[0] : i32 from vector<1xi32>
      %and3A_679 = arith.constant -8 : i32
      %and3A_680 = arith.andi %squeeze3A_678, %and3A_679 : i32
      %multiple_of3A_681 = tpu.assume_multiple %and3A_680, 8 : i32
      %dma_start3A_682 = arith.constant 128 : i32
      %dma_start3A_683 = arith.constant 0 : i32
      %dma_start3A_684 = tpu.memref_slice %arg10[%dma_start3A_682, %dma_start3A_683] : memref<256x16xf32, #tpu.memory_space<vmem>> -> memref<8x16xf32, #tpu.memory_space<vmem>>
      %dma_start3A_685 = arith.constant 0 : i32
      %dma_start3A_686 = tpu.memref_slice %arg4[%multiple_of3A_676, %dma_start3A_685] : memref<1000000x16xf32, #tpu.memory_space<hbm>> -> memref<8x16xf32, #tpu.memory_space<hbm>>
      %dma_start3A_687 = arith.constant 128 : i32
      %dma_start3A_688 = arith.constant 0 : i32
      %dma_start3A_689 = tpu.memref_slice %arg10[%dma_start3A_687, %dma_start3A_688] : memref<256x16xf32, #tpu.memory_space<vmem>> -> memref<8x16xf32, #tpu.memory_space<vmem>>
      %dma_start3A_690 = arith.constant 0 : i32
      %dma_start3A_691 = tpu.memref_slice %arg4[%multiple_of3A_676, %dma_start3A_690] : memref<1000000x16xf32, #tpu.memory_space<hbm>> -> memref<8x16xf32, #tpu.memory_space<hbm>>
      tpu.enqueue_dma source(%dma_start3A_691 : memref<8x16xf32, #tpu.memory_space<hbm>>) target(%dma_start3A_689 : memref<8x16xf32, #tpu.memory_space<vmem>>) target_semaphore(%arg14 : memref<!tpu.dma_semaphore, #tpu.memory_space<semaphore_mem>>)
      %dma_start3A_692 = arith.constant 128 : i32
      %dma_start3A_693 = arith.constant 0 : i32
      %dma_start3A_694 = tpu.memref_slice %arg11[%dma_start3A_692, %dma_start3A_693] : memref<256x16xf32, #tpu.memory_space<vmem>> -> memref<8x16xf32, #tpu.memory_space<vmem>>
      %dma_start3A_695 = arith.constant 0 : i32
      %dma_start3A_696 = tpu.memref_slice %arg5[%multiple_of3A_681, %dma_start3A_695] : memref<100000x16xf32, #tpu.memory_space<hbm>> -> memref<8x16xf32, #tpu.memory_space<hbm>>
      %dma_start3A_697 = arith.constant 128 : i32
      %dma_start3A_698 = arith.constant 0 : i32
      %dma_start3A_699 = tpu.memref_slice %arg11[%dma_start3A_697, %dma_start3A_698] : memref<256x16xf32, #tpu.memory_space<vmem>> -> memref<8x16xf32, #tpu.memory_space<vmem>>
      %dma_start3A_700 = arith.constant 0 : i32
      %dma_start3A_701 = tpu.memref_slice %arg5[%multiple_of3A_681, %dma_start3A_700] : memref<100000x16xf32, #tpu.memory_space<hbm>> -> memref<8x16xf32, #tpu.memory_space<hbm>>
      tpu.enqueue_dma source(%dma_start3A_701 : memref<8x16xf32, #tpu.memory_space<hbm>>) target(%dma_start3A_699 : memref<8x16xf32, #tpu.memory_space<vmem>>) target_semaphore(%arg14 : memref<!tpu.dma_semaphore, #tpu.memory_space<semaphore_mem>>)
      %dma_start3A_702 = arith.constant 128 : i32
      %dma_start3A_703 = arith.constant 0 : i32
      %dma_start3A_704 = tpu.memref_slice %arg12[%dma_start3A_702, %dma_start3A_703] : memref<256x16xf32, #tpu.memory_space<vmem>> -> memref<8x16xf32, #tpu.memory_space<vmem>>
      %dma_start3A_705 = arith.constant 0 : i32
      %dma_start3A_706 = tpu.memref_slice %arg6[%multiple_of3A_681, %dma_start3A_705] : memref<100000x16xf32, #tpu.memory_space<hbm>> -> memref<8x16xf32, #tpu.memory_space<hbm>>
      %dma_start3A_707 = arith.constant 128 : i32
      %dma_start3A_708 = arith.constant 0 : i32
      %dma_start3A_709 = tpu.memref_slice %arg12[%dma_start3A_707, %dma_start3A_708] : memref<256x16xf32, #tpu.memory_space<vmem>> -> memref<8x16xf32, #tpu.memory_space<vmem>>
      %dma_start3A_710 = arith.constant 0 : i32
      %dma_start3A_711 = tpu.memref_slice %arg6[%multiple_of3A_681, %dma_start3A_710] : memref<100000x16xf32, #tpu.memory_space<hbm>> -> memref<8x16xf32, #tpu.memory_space<hbm>>
      tpu.enqueue_dma source(%dma_start3A_711 : memref<8x16xf32, #tpu.memory_space<hbm>>) target(%dma_start3A_709 : memref<8x16xf32, #tpu.memory_space<vmem>>) target_semaphore(%arg14 : memref<!tpu.dma_semaphore, #tpu.memory_space<semaphore_mem>>)
      %slice3A_712 = vector.extract_strided_slice %get3A_665 {offsets = [1], sizes = [1], strides = [1]} : vector<16xi32> to vector<1xi32>
      %squeeze3A_713 = vector.extract %slice3A_712[0] : i32 from vector<1xi32>
      %and3A_714 = arith.constant -8 : i32
      %and3A_715 = arith.andi %squeeze3A_713, %and3A_714 : i32
      %multiple_of3A_716 = tpu.assume_multiple %and3A_715, 8 : i32
      %slice3A_717 = vector.extract_strided_slice %get3A_671 {offsets = [1], sizes = [1], strides = [1]} : vector<16xi32> to vector<1xi32>
      %squeeze3A_718 = vector.extract %slice3A_717[0] : i32 from vector<1xi32>
      %and3A_719 = arith.constant -8 : i32
      %and3A_720 = arith.andi %squeeze3A_718, %and3A_719 : i32
      %multiple_of3A_721 = tpu.assume_multiple %and3A_720, 8 : i32
      %dma_start3A_722 = arith.constant 136 : i32
      %dma_start3A_723 = arith.constant 0 : i32
      %dma_start3A_724 = tpu.memref_slice %arg10[%dma_start3A_722, %dma_start3A_723] : memref<256x16xf32, #tpu.memory_space<vmem>> -> memref<8x16xf32, #tpu.memory_space<vmem>>
      %dma_start3A_725 = arith.constant 0 : i32
      %dma_start3A_726 = tpu.memref_slice %arg4[%multiple_of3A_716, %dma_start3A_725] : memref<1000000x16xf32, #tpu.memory_space<hbm>> -> memref<8x16xf32, #tpu.memory_space<hbm>>
      %dma_start3A_727 = arith.constant 136 : i32
      %dma_start3A_728 = arith.constant 0 : i32
      %dma_start3A_729 = tpu.memref_slice %arg10[%dma_start3A_727, %dma_start3A_728] : memref<256x16xf32, #tpu.memory_space<vmem>> -> memref<8x16xf32, #tpu.memory_space<vmem>>
      %dma_start3A_730 = arith.constant 0 : i32
      %dma_start3A_731 = tpu.memref_slice %arg4[%multiple_of3A_716, %dma_start3A_730] : memref<1000000x16xf32, #tpu.memory_space<hbm>> -> memref<8x16xf32, #tpu.memory_space<hbm>>
      tpu.enqueue_dma source(%dma_start3A_731 : memref<8x16xf32, #tpu.memory_space<hbm>>) target(%dma_start3A_729 : memref<8x16xf32, #tpu.memory_space<vmem>>) target_semaphore(%arg14 : memref<!tpu.dma_semaphore, #tpu.memory_space<semaphore_mem>>)
      %dma_start3A_732 = arith.constant 136 : i32
      %dma_start3A_733 = arith.constant 0 : i32
      %dma_start3A_734 = tpu.memref_slice %arg11[%dma_start3A_732, %dma_start3A_733] : memref<256x16xf32, #tpu.memory_space<vmem>> -> memref<8x16xf32, #tpu.memory_space<vmem>>
      %dma_start3A_735 = arith.constant 0 : i32
      %dma_start3A_736 = tpu.memref_slice %arg5[%multiple_of3A_721, %dma_start3A_735] : memref<100000x16xf32, #tpu.memory_space<hbm>> -> memref<8x16xf32, #tpu.memory_space<hbm>>
      %dma_start3A_737 = arith.constant 136 : i32
      %dma_start3A_738 = arith.constant 0 : i32
      %dma_start3A_739 = tpu.memref_slice %arg11[%dma_start3A_737, %dma_start3A_738] : memref<256x16xf32, #tpu.memory_space<vmem>> -> memref<8x16xf32, #tpu.memory_space<vmem>>
      %dma_start3A_740 = arith.constant 0 : i32
      %dma_start3A_741 = tpu.memref_slice %arg5[%multiple_of3A_721, %dma_start3A_740] : memref<100000x16xf32, #tpu.memory_space<hbm>> -> memref<8x16xf32, #tpu.memory_space<hbm>>
      tpu.enqueue_dma source(%dma_start3A_741 : memref<8x16xf32, #tpu.memory_space<hbm>>) target(%dma_start3A_739 : memref<8x16xf32, #tpu.memory_space<vmem>>) target_semaphore(%arg14 : memref<!tpu.dma_semaphore, #tpu.memory_space<semaphore_mem>>)
      %dma_start3A_742 = arith.constant 136 : i32
      %dma_start3A_743 = arith.constant 0 : i32
      %dma_start3A_744 = tpu.memref_slice %arg12[%dma_start3A_742, %dma_start3A_743] : memref<256x16xf32, #tpu.memory_space<vmem>> -> memref<8x16xf32, #tpu.memory_space<vmem>>
      %dma_start3A_745 = arith.constant 0 : i32
      %dma_start3A_746 = tpu.memref_slice %arg6[%multiple_of3A_721, %dma_start3A_745] : memref<100000x16xf32, #tpu.memory_space<hbm>> -> memref<8x16xf32, #tpu.memory_space<hbm>>
      %dma_start3A_747 = arith.constant 136 : i32
      %dma_start3A_748 = arith.constant 0 : i32
      %dma_start3A_749 = tpu.memref_slice %arg12[%dma_start3A_747, %dma_start3A_748] : memref<256x16xf32, #tpu.memory_space<vmem>> -> memref<8x16xf32, #tpu.memory_space<vmem>>
      %dma_start3A_750 = arith.constant 0 : i32
      %dma_start3A_751 = tpu.memref_slice %arg6[%multiple_of3A_721, %dma_start3A_750] : memref<100000x16xf32, #tpu.memory_space<hbm>> -> memref<8x16xf32, #tpu.memory_space<hbm>>
      tpu.enqueue_dma source(%dma_start3A_751 : memref<8x16xf32, #tpu.memory_space<hbm>>) target(%dma_start3A_749 : memref<8x16xf32, #tpu.memory_space<vmem>>) target_semaphore(%arg14 : memref<!tpu.dma_semaphore, #tpu.memory_space<semaphore_mem>>)
      %slice3A_752 = vector.extract_strided_slice %get3A_665 {offsets = [2], sizes = [1], strides = [1]} : vector<16xi32> to vector<1xi32>
      %squeeze3A_753 = vector.extract %slice3A_752[0] : i32 from vector<1xi32>
      %and3A_754 = arith.constant -8 : i32
      %and3A_755 = arith.andi %squeeze3A_753, %and3A_754 : i32
      %multiple_of3A_756 = tpu.assume_multiple %and3A_755, 8 : i32
      %slice3A_757 = vector.extract_strided_slice %get3A_671 {offsets = [2], sizes = [1], strides = [1]} : vector<16xi32> to vector<1xi32>
      %squeeze3A_758 = vector.extract %slice3A_757[0] : i32 from vector<1xi32>
      %and3A_759 = arith.constant -8 : i32
      %and3A_760 = arith.andi %squeeze3A_758, %and3A_759 : i32
      %multiple_of3A_761 = tpu.assume_multiple %and3A_760, 8 : i32
      %dma_start3A_762 = arith.constant 144 : i32
      %dma_start3A_763 = arith.constant 0 : i32
      %dma_start3A_764 = tpu.memref_slice %arg10[%dma_start3A_762, %dma_start3A_763] : memref<256x16xf32, #tpu.memory_space<vmem>> -> memref<8x16xf32, #tpu.memory_space<vmem>>
      %dma_start3A_765 = arith.constant 0 : i32
      %dma_start3A_766 = tpu.memref_slice %arg4[%multiple_of3A_756, %dma_start3A_765] : memref<1000000x16xf32, #tpu.memory_space<hbm>> -> memref<8x16xf32, #tpu.memory_space<hbm>>
      %dma_start3A_767 = arith.constant 144 : i32
      %dma_start3A_768 = arith.constant 0 : i32
      %dma_start3A_769 = tpu.memref_slice %arg10[%dma_start3A_767, %dma_start3A_768] : memref<256x16xf32, #tpu.memory_space<vmem>> -> memref<8x16xf32, #tpu.memory_space<vmem>>
      %dma_start3A_770 = arith.constant 0 : i32
      %dma_start3A_771 = tpu.memref_slice %arg4[%multiple_of3A_756, %dma_start3A_770] : memref<1000000x16xf32, #tpu.memory_space<hbm>> -> memref<8x16xf32, #tpu.memory_space<hbm>>
      tpu.enqueue_dma source(%dma_start3A_771 : memref<8x16xf32, #tpu.memory_space<hbm>>) target(%dma_start3A_769 : memref<8x16xf32, #tpu.memory_space<vmem>>) target_semaphore(%arg14 : memref<!tpu.dma_semaphore, #tpu.memory_space<semaphore_mem>>)
      %dma_start3A_772 = arith.constant 144 : i32
      %dma_start3A_773 = arith.constant 0 : i32
      %dma_start3A_774 = tpu.memref_slice %arg11[%dma_start3A_772, %dma_start3A_773] : memref<256x16xf32, #tpu.memory_space<vmem>> -> memref<8x16xf32, #tpu.memory_space<vmem>>
      %dma_start3A_775 = arith.constant 0 : i32
      %dma_start3A_776 = tpu.memref_slice %arg5[%multiple_of3A_761, %dma_start3A_775] : memref<100000x16xf32, #tpu.memory_space<hbm>> -> memref<8x16xf32, #tpu.memory_space<hbm>>
      %dma_start3A_777 = arith.constant 144 : i32
      %dma_start3A_778 = arith.constant 0 : i32
      %dma_start3A_779 = tpu.memref_slice %arg11[%dma_start3A_777, %dma_start3A_778] : memref<256x16xf32, #tpu.memory_space<vmem>> -> memref<8x16xf32, #tpu.memory_space<vmem>>
      %dma_start3A_780 = arith.constant 0 : i32
      %dma_start3A_781 = tpu.memref_slice %arg5[%multiple_of3A_761, %dma_start3A_780] : memref<100000x16xf32, #tpu.memory_space<hbm>> -> memref<8x16xf32, #tpu.memory_space<hbm>>
      tpu.enqueue_dma source(%dma_start3A_781 : memref<8x16xf32, #tpu.memory_space<hbm>>) target(%dma_start3A_779 : memref<8x16xf32, #tpu.memory_space<vmem>>) target_semaphore(%arg14 : memref<!tpu.dma_semaphore, #tpu.memory_space<semaphore_mem>>)
      %dma_start3A_782 = arith.constant 144 : i32
      %dma_start3A_783 = arith.constant 0 : i32
      %dma_start3A_784 = tpu.memref_slice %arg12[%dma_start3A_782, %dma_start3A_783] : memref<256x16xf32, #tpu.memory_space<vmem>> -> memref<8x16xf32, #tpu.memory_space<vmem>>
      %dma_start3A_785 = arith.constant 0 : i32
      %dma_start3A_786 = tpu.memref_slice %arg6[%multiple_of3A_761, %dma_start3A_785] : memref<100000x16xf32, #tpu.memory_space<hbm>> -> memref<8x16xf32, #tpu.memory_space<hbm>>
      %dma_start3A_787 = arith.constant 144 : i32
      %dma_start3A_788 = arith.constant 0 : i32
      %dma_start3A_789 = tpu.memref_slice %arg12[%dma_start3A_787, %dma_start3A_788] : memref<256x16xf32, #tpu.memory_space<vmem>> -> memref<8x16xf32, #tpu.memory_space<vmem>>
      %dma_start3A_790 = arith.constant 0 : i32
      %dma_start3A_791 = tpu.memref_slice %arg6[%multiple_of3A_761, %dma_start3A_790] : memref<100000x16xf32, #tpu.memory_space<hbm>> -> memref<8x16xf32, #tpu.memory_space<hbm>>
      tpu.enqueue_dma source(%dma_start3A_791 : memref<8x16xf32, #tpu.memory_space<hbm>>) target(%dma_start3A_789 : memref<8x16xf32, #tpu.memory_space<vmem>>) target_semaphore(%arg14 : memref<!tpu.dma_semaphore, #tpu.memory_space<semaphore_mem>>)
      %slice3A_792 = vector.extract_strided_slice %get3A_665 {offsets = [3], sizes = [1], strides = [1]} : vector<16xi32> to vector<1xi32>
      %squeeze3A_793 = vector.extract %slice3A_792[0] : i32 from vector<1xi32>
      %and3A_794 = arith.constant -8 : i32
      %and3A_795 = arith.andi %squeeze3A_793, %and3A_794 : i32
      %multiple_of3A_796 = tpu.assume_multiple %and3A_795, 8 : i32
      %slice3A_797 = vector.extract_strided_slice %get3A_671 {offsets = [3], sizes = [1], strides = [1]} : vector<16xi32> to vector<1xi32>
      %squeeze3A_798 = vector.extract %slice3A_797[0] : i32 from vector<1xi32>
      %and3A_799 = arith.constant -8 : i32
      %and3A_800 = arith.andi %squeeze3A_798, %and3A_799 : i32
      %multiple_of3A_801 = tpu.assume_multiple %and3A_800, 8 : i32
      %dma_start3A_802 = arith.constant 152 : i32
      %dma_start3A_803 = arith.constant 0 : i32
      %dma_start3A_804 = tpu.memref_slice %arg10[%dma_start3A_802, %dma_start3A_803] : memref<256x16xf32, #tpu.memory_space<vmem>> -> memref<8x16xf32, #tpu.memory_space<vmem>>
      %dma_start3A_805 = arith.constant 0 : i32
      %dma_start3A_806 = tpu.memref_slice %arg4[%multiple_of3A_796, %dma_start3A_805] : memref<1000000x16xf32, #tpu.memory_space<hbm>> -> memref<8x16xf32, #tpu.memory_space<hbm>>
      %dma_start3A_807 = arith.constant 152 : i32
      %dma_start3A_808 = arith.constant 0 : i32
      %dma_start3A_809 = tpu.memref_slice %arg10[%dma_start3A_807, %dma_start3A_808] : memref<256x16xf32, #tpu.memory_space<vmem>> -> memref<8x16xf32, #tpu.memory_space<vmem>>
      %dma_start3A_810 = arith.constant 0 : i32
      %dma_start3A_811 = tpu.memref_slice %arg4[%multiple_of3A_796, %dma_start3A_810] : memref<1000000x16xf32, #tpu.memory_space<hbm>> -> memref<8x16xf32, #tpu.memory_space<hbm>>
      tpu.enqueue_dma source(%dma_start3A_811 : memref<8x16xf32, #tpu.memory_space<hbm>>) target(%dma_start3A_809 : memref<8x16xf32, #tpu.memory_space<vmem>>) target_semaphore(%arg14 : memref<!tpu.dma_semaphore, #tpu.memory_space<semaphore_mem>>)
      %dma_start3A_812 = arith.constant 152 : i32
      %dma_start3A_813 = arith.constant 0 : i32
      %dma_start3A_814 = tpu.memref_slice %arg11[%dma_start3A_812, %dma_start3A_813] : memref<256x16xf32, #tpu.memory_space<vmem>> -> memref<8x16xf32, #tpu.memory_space<vmem>>
      %dma_start3A_815 = arith.constant 0 : i32
      %dma_start3A_816 = tpu.memref_slice %arg5[%multiple_of3A_801, %dma_start3A_815] : memref<100000x16xf32, #tpu.memory_space<hbm>> -> memref<8x16xf32, #tpu.memory_space<hbm>>
      %dma_start3A_817 = arith.constant 152 : i32
      %dma_start3A_818 = arith.constant 0 : i32
      %dma_start3A_819 = tpu.memref_slice %arg11[%dma_start3A_817, %dma_start3A_818] : memref<256x16xf32, #tpu.memory_space<vmem>> -> memref<8x16xf32, #tpu.memory_space<vmem>>
      %dma_start3A_820 = arith.constant 0 : i32
      %dma_start3A_821 = tpu.memref_slice %arg5[%multiple_of3A_801, %dma_start3A_820] : memref<100000x16xf32, #tpu.memory_space<hbm>> -> memref<8x16xf32, #tpu.memory_space<hbm>>
      tpu.enqueue_dma source(%dma_start3A_821 : memref<8x16xf32, #tpu.memory_space<hbm>>) target(%dma_start3A_819 : memref<8x16xf32, #tpu.memory_space<vmem>>) target_semaphore(%arg14 : memref<!tpu.dma_semaphore, #tpu.memory_space<semaphore_mem>>)
      %dma_start3A_822 = arith.constant 152 : i32
      %dma_start3A_823 = arith.constant 0 : i32
      %dma_start3A_824 = tpu.memref_slice %arg12[%dma_start3A_822, %dma_start3A_823] : memref<256x16xf32, #tpu.memory_space<vmem>> -> memref<8x16xf32, #tpu.memory_space<vmem>>
      %dma_start3A_825 = arith.constant 0 : i32
      %dma_start3A_826 = tpu.memref_slice %arg6[%multiple_of3A_801, %dma_start3A_825] : memref<100000x16xf32, #tpu.memory_space<hbm>> -> memref<8x16xf32, #tpu.memory_space<hbm>>
      %dma_start3A_827 = arith.constant 152 : i32
      %dma_start3A_828 = arith.constant 0 : i32
      %dma_start3A_829 = tpu.memref_slice %arg12[%dma_start3A_827, %dma_start3A_828] : memref<256x16xf32, #tpu.memory_space<vmem>> -> memref<8x16xf32, #tpu.memory_space<vmem>>
      %dma_start3A_830 = arith.constant 0 : i32
      %dma_start3A_831 = tpu.memref_slice %arg6[%multiple_of3A_801, %dma_start3A_830] : memref<100000x16xf32, #tpu.memory_space<hbm>> -> memref<8x16xf32, #tpu.memory_space<hbm>>
      tpu.enqueue_dma source(%dma_start3A_831 : memref<8x16xf32, #tpu.memory_space<hbm>>) target(%dma_start3A_829 : memref<8x16xf32, #tpu.memory_space<vmem>>) target_semaphore(%arg14 : memref<!tpu.dma_semaphore, #tpu.memory_space<semaphore_mem>>)
      %slice3A_832 = vector.extract_strided_slice %get3A_665 {offsets = [4], sizes = [1], strides = [1]} : vector<16xi32> to vector<1xi32>
      %squeeze3A_833 = vector.extract %slice3A_832[0] : i32 from vector<1xi32>
      %and3A_834 = arith.constant -8 : i32
      %and3A_835 = arith.andi %squeeze3A_833, %and3A_834 : i32
      %multiple_of3A_836 = tpu.assume_multiple %and3A_835, 8 : i32
      %slice3A_837 = vector.extract_strided_slice %get3A_671 {offsets = [4], sizes = [1], strides = [1]} : vector<16xi32> to vector<1xi32>
      %squeeze3A_838 = vector.extract %slice3A_837[0] : i32 from vector<1xi32>
      %and3A_839 = arith.constant -8 : i32
      %and3A_840 = arith.andi %squeeze3A_838, %and3A_839 : i32
      %multiple_of3A_841 = tpu.assume_multiple %and3A_840, 8 : i32
      %dma_start3A_842 = arith.constant 160 : i32
      %dma_start3A_843 = arith.constant 0 : i32
      %dma_start3A_844 = tpu.memref_slice %arg10[%dma_start3A_842, %dma_start3A_843] : memref<256x16xf32, #tpu.memory_space<vmem>> -> memref<8x16xf32, #tpu.memory_space<vmem>>
      %dma_start3A_845 = arith.constant 0 : i32
      %dma_start3A_846 = tpu.memref_slice %arg4[%multiple_of3A_836, %dma_start3A_845] : memref<1000000x16xf32, #tpu.memory_space<hbm>> -> memref<8x16xf32, #tpu.memory_space<hbm>>
      %dma_start3A_847 = arith.constant 160 : i32
      %dma_start3A_848 = arith.constant 0 : i32
      %dma_start3A_849 = tpu.memref_slice %arg10[%dma_start3A_847, %dma_start3A_848] : memref<256x16xf32, #tpu.memory_space<vmem>> -> memref<8x16xf32, #tpu.memory_space<vmem>>
      %dma_start3A_850 = arith.constant 0 : i32
      %dma_start3A_851 = tpu.memref_slice %arg4[%multiple_of3A_836, %dma_start3A_850] : memref<1000000x16xf32, #tpu.memory_space<hbm>> -> memref<8x16xf32, #tpu.memory_space<hbm>>
      tpu.enqueue_dma source(%dma_start3A_851 : memref<8x16xf32, #tpu.memory_space<hbm>>) target(%dma_start3A_849 : memref<8x16xf32, #tpu.memory_space<vmem>>) target_semaphore(%arg14 : memref<!tpu.dma_semaphore, #tpu.memory_space<semaphore_mem>>)
      %dma_start3A_852 = arith.constant 160 : i32
      %dma_start3A_853 = arith.constant 0 : i32
      %dma_start3A_854 = tpu.memref_slice %arg11[%dma_start3A_852, %dma_start3A_853] : memref<256x16xf32, #tpu.memory_space<vmem>> -> memref<8x16xf32, #tpu.memory_space<vmem>>
      %dma_start3A_855 = arith.constant 0 : i32
      %dma_start3A_856 = tpu.memref_slice %arg5[%multiple_of3A_841, %dma_start3A_855] : memref<100000x16xf32, #tpu.memory_space<hbm>> -> memref<8x16xf32, #tpu.memory_space<hbm>>
      %dma_start3A_857 = arith.constant 160 : i32
      %dma_start3A_858 = arith.constant 0 : i32
      %dma_start3A_859 = tpu.memref_slice %arg11[%dma_start3A_857, %dma_start3A_858] : memref<256x16xf32, #tpu.memory_space<vmem>> -> memref<8x16xf32, #tpu.memory_space<vmem>>
      %dma_start3A_860 = arith.constant 0 : i32
      %dma_start3A_861 = tpu.memref_slice %arg5[%multiple_of3A_841, %dma_start3A_860] : memref<100000x16xf32, #tpu.memory_space<hbm>> -> memref<8x16xf32, #tpu.memory_space<hbm>>
      tpu.enqueue_dma source(%dma_start3A_861 : memref<8x16xf32, #tpu.memory_space<hbm>>) target(%dma_start3A_859 : memref<8x16xf32, #tpu.memory_space<vmem>>) target_semaphore(%arg14 : memref<!tpu.dma_semaphore, #tpu.memory_space<semaphore_mem>>)
      %dma_start3A_862 = arith.constant 160 : i32
      %dma_start3A_863 = arith.constant 0 : i32
      %dma_start3A_864 = tpu.memref_slice %arg12[%dma_start3A_862, %dma_start3A_863] : memref<256x16xf32, #tpu.memory_space<vmem>> -> memref<8x16xf32, #tpu.memory_space<vmem>>
      %dma_start3A_865 = arith.constant 0 : i32
      %dma_start3A_866 = tpu.memref_slice %arg6[%multiple_of3A_841, %dma_start3A_865] : memref<100000x16xf32, #tpu.memory_space<hbm>> -> memref<8x16xf32, #tpu.memory_space<hbm>>
      %dma_start3A_867 = arith.constant 160 : i32
      %dma_start3A_868 = arith.constant 0 : i32
      %dma_start3A_869 = tpu.memref_slice %arg12[%dma_start3A_867, %dma_start3A_868] : memref<256x16xf32, #tpu.memory_space<vmem>> -> memref<8x16xf32, #tpu.memory_space<vmem>>
      %dma_start3A_870 = arith.constant 0 : i32
      %dma_start3A_871 = tpu.memref_slice %arg6[%multiple_of3A_841, %dma_start3A_870] : memref<100000x16xf32, #tpu.memory_space<hbm>> -> memref<8x16xf32, #tpu.memory_space<hbm>>
      tpu.enqueue_dma source(%dma_start3A_871 : memref<8x16xf32, #tpu.memory_space<hbm>>) target(%dma_start3A_869 : memref<8x16xf32, #tpu.memory_space<vmem>>) target_semaphore(%arg14 : memref<!tpu.dma_semaphore, #tpu.memory_space<semaphore_mem>>)
      %slice3A_872 = vector.extract_strided_slice %get3A_665 {offsets = [5], sizes = [1], strides = [1]} : vector<16xi32> to vector<1xi32>
      %squeeze3A_873 = vector.extract %slice3A_872[0] : i32 from vector<1xi32>
      %and3A_874 = arith.constant -8 : i32
      %and3A_875 = arith.andi %squeeze3A_873, %and3A_874 : i32
      %multiple_of3A_876 = tpu.assume_multiple %and3A_875, 8 : i32
      %slice3A_877 = vector.extract_strided_slice %get3A_671 {offsets = [5], sizes = [1], strides = [1]} : vector<16xi32> to vector<1xi32>
      %squeeze3A_878 = vector.extract %slice3A_877[0] : i32 from vector<1xi32>
      %and3A_879 = arith.constant -8 : i32
      %and3A_880 = arith.andi %squeeze3A_878, %and3A_879 : i32
      %multiple_of3A_881 = tpu.assume_multiple %and3A_880, 8 : i32
      %dma_start3A_882 = arith.constant 168 : i32
      %dma_start3A_883 = arith.constant 0 : i32
      %dma_start3A_884 = tpu.memref_slice %arg10[%dma_start3A_882, %dma_start3A_883] : memref<256x16xf32, #tpu.memory_space<vmem>> -> memref<8x16xf32, #tpu.memory_space<vmem>>
      %dma_start3A_885 = arith.constant 0 : i32
      %dma_start3A_886 = tpu.memref_slice %arg4[%multiple_of3A_876, %dma_start3A_885] : memref<1000000x16xf32, #tpu.memory_space<hbm>> -> memref<8x16xf32, #tpu.memory_space<hbm>>
      %dma_start3A_887 = arith.constant 168 : i32
      %dma_start3A_888 = arith.constant 0 : i32
      %dma_start3A_889 = tpu.memref_slice %arg10[%dma_start3A_887, %dma_start3A_888] : memref<256x16xf32, #tpu.memory_space<vmem>> -> memref<8x16xf32, #tpu.memory_space<vmem>>
      %dma_start3A_890 = arith.constant 0 : i32
      %dma_start3A_891 = tpu.memref_slice %arg4[%multiple_of3A_876, %dma_start3A_890] : memref<1000000x16xf32, #tpu.memory_space<hbm>> -> memref<8x16xf32, #tpu.memory_space<hbm>>
      tpu.enqueue_dma source(%dma_start3A_891 : memref<8x16xf32, #tpu.memory_space<hbm>>) target(%dma_start3A_889 : memref<8x16xf32, #tpu.memory_space<vmem>>) target_semaphore(%arg14 : memref<!tpu.dma_semaphore, #tpu.memory_space<semaphore_mem>>)
      %dma_start3A_892 = arith.constant 168 : i32
      %dma_start3A_893 = arith.constant 0 : i32
      %dma_start3A_894 = tpu.memref_slice %arg11[%dma_start3A_892, %dma_start3A_893] : memref<256x16xf32, #tpu.memory_space<vmem>> -> memref<8x16xf32, #tpu.memory_space<vmem>>
      %dma_start3A_895 = arith.constant 0 : i32
      %dma_start3A_896 = tpu.memref_slice %arg5[%multiple_of3A_881, %dma_start3A_895] : memref<100000x16xf32, #tpu.memory_space<hbm>> -> memref<8x16xf32, #tpu.memory_space<hbm>>
      %dma_start3A_897 = arith.constant 168 : i32
      %dma_start3A_898 = arith.constant 0 : i32
      %dma_start3A_899 = tpu.memref_slice %arg11[%dma_start3A_897, %dma_start3A_898] : memref<256x16xf32, #tpu.memory_space<vmem>> -> memref<8x16xf32, #tpu.memory_space<vmem>>
      %dma_start3A_900 = arith.constant 0 : i32
      %dma_start3A_901 = tpu.memref_slice %arg5[%multiple_of3A_881, %dma_start3A_900] : memref<100000x16xf32, #tpu.memory_space<hbm>> -> memref<8x16xf32, #tpu.memory_space<hbm>>
      tpu.enqueue_dma source(%dma_start3A_901 : memref<8x16xf32, #tpu.memory_space<hbm>>) target(%dma_start3A_899 : memref<8x16xf32, #tpu.memory_space<vmem>>) target_semaphore(%arg14 : memref<!tpu.dma_semaphore, #tpu.memory_space<semaphore_mem>>)
      %dma_start3A_902 = arith.constant 168 : i32
      %dma_start3A_903 = arith.constant 0 : i32
      %dma_start3A_904 = tpu.memref_slice %arg12[%dma_start3A_902, %dma_start3A_903] : memref<256x16xf32, #tpu.memory_space<vmem>> -> memref<8x16xf32, #tpu.memory_space<vmem>>
      %dma_start3A_905 = arith.constant 0 : i32
      %dma_start3A_906 = tpu.memref_slice %arg6[%multiple_of3A_881, %dma_start3A_905] : memref<100000x16xf32, #tpu.memory_space<hbm>> -> memref<8x16xf32, #tpu.memory_space<hbm>>
      %dma_start3A_907 = arith.constant 168 : i32
      %dma_start3A_908 = arith.constant 0 : i32
      %dma_start3A_909 = tpu.memref_slice %arg12[%dma_start3A_907, %dma_start3A_908] : memref<256x16xf32, #tpu.memory_space<vmem>> -> memref<8x16xf32, #tpu.memory_space<vmem>>
      %dma_start3A_910 = arith.constant 0 : i32
      %dma_start3A_911 = tpu.memref_slice %arg6[%multiple_of3A_881, %dma_start3A_910] : memref<100000x16xf32, #tpu.memory_space<hbm>> -> memref<8x16xf32, #tpu.memory_space<hbm>>
      tpu.enqueue_dma source(%dma_start3A_911 : memref<8x16xf32, #tpu.memory_space<hbm>>) target(%dma_start3A_909 : memref<8x16xf32, #tpu.memory_space<vmem>>) target_semaphore(%arg14 : memref<!tpu.dma_semaphore, #tpu.memory_space<semaphore_mem>>)
      %slice3A_912 = vector.extract_strided_slice %get3A_665 {offsets = [6], sizes = [1], strides = [1]} : vector<16xi32> to vector<1xi32>
      %squeeze3A_913 = vector.extract %slice3A_912[0] : i32 from vector<1xi32>
      %and3A_914 = arith.constant -8 : i32
      %and3A_915 = arith.andi %squeeze3A_913, %and3A_914 : i32
      %multiple_of3A_916 = tpu.assume_multiple %and3A_915, 8 : i32
      %slice3A_917 = vector.extract_strided_slice %get3A_671 {offsets = [6], sizes = [1], strides = [1]} : vector<16xi32> to vector<1xi32>
      %squeeze3A_918 = vector.extract %slice3A_917[0] : i32 from vector<1xi32>
      %and3A_919 = arith.constant -8 : i32
      %and3A_920 = arith.andi %squeeze3A_918, %and3A_919 : i32
      %multiple_of3A_921 = tpu.assume_multiple %and3A_920, 8 : i32
      %dma_start3A_922 = arith.constant 176 : i32
      %dma_start3A_923 = arith.constant 0 : i32
      %dma_start3A_924 = tpu.memref_slice %arg10[%dma_start3A_922, %dma_start3A_923] : memref<256x16xf32, #tpu.memory_space<vmem>> -> memref<8x16xf32, #tpu.memory_space<vmem>>
      %dma_start3A_925 = arith.constant 0 : i32
      %dma_start3A_926 = tpu.memref_slice %arg4[%multiple_of3A_916, %dma_start3A_925] : memref<1000000x16xf32, #tpu.memory_space<hbm>> -> memref<8x16xf32, #tpu.memory_space<hbm>>
      %dma_start3A_927 = arith.constant 176 : i32
      %dma_start3A_928 = arith.constant 0 : i32
      %dma_start3A_929 = tpu.memref_slice %arg10[%dma_start3A_927, %dma_start3A_928] : memref<256x16xf32, #tpu.memory_space<vmem>> -> memref<8x16xf32, #tpu.memory_space<vmem>>
      %dma_start3A_930 = arith.constant 0 : i32
      %dma_start3A_931 = tpu.memref_slice %arg4[%multiple_of3A_916, %dma_start3A_930] : memref<1000000x16xf32, #tpu.memory_space<hbm>> -> memref<8x16xf32, #tpu.memory_space<hbm>>
      tpu.enqueue_dma source(%dma_start3A_931 : memref<8x16xf32, #tpu.memory_space<hbm>>) target(%dma_start3A_929 : memref<8x16xf32, #tpu.memory_space<vmem>>) target_semaphore(%arg14 : memref<!tpu.dma_semaphore, #tpu.memory_space<semaphore_mem>>)
      %dma_start3A_932 = arith.constant 176 : i32
      %dma_start3A_933 = arith.constant 0 : i32
      %dma_start3A_934 = tpu.memref_slice %arg11[%dma_start3A_932, %dma_start3A_933] : memref<256x16xf32, #tpu.memory_space<vmem>> -> memref<8x16xf32, #tpu.memory_space<vmem>>
      %dma_start3A_935 = arith.constant 0 : i32
      %dma_start3A_936 = tpu.memref_slice %arg5[%multiple_of3A_921, %dma_start3A_935] : memref<100000x16xf32, #tpu.memory_space<hbm>> -> memref<8x16xf32, #tpu.memory_space<hbm>>
      %dma_start3A_937 = arith.constant 176 : i32
      %dma_start3A_938 = arith.constant 0 : i32
      %dma_start3A_939 = tpu.memref_slice %arg11[%dma_start3A_937, %dma_start3A_938] : memref<256x16xf32, #tpu.memory_space<vmem>> -> memref<8x16xf32, #tpu.memory_space<vmem>>
      %dma_start3A_940 = arith.constant 0 : i32
      %dma_start3A_941 = tpu.memref_slice %arg5[%multiple_of3A_921, %dma_start3A_940] : memref<100000x16xf32, #tpu.memory_space<hbm>> -> memref<8x16xf32, #tpu.memory_space<hbm>>
      tpu.enqueue_dma source(%dma_start3A_941 : memref<8x16xf32, #tpu.memory_space<hbm>>) target(%dma_start3A_939 : memref<8x16xf32, #tpu.memory_space<vmem>>) target_semaphore(%arg14 : memref<!tpu.dma_semaphore, #tpu.memory_space<semaphore_mem>>)
      %dma_start3A_942 = arith.constant 176 : i32
      %dma_start3A_943 = arith.constant 0 : i32
      %dma_start3A_944 = tpu.memref_slice %arg12[%dma_start3A_942, %dma_start3A_943] : memref<256x16xf32, #tpu.memory_space<vmem>> -> memref<8x16xf32, #tpu.memory_space<vmem>>
      %dma_start3A_945 = arith.constant 0 : i32
      %dma_start3A_946 = tpu.memref_slice %arg6[%multiple_of3A_921, %dma_start3A_945] : memref<100000x16xf32, #tpu.memory_space<hbm>> -> memref<8x16xf32, #tpu.memory_space<hbm>>
      %dma_start3A_947 = arith.constant 176 : i32
      %dma_start3A_948 = arith.constant 0 : i32
      %dma_start3A_949 = tpu.memref_slice %arg12[%dma_start3A_947, %dma_start3A_948] : memref<256x16xf32, #tpu.memory_space<vmem>> -> memref<8x16xf32, #tpu.memory_space<vmem>>
      %dma_start3A_950 = arith.constant 0 : i32
      %dma_start3A_951 = tpu.memref_slice %arg6[%multiple_of3A_921, %dma_start3A_950] : memref<100000x16xf32, #tpu.memory_space<hbm>> -> memref<8x16xf32, #tpu.memory_space<hbm>>
      tpu.enqueue_dma source(%dma_start3A_951 : memref<8x16xf32, #tpu.memory_space<hbm>>) target(%dma_start3A_949 : memref<8x16xf32, #tpu.memory_space<vmem>>) target_semaphore(%arg14 : memref<!tpu.dma_semaphore, #tpu.memory_space<semaphore_mem>>)
      %slice3A_952 = vector.extract_strided_slice %get3A_665 {offsets = [7], sizes = [1], strides = [1]} : vector<16xi32> to vector<1xi32>
      %squeeze3A_953 = vector.extract %slice3A_952[0] : i32 from vector<1xi32>
      %and3A_954 = arith.constant -8 : i32
      %and3A_955 = arith.andi %squeeze3A_953, %and3A_954 : i32
      %multiple_of3A_956 = tpu.assume_multiple %and3A_955, 8 : i32
      %slice3A_957 = vector.extract_strided_slice %get3A_671 {offsets = [7], sizes = [1], strides = [1]} : vector<16xi32> to vector<1xi32>
      %squeeze3A_958 = vector.extract %slice3A_957[0] : i32 from vector<1xi32>
      %and3A_959 = arith.constant -8 : i32
      %and3A_960 = arith.andi %squeeze3A_958, %and3A_959 : i32
      %multiple_of3A_961 = tpu.assume_multiple %and3A_960, 8 : i32
      %dma_start3A_962 = arith.constant 184 : i32
      %dma_start3A_963 = arith.constant 0 : i32
      %dma_start3A_964 = tpu.memref_slice %arg10[%dma_start3A_962, %dma_start3A_963] : memref<256x16xf32, #tpu.memory_space<vmem>> -> memref<8x16xf32, #tpu.memory_space<vmem>>
      %dma_start3A_965 = arith.constant 0 : i32
      %dma_start3A_966 = tpu.memref_slice %arg4[%multiple_of3A_956, %dma_start3A_965] : memref<1000000x16xf32, #tpu.memory_space<hbm>> -> memref<8x16xf32, #tpu.memory_space<hbm>>
      %dma_start3A_967 = arith.constant 184 : i32
      %dma_start3A_968 = arith.constant 0 : i32
      %dma_start3A_969 = tpu.memref_slice %arg10[%dma_start3A_967, %dma_start3A_968] : memref<256x16xf32, #tpu.memory_space<vmem>> -> memref<8x16xf32, #tpu.memory_space<vmem>>
      %dma_start3A_970 = arith.constant 0 : i32
      %dma_start3A_971 = tpu.memref_slice %arg4[%multiple_of3A_956, %dma_start3A_970] : memref<1000000x16xf32, #tpu.memory_space<hbm>> -> memref<8x16xf32, #tpu.memory_space<hbm>>
      tpu.enqueue_dma source(%dma_start3A_971 : memref<8x16xf32, #tpu.memory_space<hbm>>) target(%dma_start3A_969 : memref<8x16xf32, #tpu.memory_space<vmem>>) target_semaphore(%arg14 : memref<!tpu.dma_semaphore, #tpu.memory_space<semaphore_mem>>)
      %dma_start3A_972 = arith.constant 184 : i32
      %dma_start3A_973 = arith.constant 0 : i32
      %dma_start3A_974 = tpu.memref_slice %arg11[%dma_start3A_972, %dma_start3A_973] : memref<256x16xf32, #tpu.memory_space<vmem>> -> memref<8x16xf32, #tpu.memory_space<vmem>>
      %dma_start3A_975 = arith.constant 0 : i32
      %dma_start3A_976 = tpu.memref_slice %arg5[%multiple_of3A_961, %dma_start3A_975] : memref<100000x16xf32, #tpu.memory_space<hbm>> -> memref<8x16xf32, #tpu.memory_space<hbm>>
      %dma_start3A_977 = arith.constant 184 : i32
      %dma_start3A_978 = arith.constant 0 : i32
      %dma_start3A_979 = tpu.memref_slice %arg11[%dma_start3A_977, %dma_start3A_978] : memref<256x16xf32, #tpu.memory_space<vmem>> -> memref<8x16xf32, #tpu.memory_space<vmem>>
      %dma_start3A_980 = arith.constant 0 : i32
      %dma_start3A_981 = tpu.memref_slice %arg5[%multiple_of3A_961, %dma_start3A_980] : memref<100000x16xf32, #tpu.memory_space<hbm>> -> memref<8x16xf32, #tpu.memory_space<hbm>>
      tpu.enqueue_dma source(%dma_start3A_981 : memref<8x16xf32, #tpu.memory_space<hbm>>) target(%dma_start3A_979 : memref<8x16xf32, #tpu.memory_space<vmem>>) target_semaphore(%arg14 : memref<!tpu.dma_semaphore, #tpu.memory_space<semaphore_mem>>)
      %dma_start3A_982 = arith.constant 184 : i32
      %dma_start3A_983 = arith.constant 0 : i32
      %dma_start3A_984 = tpu.memref_slice %arg12[%dma_start3A_982, %dma_start3A_983] : memref<256x16xf32, #tpu.memory_space<vmem>> -> memref<8x16xf32, #tpu.memory_space<vmem>>
      %dma_start3A_985 = arith.constant 0 : i32
      %dma_start3A_986 = tpu.memref_slice %arg6[%multiple_of3A_961, %dma_start3A_985] : memref<100000x16xf32, #tpu.memory_space<hbm>> -> memref<8x16xf32, #tpu.memory_space<hbm>>
      %dma_start3A_987 = arith.constant 184 : i32
      %dma_start3A_988 = arith.constant 0 : i32
      %dma_start3A_989 = tpu.memref_slice %arg12[%dma_start3A_987, %dma_start3A_988] : memref<256x16xf32, #tpu.memory_space<vmem>> -> memref<8x16xf32, #tpu.memory_space<vmem>>
      %dma_start3A_990 = arith.constant 0 : i32
      %dma_start3A_991 = tpu.memref_slice %arg6[%multiple_of3A_961, %dma_start3A_990] : memref<100000x16xf32, #tpu.memory_space<hbm>> -> memref<8x16xf32, #tpu.memory_space<hbm>>
      tpu.enqueue_dma source(%dma_start3A_991 : memref<8x16xf32, #tpu.memory_space<hbm>>) target(%dma_start3A_989 : memref<8x16xf32, #tpu.memory_space<vmem>>) target_semaphore(%arg14 : memref<!tpu.dma_semaphore, #tpu.memory_space<semaphore_mem>>)
      %slice3A_992 = vector.extract_strided_slice %get3A_665 {offsets = [8], sizes = [1], strides = [1]} : vector<16xi32> to vector<1xi32>
      %squeeze3A_993 = vector.extract %slice3A_992[0] : i32 from vector<1xi32>
      %and3A_994 = arith.constant -8 : i32
      %and3A_995 = arith.andi %squeeze3A_993, %and3A_994 : i32
      %multiple_of3A_996 = tpu.assume_multiple %and3A_995, 8 : i32
      %slice3A_997 = vector.extract_strided_slice %get3A_671 {offsets = [8], sizes = [1], strides = [1]} : vector<16xi32> to vector<1xi32>
      %squeeze3A_998 = vector.extract %slice3A_997[0] : i32 from vector<1xi32>
      %and3A_999 = arith.constant -8 : i32
      %and3A_1000 = arith.andi %squeeze3A_998, %and3A_999 : i32
      %multiple_of3A_1001 = tpu.assume_multiple %and3A_1000, 8 : i32
      %dma_start3A_1002 = arith.constant 192 : i32
      %dma_start3A_1003 = arith.constant 0 : i32
      %dma_start3A_1004 = tpu.memref_slice %arg10[%dma_start3A_1002, %dma_start3A_1003] : memref<256x16xf32, #tpu.memory_space<vmem>> -> memref<8x16xf32, #tpu.memory_space<vmem>>
      %dma_start3A_1005 = arith.constant 0 : i32
      %dma_start3A_1006 = tpu.memref_slice %arg4[%multiple_of3A_996, %dma_start3A_1005] : memref<1000000x16xf32, #tpu.memory_space<hbm>> -> memref<8x16xf32, #tpu.memory_space<hbm>>
      %dma_start3A_1007 = arith.constant 192 : i32
      %dma_start3A_1008 = arith.constant 0 : i32
      %dma_start3A_1009 = tpu.memref_slice %arg10[%dma_start3A_1007, %dma_start3A_1008] : memref<256x16xf32, #tpu.memory_space<vmem>> -> memref<8x16xf32, #tpu.memory_space<vmem>>
      %dma_start3A_1010 = arith.constant 0 : i32
      %dma_start3A_1011 = tpu.memref_slice %arg4[%multiple_of3A_996, %dma_start3A_1010] : memref<1000000x16xf32, #tpu.memory_space<hbm>> -> memref<8x16xf32, #tpu.memory_space<hbm>>
      tpu.enqueue_dma source(%dma_start3A_1011 : memref<8x16xf32, #tpu.memory_space<hbm>>) target(%dma_start3A_1009 : memref<8x16xf32, #tpu.memory_space<vmem>>) target_semaphore(%arg14 : memref<!tpu.dma_semaphore, #tpu.memory_space<semaphore_mem>>)
      %dma_start3A_1012 = arith.constant 192 : i32
      %dma_start3A_1013 = arith.constant 0 : i32
      %dma_start3A_1014 = tpu.memref_slice %arg11[%dma_start3A_1012, %dma_start3A_1013] : memref<256x16xf32, #tpu.memory_space<vmem>> -> memref<8x16xf32, #tpu.memory_space<vmem>>
      %dma_start3A_1015 = arith.constant 0 : i32
      %dma_start3A_1016 = tpu.memref_slice %arg5[%multiple_of3A_1001, %dma_start3A_1015] : memref<100000x16xf32, #tpu.memory_space<hbm>> -> memref<8x16xf32, #tpu.memory_space<hbm>>
      %dma_start3A_1017 = arith.constant 192 : i32
      %dma_start3A_1018 = arith.constant 0 : i32
      %dma_start3A_1019 = tpu.memref_slice %arg11[%dma_start3A_1017, %dma_start3A_1018] : memref<256x16xf32, #tpu.memory_space<vmem>> -> memref<8x16xf32, #tpu.memory_space<vmem>>
      %dma_start3A_1020 = arith.constant 0 : i32
      %dma_start3A_1021 = tpu.memref_slice %arg5[%multiple_of3A_1001, %dma_start3A_1020] : memref<100000x16xf32, #tpu.memory_space<hbm>> -> memref<8x16xf32, #tpu.memory_space<hbm>>
      tpu.enqueue_dma source(%dma_start3A_1021 : memref<8x16xf32, #tpu.memory_space<hbm>>) target(%dma_start3A_1019 : memref<8x16xf32, #tpu.memory_space<vmem>>) target_semaphore(%arg14 : memref<!tpu.dma_semaphore, #tpu.memory_space<semaphore_mem>>)
      %dma_start3A_1022 = arith.constant 192 : i32
      %dma_start3A_1023 = arith.constant 0 : i32
      %dma_start3A_1024 = tpu.memref_slice %arg12[%dma_start3A_1022, %dma_start3A_1023] : memref<256x16xf32, #tpu.memory_space<vmem>> -> memref<8x16xf32, #tpu.memory_space<vmem>>
      %dma_start3A_1025 = arith.constant 0 : i32
      %dma_start3A_1026 = tpu.memref_slice %arg6[%multiple_of3A_1001, %dma_start3A_1025] : memref<100000x16xf32, #tpu.memory_space<hbm>> -> memref<8x16xf32, #tpu.memory_space<hbm>>
      %dma_start3A_1027 = arith.constant 192 : i32
      %dma_start3A_1028 = arith.constant 0 : i32
      %dma_start3A_1029 = tpu.memref_slice %arg12[%dma_start3A_1027, %dma_start3A_1028] : memref<256x16xf32, #tpu.memory_space<vmem>> -> memref<8x16xf32, #tpu.memory_space<vmem>>
      %dma_start3A_1030 = arith.constant 0 : i32
      %dma_start3A_1031 = tpu.memref_slice %arg6[%multiple_of3A_1001, %dma_start3A_1030] : memref<100000x16xf32, #tpu.memory_space<hbm>> -> memref<8x16xf32, #tpu.memory_space<hbm>>
      tpu.enqueue_dma source(%dma_start3A_1031 : memref<8x16xf32, #tpu.memory_space<hbm>>) target(%dma_start3A_1029 : memref<8x16xf32, #tpu.memory_space<vmem>>) target_semaphore(%arg14 : memref<!tpu.dma_semaphore, #tpu.memory_space<semaphore_mem>>)
      %slice3A_1032 = vector.extract_strided_slice %get3A_665 {offsets = [9], sizes = [1], strides = [1]} : vector<16xi32> to vector<1xi32>
      %squeeze3A_1033 = vector.extract %slice3A_1032[0] : i32 from vector<1xi32>
      %and3A_1034 = arith.constant -8 : i32
      %and3A_1035 = arith.andi %squeeze3A_1033, %and3A_1034 : i32
      %multiple_of3A_1036 = tpu.assume_multiple %and3A_1035, 8 : i32
      %slice3A_1037 = vector.extract_strided_slice %get3A_671 {offsets = [9], sizes = [1], strides = [1]} : vector<16xi32> to vector<1xi32>
      %squeeze3A_1038 = vector.extract %slice3A_1037[0] : i32 from vector<1xi32>
      %and3A_1039 = arith.constant -8 : i32
      %and3A_1040 = arith.andi %squeeze3A_1038, %and3A_1039 : i32
      %multiple_of3A_1041 = tpu.assume_multiple %and3A_1040, 8 : i32
      %dma_start3A_1042 = arith.constant 200 : i32
      %dma_start3A_1043 = arith.constant 0 : i32
      %dma_start3A_1044 = tpu.memref_slice %arg10[%dma_start3A_1042, %dma_start3A_1043] : memref<256x16xf32, #tpu.memory_space<vmem>> -> memref<8x16xf32, #tpu.memory_space<vmem>>
      %dma_start3A_1045 = arith.constant 0 : i32
      %dma_start3A_1046 = tpu.memref_slice %arg4[%multiple_of3A_1036, %dma_start3A_1045] : memref<1000000x16xf32, #tpu.memory_space<hbm>> -> memref<8x16xf32, #tpu.memory_space<hbm>>
      %dma_start3A_1047 = arith.constant 200 : i32
      %dma_start3A_1048 = arith.constant 0 : i32
      %dma_start3A_1049 = tpu.memref_slice %arg10[%dma_start3A_1047, %dma_start3A_1048] : memref<256x16xf32, #tpu.memory_space<vmem>> -> memref<8x16xf32, #tpu.memory_space<vmem>>
      %dma_start3A_1050 = arith.constant 0 : i32
      %dma_start3A_1051 = tpu.memref_slice %arg4[%multiple_of3A_1036, %dma_start3A_1050] : memref<1000000x16xf32, #tpu.memory_space<hbm>> -> memref<8x16xf32, #tpu.memory_space<hbm>>
      tpu.enqueue_dma source(%dma_start3A_1051 : memref<8x16xf32, #tpu.memory_space<hbm>>) target(%dma_start3A_1049 : memref<8x16xf32, #tpu.memory_space<vmem>>) target_semaphore(%arg14 : memref<!tpu.dma_semaphore, #tpu.memory_space<semaphore_mem>>)
      %dma_start3A_1052 = arith.constant 200 : i32
      %dma_start3A_1053 = arith.constant 0 : i32
      %dma_start3A_1054 = tpu.memref_slice %arg11[%dma_start3A_1052, %dma_start3A_1053] : memref<256x16xf32, #tpu.memory_space<vmem>> -> memref<8x16xf32, #tpu.memory_space<vmem>>
      %dma_start3A_1055 = arith.constant 0 : i32
      %dma_start3A_1056 = tpu.memref_slice %arg5[%multiple_of3A_1041, %dma_start3A_1055] : memref<100000x16xf32, #tpu.memory_space<hbm>> -> memref<8x16xf32, #tpu.memory_space<hbm>>
      %dma_start3A_1057 = arith.constant 200 : i32
      %dma_start3A_1058 = arith.constant 0 : i32
      %dma_start3A_1059 = tpu.memref_slice %arg11[%dma_start3A_1057, %dma_start3A_1058] : memref<256x16xf32, #tpu.memory_space<vmem>> -> memref<8x16xf32, #tpu.memory_space<vmem>>
      %dma_start3A_1060 = arith.constant 0 : i32
      %dma_start3A_1061 = tpu.memref_slice %arg5[%multiple_of3A_1041, %dma_start3A_1060] : memref<100000x16xf32, #tpu.memory_space<hbm>> -> memref<8x16xf32, #tpu.memory_space<hbm>>
      tpu.enqueue_dma source(%dma_start3A_1061 : memref<8x16xf32, #tpu.memory_space<hbm>>) target(%dma_start3A_1059 : memref<8x16xf32, #tpu.memory_space<vmem>>) target_semaphore(%arg14 : memref<!tpu.dma_semaphore, #tpu.memory_space<semaphore_mem>>)
      %dma_start3A_1062 = arith.constant 200 : i32
      %dma_start3A_1063 = arith.constant 0 : i32
      %dma_start3A_1064 = tpu.memref_slice %arg12[%dma_start3A_1062, %dma_start3A_1063] : memref<256x16xf32, #tpu.memory_space<vmem>> -> memref<8x16xf32, #tpu.memory_space<vmem>>
      %dma_start3A_1065 = arith.constant 0 : i32
      %dma_start3A_1066 = tpu.memref_slice %arg6[%multiple_of3A_1041, %dma_start3A_1065] : memref<100000x16xf32, #tpu.memory_space<hbm>> -> memref<8x16xf32, #tpu.memory_space<hbm>>
      %dma_start3A_1067 = arith.constant 200 : i32
      %dma_start3A_1068 = arith.constant 0 : i32
      %dma_start3A_1069 = tpu.memref_slice %arg12[%dma_start3A_1067, %dma_start3A_1068] : memref<256x16xf32, #tpu.memory_space<vmem>> -> memref<8x16xf32, #tpu.memory_space<vmem>>
      %dma_start3A_1070 = arith.constant 0 : i32
      %dma_start3A_1071 = tpu.memref_slice %arg6[%multiple_of3A_1041, %dma_start3A_1070] : memref<100000x16xf32, #tpu.memory_space<hbm>> -> memref<8x16xf32, #tpu.memory_space<hbm>>
      tpu.enqueue_dma source(%dma_start3A_1071 : memref<8x16xf32, #tpu.memory_space<hbm>>) target(%dma_start3A_1069 : memref<8x16xf32, #tpu.memory_space<vmem>>) target_semaphore(%arg14 : memref<!tpu.dma_semaphore, #tpu.memory_space<semaphore_mem>>)
      %slice3A_1072 = vector.extract_strided_slice %get3A_665 {offsets = [10], sizes = [1], strides = [1]} : vector<16xi32> to vector<1xi32>
      %squeeze3A_1073 = vector.extract %slice3A_1072[0] : i32 from vector<1xi32>
      %and3A_1074 = arith.constant -8 : i32
      %and3A_1075 = arith.andi %squeeze3A_1073, %and3A_1074 : i32
      %multiple_of3A_1076 = tpu.assume_multiple %and3A_1075, 8 : i32
      %slice3A_1077 = vector.extract_strided_slice %get3A_671 {offsets = [10], sizes = [1], strides = [1]} : vector<16xi32> to vector<1xi32>
      %squeeze3A_1078 = vector.extract %slice3A_1077[0] : i32 from vector<1xi32>
      %and3A_1079 = arith.constant -8 : i32
      %and3A_1080 = arith.andi %squeeze3A_1078, %and3A_1079 : i32
      %multiple_of3A_1081 = tpu.assume_multiple %and3A_1080, 8 : i32
      %dma_start3A_1082 = arith.constant 208 : i32
      %dma_start3A_1083 = arith.constant 0 : i32
      %dma_start3A_1084 = tpu.memref_slice %arg10[%dma_start3A_1082, %dma_start3A_1083] : memref<256x16xf32, #tpu.memory_space<vmem>> -> memref<8x16xf32, #tpu.memory_space<vmem>>
      %dma_start3A_1085 = arith.constant 0 : i32
      %dma_start3A_1086 = tpu.memref_slice %arg4[%multiple_of3A_1076, %dma_start3A_1085] : memref<1000000x16xf32, #tpu.memory_space<hbm>> -> memref<8x16xf32, #tpu.memory_space<hbm>>
      %dma_start3A_1087 = arith.constant 208 : i32
      %dma_start3A_1088 = arith.constant 0 : i32
      %dma_start3A_1089 = tpu.memref_slice %arg10[%dma_start3A_1087, %dma_start3A_1088] : memref<256x16xf32, #tpu.memory_space<vmem>> -> memref<8x16xf32, #tpu.memory_space<vmem>>
      %dma_start3A_1090 = arith.constant 0 : i32
      %dma_start3A_1091 = tpu.memref_slice %arg4[%multiple_of3A_1076, %dma_start3A_1090] : memref<1000000x16xf32, #tpu.memory_space<hbm>> -> memref<8x16xf32, #tpu.memory_space<hbm>>
      tpu.enqueue_dma source(%dma_start3A_1091 : memref<8x16xf32, #tpu.memory_space<hbm>>) target(%dma_start3A_1089 : memref<8x16xf32, #tpu.memory_space<vmem>>) target_semaphore(%arg14 : memref<!tpu.dma_semaphore, #tpu.memory_space<semaphore_mem>>)
      %dma_start3A_1092 = arith.constant 208 : i32
      %dma_start3A_1093 = arith.constant 0 : i32
      %dma_start3A_1094 = tpu.memref_slice %arg11[%dma_start3A_1092, %dma_start3A_1093] : memref<256x16xf32, #tpu.memory_space<vmem>> -> memref<8x16xf32, #tpu.memory_space<vmem>>
      %dma_start3A_1095 = arith.constant 0 : i32
      %dma_start3A_1096 = tpu.memref_slice %arg5[%multiple_of3A_1081, %dma_start3A_1095] : memref<100000x16xf32, #tpu.memory_space<hbm>> -> memref<8x16xf32, #tpu.memory_space<hbm>>
      %dma_start3A_1097 = arith.constant 208 : i32
      %dma_start3A_1098 = arith.constant 0 : i32
      %dma_start3A_1099 = tpu.memref_slice %arg11[%dma_start3A_1097, %dma_start3A_1098] : memref<256x16xf32, #tpu.memory_space<vmem>> -> memref<8x16xf32, #tpu.memory_space<vmem>>
      %dma_start3A_1100 = arith.constant 0 : i32
      %dma_start3A_1101 = tpu.memref_slice %arg5[%multiple_of3A_1081, %dma_start3A_1100] : memref<100000x16xf32, #tpu.memory_space<hbm>> -> memref<8x16xf32, #tpu.memory_space<hbm>>
      tpu.enqueue_dma source(%dma_start3A_1101 : memref<8x16xf32, #tpu.memory_space<hbm>>) target(%dma_start3A_1099 : memref<8x16xf32, #tpu.memory_space<vmem>>) target_semaphore(%arg14 : memref<!tpu.dma_semaphore, #tpu.memory_space<semaphore_mem>>)
      %dma_start3A_1102 = arith.constant 208 : i32
      %dma_start3A_1103 = arith.constant 0 : i32
      %dma_start3A_1104 = tpu.memref_slice %arg12[%dma_start3A_1102, %dma_start3A_1103] : memref<256x16xf32, #tpu.memory_space<vmem>> -> memref<8x16xf32, #tpu.memory_space<vmem>>
      %dma_start3A_1105 = arith.constant 0 : i32
      %dma_start3A_1106 = tpu.memref_slice %arg6[%multiple_of3A_1081, %dma_start3A_1105] : memref<100000x16xf32, #tpu.memory_space<hbm>> -> memref<8x16xf32, #tpu.memory_space<hbm>>
      %dma_start3A_1107 = arith.constant 208 : i32
      %dma_start3A_1108 = arith.constant 0 : i32
      %dma_start3A_1109 = tpu.memref_slice %arg12[%dma_start3A_1107, %dma_start3A_1108] : memref<256x16xf32, #tpu.memory_space<vmem>> -> memref<8x16xf32, #tpu.memory_space<vmem>>
      %dma_start3A_1110 = arith.constant 0 : i32
      %dma_start3A_1111 = tpu.memref_slice %arg6[%multiple_of3A_1081, %dma_start3A_1110] : memref<100000x16xf32, #tpu.memory_space<hbm>> -> memref<8x16xf32, #tpu.memory_space<hbm>>
      tpu.enqueue_dma source(%dma_start3A_1111 : memref<8x16xf32, #tpu.memory_space<hbm>>) target(%dma_start3A_1109 : memref<8x16xf32, #tpu.memory_space<vmem>>) target_semaphore(%arg14 : memref<!tpu.dma_semaphore, #tpu.memory_space<semaphore_mem>>)
      %slice3A_1112 = vector.extract_strided_slice %get3A_665 {offsets = [11], sizes = [1], strides = [1]} : vector<16xi32> to vector<1xi32>
      %squeeze3A_1113 = vector.extract %slice3A_1112[0] : i32 from vector<1xi32>
      %and3A_1114 = arith.constant -8 : i32
      %and3A_1115 = arith.andi %squeeze3A_1113, %and3A_1114 : i32
      %multiple_of3A_1116 = tpu.assume_multiple %and3A_1115, 8 : i32
      %slice3A_1117 = vector.extract_strided_slice %get3A_671 {offsets = [11], sizes = [1], strides = [1]} : vector<16xi32> to vector<1xi32>
      %squeeze3A_1118 = vector.extract %slice3A_1117[0] : i32 from vector<1xi32>
      %and3A_1119 = arith.constant -8 : i32
      %and3A_1120 = arith.andi %squeeze3A_1118, %and3A_1119 : i32
      %multiple_of3A_1121 = tpu.assume_multiple %and3A_1120, 8 : i32
      %dma_start3A_1122 = arith.constant 216 : i32
      %dma_start3A_1123 = arith.constant 0 : i32
      %dma_start3A_1124 = tpu.memref_slice %arg10[%dma_start3A_1122, %dma_start3A_1123] : memref<256x16xf32, #tpu.memory_space<vmem>> -> memref<8x16xf32, #tpu.memory_space<vmem>>
      %dma_start3A_1125 = arith.constant 0 : i32
      %dma_start3A_1126 = tpu.memref_slice %arg4[%multiple_of3A_1116, %dma_start3A_1125] : memref<1000000x16xf32, #tpu.memory_space<hbm>> -> memref<8x16xf32, #tpu.memory_space<hbm>>
      %dma_start3A_1127 = arith.constant 216 : i32
      %dma_start3A_1128 = arith.constant 0 : i32
      %dma_start3A_1129 = tpu.memref_slice %arg10[%dma_start3A_1127, %dma_start3A_1128] : memref<256x16xf32, #tpu.memory_space<vmem>> -> memref<8x16xf32, #tpu.memory_space<vmem>>
      %dma_start3A_1130 = arith.constant 0 : i32
      %dma_start3A_1131 = tpu.memref_slice %arg4[%multiple_of3A_1116, %dma_start3A_1130] : memref<1000000x16xf32, #tpu.memory_space<hbm>> -> memref<8x16xf32, #tpu.memory_space<hbm>>
      tpu.enqueue_dma source(%dma_start3A_1131 : memref<8x16xf32, #tpu.memory_space<hbm>>) target(%dma_start3A_1129 : memref<8x16xf32, #tpu.memory_space<vmem>>) target_semaphore(%arg14 : memref<!tpu.dma_semaphore, #tpu.memory_space<semaphore_mem>>)
      %dma_start3A_1132 = arith.constant 216 : i32
      %dma_start3A_1133 = arith.constant 0 : i32
      %dma_start3A_1134 = tpu.memref_slice %arg11[%dma_start3A_1132, %dma_start3A_1133] : memref<256x16xf32, #tpu.memory_space<vmem>> -> memref<8x16xf32, #tpu.memory_space<vmem>>
      %dma_start3A_1135 = arith.constant 0 : i32
      %dma_start3A_1136 = tpu.memref_slice %arg5[%multiple_of3A_1121, %dma_start3A_1135] : memref<100000x16xf32, #tpu.memory_space<hbm>> -> memref<8x16xf32, #tpu.memory_space<hbm>>
      %dma_start3A_1137 = arith.constant 216 : i32
      %dma_start3A_1138 = arith.constant 0 : i32
      %dma_start3A_1139 = tpu.memref_slice %arg11[%dma_start3A_1137, %dma_start3A_1138] : memref<256x16xf32, #tpu.memory_space<vmem>> -> memref<8x16xf32, #tpu.memory_space<vmem>>
      %dma_start3A_1140 = arith.constant 0 : i32
      %dma_start3A_1141 = tpu.memref_slice %arg5[%multiple_of3A_1121, %dma_start3A_1140] : memref<100000x16xf32, #tpu.memory_space<hbm>> -> memref<8x16xf32, #tpu.memory_space<hbm>>
      tpu.enqueue_dma source(%dma_start3A_1141 : memref<8x16xf32, #tpu.memory_space<hbm>>) target(%dma_start3A_1139 : memref<8x16xf32, #tpu.memory_space<vmem>>) target_semaphore(%arg14 : memref<!tpu.dma_semaphore, #tpu.memory_space<semaphore_mem>>)
      %dma_start3A_1142 = arith.constant 216 : i32
      %dma_start3A_1143 = arith.constant 0 : i32
      %dma_start3A_1144 = tpu.memref_slice %arg12[%dma_start3A_1142, %dma_start3A_1143] : memref<256x16xf32, #tpu.memory_space<vmem>> -> memref<8x16xf32, #tpu.memory_space<vmem>>
      %dma_start3A_1145 = arith.constant 0 : i32
      %dma_start3A_1146 = tpu.memref_slice %arg6[%multiple_of3A_1121, %dma_start3A_1145] : memref<100000x16xf32, #tpu.memory_space<hbm>> -> memref<8x16xf32, #tpu.memory_space<hbm>>
      %dma_start3A_1147 = arith.constant 216 : i32
      %dma_start3A_1148 = arith.constant 0 : i32
      %dma_start3A_1149 = tpu.memref_slice %arg12[%dma_start3A_1147, %dma_start3A_1148] : memref<256x16xf32, #tpu.memory_space<vmem>> -> memref<8x16xf32, #tpu.memory_space<vmem>>
      %dma_start3A_1150 = arith.constant 0 : i32
      %dma_start3A_1151 = tpu.memref_slice %arg6[%multiple_of3A_1121, %dma_start3A_1150] : memref<100000x16xf32, #tpu.memory_space<hbm>> -> memref<8x16xf32, #tpu.memory_space<hbm>>
      tpu.enqueue_dma source(%dma_start3A_1151 : memref<8x16xf32, #tpu.memory_space<hbm>>) target(%dma_start3A_1149 : memref<8x16xf32, #tpu.memory_space<vmem>>) target_semaphore(%arg14 : memref<!tpu.dma_semaphore, #tpu.memory_space<semaphore_mem>>)
      %slice3A_1152 = vector.extract_strided_slice %get3A_665 {offsets = [12], sizes = [1], strides = [1]} : vector<16xi32> to vector<1xi32>
      %squeeze3A_1153 = vector.extract %slice3A_1152[0] : i32 from vector<1xi32>
      %and3A_1154 = arith.constant -8 : i32
      %and3A_1155 = arith.andi %squeeze3A_1153, %and3A_1154 : i32
      %multiple_of3A_1156 = tpu.assume_multiple %and3A_1155, 8 : i32
      %slice3A_1157 = vector.extract_strided_slice %get3A_671 {offsets = [12], sizes = [1], strides = [1]} : vector<16xi32> to vector<1xi32>
      %squeeze3A_1158 = vector.extract %slice3A_1157[0] : i32 from vector<1xi32>
      %and3A_1159 = arith.constant -8 : i32
      %and3A_1160 = arith.andi %squeeze3A_1158, %and3A_1159 : i32
      %multiple_of3A_1161 = tpu.assume_multiple %and3A_1160, 8 : i32
      %dma_start3A_1162 = arith.constant 224 : i32
      %dma_start3A_1163 = arith.constant 0 : i32
      %dma_start3A_1164 = tpu.memref_slice %arg10[%dma_start3A_1162, %dma_start3A_1163] : memref<256x16xf32, #tpu.memory_space<vmem>> -> memref<8x16xf32, #tpu.memory_space<vmem>>
      %dma_start3A_1165 = arith.constant 0 : i32
      %dma_start3A_1166 = tpu.memref_slice %arg4[%multiple_of3A_1156, %dma_start3A_1165] : memref<1000000x16xf32, #tpu.memory_space<hbm>> -> memref<8x16xf32, #tpu.memory_space<hbm>>
      %dma_start3A_1167 = arith.constant 224 : i32
      %dma_start3A_1168 = arith.constant 0 : i32
      %dma_start3A_1169 = tpu.memref_slice %arg10[%dma_start3A_1167, %dma_start3A_1168] : memref<256x16xf32, #tpu.memory_space<vmem>> -> memref<8x16xf32, #tpu.memory_space<vmem>>
      %dma_start3A_1170 = arith.constant 0 : i32
      %dma_start3A_1171 = tpu.memref_slice %arg4[%multiple_of3A_1156, %dma_start3A_1170] : memref<1000000x16xf32, #tpu.memory_space<hbm>> -> memref<8x16xf32, #tpu.memory_space<hbm>>
      tpu.enqueue_dma source(%dma_start3A_1171 : memref<8x16xf32, #tpu.memory_space<hbm>>) target(%dma_start3A_1169 : memref<8x16xf32, #tpu.memory_space<vmem>>) target_semaphore(%arg14 : memref<!tpu.dma_semaphore, #tpu.memory_space<semaphore_mem>>)
      %dma_start3A_1172 = arith.constant 224 : i32
      %dma_start3A_1173 = arith.constant 0 : i32
      %dma_start3A_1174 = tpu.memref_slice %arg11[%dma_start3A_1172, %dma_start3A_1173] : memref<256x16xf32, #tpu.memory_space<vmem>> -> memref<8x16xf32, #tpu.memory_space<vmem>>
      %dma_start3A_1175 = arith.constant 0 : i32
      %dma_start3A_1176 = tpu.memref_slice %arg5[%multiple_of3A_1161, %dma_start3A_1175] : memref<100000x16xf32, #tpu.memory_space<hbm>> -> memref<8x16xf32, #tpu.memory_space<hbm>>
      %dma_start3A_1177 = arith.constant 224 : i32
      %dma_start3A_1178 = arith.constant 0 : i32
      %dma_start3A_1179 = tpu.memref_slice %arg11[%dma_start3A_1177, %dma_start3A_1178] : memref<256x16xf32, #tpu.memory_space<vmem>> -> memref<8x16xf32, #tpu.memory_space<vmem>>
      %dma_start3A_1180 = arith.constant 0 : i32
      %dma_start3A_1181 = tpu.memref_slice %arg5[%multiple_of3A_1161, %dma_start3A_1180] : memref<100000x16xf32, #tpu.memory_space<hbm>> -> memref<8x16xf32, #tpu.memory_space<hbm>>
      tpu.enqueue_dma source(%dma_start3A_1181 : memref<8x16xf32, #tpu.memory_space<hbm>>) target(%dma_start3A_1179 : memref<8x16xf32, #tpu.memory_space<vmem>>) target_semaphore(%arg14 : memref<!tpu.dma_semaphore, #tpu.memory_space<semaphore_mem>>)
      %dma_start3A_1182 = arith.constant 224 : i32
      %dma_start3A_1183 = arith.constant 0 : i32
      %dma_start3A_1184 = tpu.memref_slice %arg12[%dma_start3A_1182, %dma_start3A_1183] : memref<256x16xf32, #tpu.memory_space<vmem>> -> memref<8x16xf32, #tpu.memory_space<vmem>>
      %dma_start3A_1185 = arith.constant 0 : i32
      %dma_start3A_1186 = tpu.memref_slice %arg6[%multiple_of3A_1161, %dma_start3A_1185] : memref<100000x16xf32, #tpu.memory_space<hbm>> -> memref<8x16xf32, #tpu.memory_space<hbm>>
      %dma_start3A_1187 = arith.constant 224 : i32
      %dma_start3A_1188 = arith.constant 0 : i32
      %dma_start3A_1189 = tpu.memref_slice %arg12[%dma_start3A_1187, %dma_start3A_1188] : memref<256x16xf32, #tpu.memory_space<vmem>> -> memref<8x16xf32, #tpu.memory_space<vmem>>
      %dma_start3A_1190 = arith.constant 0 : i32
      %dma_start3A_1191 = tpu.memref_slice %arg6[%multiple_of3A_1161, %dma_start3A_1190] : memref<100000x16xf32, #tpu.memory_space<hbm>> -> memref<8x16xf32, #tpu.memory_space<hbm>>
      tpu.enqueue_dma source(%dma_start3A_1191 : memref<8x16xf32, #tpu.memory_space<hbm>>) target(%dma_start3A_1189 : memref<8x16xf32, #tpu.memory_space<vmem>>) target_semaphore(%arg14 : memref<!tpu.dma_semaphore, #tpu.memory_space<semaphore_mem>>)
      %slice3A_1192 = vector.extract_strided_slice %get3A_665 {offsets = [13], sizes = [1], strides = [1]} : vector<16xi32> to vector<1xi32>
      %squeeze3A_1193 = vector.extract %slice3A_1192[0] : i32 from vector<1xi32>
      %and3A_1194 = arith.constant -8 : i32
      %and3A_1195 = arith.andi %squeeze3A_1193, %and3A_1194 : i32
      %multiple_of3A_1196 = tpu.assume_multiple %and3A_1195, 8 : i32
      %slice3A_1197 = vector.extract_strided_slice %get3A_671 {offsets = [13], sizes = [1], strides = [1]} : vector<16xi32> to vector<1xi32>
      %squeeze3A_1198 = vector.extract %slice3A_1197[0] : i32 from vector<1xi32>
      %and3A_1199 = arith.constant -8 : i32
      %and3A_1200 = arith.andi %squeeze3A_1198, %and3A_1199 : i32
      %multiple_of3A_1201 = tpu.assume_multiple %and3A_1200, 8 : i32
      %dma_start3A_1202 = arith.constant 232 : i32
      %dma_start3A_1203 = arith.constant 0 : i32
      %dma_start3A_1204 = tpu.memref_slice %arg10[%dma_start3A_1202, %dma_start3A_1203] : memref<256x16xf32, #tpu.memory_space<vmem>> -> memref<8x16xf32, #tpu.memory_space<vmem>>
      %dma_start3A_1205 = arith.constant 0 : i32
      %dma_start3A_1206 = tpu.memref_slice %arg4[%multiple_of3A_1196, %dma_start3A_1205] : memref<1000000x16xf32, #tpu.memory_space<hbm>> -> memref<8x16xf32, #tpu.memory_space<hbm>>
      %dma_start3A_1207 = arith.constant 232 : i32
      %dma_start3A_1208 = arith.constant 0 : i32
      %dma_start3A_1209 = tpu.memref_slice %arg10[%dma_start3A_1207, %dma_start3A_1208] : memref<256x16xf32, #tpu.memory_space<vmem>> -> memref<8x16xf32, #tpu.memory_space<vmem>>
      %dma_start3A_1210 = arith.constant 0 : i32
      %dma_start3A_1211 = tpu.memref_slice %arg4[%multiple_of3A_1196, %dma_start3A_1210] : memref<1000000x16xf32, #tpu.memory_space<hbm>> -> memref<8x16xf32, #tpu.memory_space<hbm>>
      tpu.enqueue_dma source(%dma_start3A_1211 : memref<8x16xf32, #tpu.memory_space<hbm>>) target(%dma_start3A_1209 : memref<8x16xf32, #tpu.memory_space<vmem>>) target_semaphore(%arg14 : memref<!tpu.dma_semaphore, #tpu.memory_space<semaphore_mem>>)
      %dma_start3A_1212 = arith.constant 232 : i32
      %dma_start3A_1213 = arith.constant 0 : i32
      %dma_start3A_1214 = tpu.memref_slice %arg11[%dma_start3A_1212, %dma_start3A_1213] : memref<256x16xf32, #tpu.memory_space<vmem>> -> memref<8x16xf32, #tpu.memory_space<vmem>>
      %dma_start3A_1215 = arith.constant 0 : i32
      %dma_start3A_1216 = tpu.memref_slice %arg5[%multiple_of3A_1201, %dma_start3A_1215] : memref<100000x16xf32, #tpu.memory_space<hbm>> -> memref<8x16xf32, #tpu.memory_space<hbm>>
      %dma_start3A_1217 = arith.constant 232 : i32
      %dma_start3A_1218 = arith.constant 0 : i32
      %dma_start3A_1219 = tpu.memref_slice %arg11[%dma_start3A_1217, %dma_start3A_1218] : memref<256x16xf32, #tpu.memory_space<vmem>> -> memref<8x16xf32, #tpu.memory_space<vmem>>
      %dma_start3A_1220 = arith.constant 0 : i32
      %dma_start3A_1221 = tpu.memref_slice %arg5[%multiple_of3A_1201, %dma_start3A_1220] : memref<100000x16xf32, #tpu.memory_space<hbm>> -> memref<8x16xf32, #tpu.memory_space<hbm>>
      tpu.enqueue_dma source(%dma_start3A_1221 : memref<8x16xf32, #tpu.memory_space<hbm>>) target(%dma_start3A_1219 : memref<8x16xf32, #tpu.memory_space<vmem>>) target_semaphore(%arg14 : memref<!tpu.dma_semaphore, #tpu.memory_space<semaphore_mem>>)
      %dma_start3A_1222 = arith.constant 232 : i32
      %dma_start3A_1223 = arith.constant 0 : i32
      %dma_start3A_1224 = tpu.memref_slice %arg12[%dma_start3A_1222, %dma_start3A_1223] : memref<256x16xf32, #tpu.memory_space<vmem>> -> memref<8x16xf32, #tpu.memory_space<vmem>>
      %dma_start3A_1225 = arith.constant 0 : i32
      %dma_start3A_1226 = tpu.memref_slice %arg6[%multiple_of3A_1201, %dma_start3A_1225] : memref<100000x16xf32, #tpu.memory_space<hbm>> -> memref<8x16xf32, #tpu.memory_space<hbm>>
      %dma_start3A_1227 = arith.constant 232 : i32
      %dma_start3A_1228 = arith.constant 0 : i32
      %dma_start3A_1229 = tpu.memref_slice %arg12[%dma_start3A_1227, %dma_start3A_1228] : memref<256x16xf32, #tpu.memory_space<vmem>> -> memref<8x16xf32, #tpu.memory_space<vmem>>
      %dma_start3A_1230 = arith.constant 0 : i32
      %dma_start3A_1231 = tpu.memref_slice %arg6[%multiple_of3A_1201, %dma_start3A_1230] : memref<100000x16xf32, #tpu.memory_space<hbm>> -> memref<8x16xf32, #tpu.memory_space<hbm>>
      tpu.enqueue_dma source(%dma_start3A_1231 : memref<8x16xf32, #tpu.memory_space<hbm>>) target(%dma_start3A_1229 : memref<8x16xf32, #tpu.memory_space<vmem>>) target_semaphore(%arg14 : memref<!tpu.dma_semaphore, #tpu.memory_space<semaphore_mem>>)
      %slice3A_1232 = vector.extract_strided_slice %get3A_665 {offsets = [14], sizes = [1], strides = [1]} : vector<16xi32> to vector<1xi32>
      %squeeze3A_1233 = vector.extract %slice3A_1232[0] : i32 from vector<1xi32>
      %and3A_1234 = arith.constant -8 : i32
      %and3A_1235 = arith.andi %squeeze3A_1233, %and3A_1234 : i32
      %multiple_of3A_1236 = tpu.assume_multiple %and3A_1235, 8 : i32
      %slice3A_1237 = vector.extract_strided_slice %get3A_671 {offsets = [14], sizes = [1], strides = [1]} : vector<16xi32> to vector<1xi32>
      %squeeze3A_1238 = vector.extract %slice3A_1237[0] : i32 from vector<1xi32>
      %and3A_1239 = arith.constant -8 : i32
      %and3A_1240 = arith.andi %squeeze3A_1238, %and3A_1239 : i32
      %multiple_of3A_1241 = tpu.assume_multiple %and3A_1240, 8 : i32
      %dma_start3A_1242 = arith.constant 240 : i32
      %dma_start3A_1243 = arith.constant 0 : i32
      %dma_start3A_1244 = tpu.memref_slice %arg10[%dma_start3A_1242, %dma_start3A_1243] : memref<256x16xf32, #tpu.memory_space<vmem>> -> memref<8x16xf32, #tpu.memory_space<vmem>>
      %dma_start3A_1245 = arith.constant 0 : i32
      %dma_start3A_1246 = tpu.memref_slice %arg4[%multiple_of3A_1236, %dma_start3A_1245] : memref<1000000x16xf32, #tpu.memory_space<hbm>> -> memref<8x16xf32, #tpu.memory_space<hbm>>
      %dma_start3A_1247 = arith.constant 240 : i32
      %dma_start3A_1248 = arith.constant 0 : i32
      %dma_start3A_1249 = tpu.memref_slice %arg10[%dma_start3A_1247, %dma_start3A_1248] : memref<256x16xf32, #tpu.memory_space<vmem>> -> memref<8x16xf32, #tpu.memory_space<vmem>>
      %dma_start3A_1250 = arith.constant 0 : i32
      %dma_start3A_1251 = tpu.memref_slice %arg4[%multiple_of3A_1236, %dma_start3A_1250] : memref<1000000x16xf32, #tpu.memory_space<hbm>> -> memref<8x16xf32, #tpu.memory_space<hbm>>
      tpu.enqueue_dma source(%dma_start3A_1251 : memref<8x16xf32, #tpu.memory_space<hbm>>) target(%dma_start3A_1249 : memref<8x16xf32, #tpu.memory_space<vmem>>) target_semaphore(%arg14 : memref<!tpu.dma_semaphore, #tpu.memory_space<semaphore_mem>>)
      %dma_start3A_1252 = arith.constant 240 : i32
      %dma_start3A_1253 = arith.constant 0 : i32
      %dma_start3A_1254 = tpu.memref_slice %arg11[%dma_start3A_1252, %dma_start3A_1253] : memref<256x16xf32, #tpu.memory_space<vmem>> -> memref<8x16xf32, #tpu.memory_space<vmem>>
      %dma_start3A_1255 = arith.constant 0 : i32
      %dma_start3A_1256 = tpu.memref_slice %arg5[%multiple_of3A_1241, %dma_start3A_1255] : memref<100000x16xf32, #tpu.memory_space<hbm>> -> memref<8x16xf32, #tpu.memory_space<hbm>>
      %dma_start3A_1257 = arith.constant 240 : i32
      %dma_start3A_1258 = arith.constant 0 : i32
      %dma_start3A_1259 = tpu.memref_slice %arg11[%dma_start3A_1257, %dma_start3A_1258] : memref<256x16xf32, #tpu.memory_space<vmem>> -> memref<8x16xf32, #tpu.memory_space<vmem>>
      %dma_start3A_1260 = arith.constant 0 : i32
      %dma_start3A_1261 = tpu.memref_slice %arg5[%multiple_of3A_1241, %dma_start3A_1260] : memref<100000x16xf32, #tpu.memory_space<hbm>> -> memref<8x16xf32, #tpu.memory_space<hbm>>
      tpu.enqueue_dma source(%dma_start3A_1261 : memref<8x16xf32, #tpu.memory_space<hbm>>) target(%dma_start3A_1259 : memref<8x16xf32, #tpu.memory_space<vmem>>) target_semaphore(%arg14 : memref<!tpu.dma_semaphore, #tpu.memory_space<semaphore_mem>>)
      %dma_start3A_1262 = arith.constant 240 : i32
      %dma_start3A_1263 = arith.constant 0 : i32
      %dma_start3A_1264 = tpu.memref_slice %arg12[%dma_start3A_1262, %dma_start3A_1263] : memref<256x16xf32, #tpu.memory_space<vmem>> -> memref<8x16xf32, #tpu.memory_space<vmem>>
      %dma_start3A_1265 = arith.constant 0 : i32
      %dma_start3A_1266 = tpu.memref_slice %arg6[%multiple_of3A_1241, %dma_start3A_1265] : memref<100000x16xf32, #tpu.memory_space<hbm>> -> memref<8x16xf32, #tpu.memory_space<hbm>>
      %dma_start3A_1267 = arith.constant 240 : i32
      %dma_start3A_1268 = arith.constant 0 : i32
      %dma_start3A_1269 = tpu.memref_slice %arg12[%dma_start3A_1267, %dma_start3A_1268] : memref<256x16xf32, #tpu.memory_space<vmem>> -> memref<8x16xf32, #tpu.memory_space<vmem>>
      %dma_start3A_1270 = arith.constant 0 : i32
      %dma_start3A_1271 = tpu.memref_slice %arg6[%multiple_of3A_1241, %dma_start3A_1270] : memref<100000x16xf32, #tpu.memory_space<hbm>> -> memref<8x16xf32, #tpu.memory_space<hbm>>
      tpu.enqueue_dma source(%dma_start3A_1271 : memref<8x16xf32, #tpu.memory_space<hbm>>) target(%dma_start3A_1269 : memref<8x16xf32, #tpu.memory_space<vmem>>) target_semaphore(%arg14 : memref<!tpu.dma_semaphore, #tpu.memory_space<semaphore_mem>>)
      %slice3A_1272 = vector.extract_strided_slice %get3A_665 {offsets = [15], sizes = [1], strides = [1]} : vector<16xi32> to vector<1xi32>
      %squeeze3A_1273 = vector.extract %slice3A_1272[0] : i32 from vector<1xi32>
      %and3A_1274 = arith.constant -8 : i32
      %and3A_1275 = arith.andi %squeeze3A_1273, %and3A_1274 : i32
      %multiple_of3A_1276 = tpu.assume_multiple %and3A_1275, 8 : i32
      %slice3A_1277 = vector.extract_strided_slice %get3A_671 {offsets = [15], sizes = [1], strides = [1]} : vector<16xi32> to vector<1xi32>
      %squeeze3A_1278 = vector.extract %slice3A_1277[0] : i32 from vector<1xi32>
      %and3A_1279 = arith.constant -8 : i32
      %and3A_1280 = arith.andi %squeeze3A_1278, %and3A_1279 : i32
      %multiple_of3A_1281 = tpu.assume_multiple %and3A_1280, 8 : i32
      %dma_start3A_1282 = arith.constant 248 : i32
      %dma_start3A_1283 = arith.constant 0 : i32
      %dma_start3A_1284 = tpu.memref_slice %arg10[%dma_start3A_1282, %dma_start3A_1283] : memref<256x16xf32, #tpu.memory_space<vmem>> -> memref<8x16xf32, #tpu.memory_space<vmem>>
      %dma_start3A_1285 = arith.constant 0 : i32
      %dma_start3A_1286 = tpu.memref_slice %arg4[%multiple_of3A_1276, %dma_start3A_1285] : memref<1000000x16xf32, #tpu.memory_space<hbm>> -> memref<8x16xf32, #tpu.memory_space<hbm>>
      %dma_start3A_1287 = arith.constant 248 : i32
      %dma_start3A_1288 = arith.constant 0 : i32
      %dma_start3A_1289 = tpu.memref_slice %arg10[%dma_start3A_1287, %dma_start3A_1288] : memref<256x16xf32, #tpu.memory_space<vmem>> -> memref<8x16xf32, #tpu.memory_space<vmem>>
      %dma_start3A_1290 = arith.constant 0 : i32
      %dma_start3A_1291 = tpu.memref_slice %arg4[%multiple_of3A_1276, %dma_start3A_1290] : memref<1000000x16xf32, #tpu.memory_space<hbm>> -> memref<8x16xf32, #tpu.memory_space<hbm>>
      tpu.enqueue_dma source(%dma_start3A_1291 : memref<8x16xf32, #tpu.memory_space<hbm>>) target(%dma_start3A_1289 : memref<8x16xf32, #tpu.memory_space<vmem>>) target_semaphore(%arg14 : memref<!tpu.dma_semaphore, #tpu.memory_space<semaphore_mem>>)
      %dma_start3A_1292 = arith.constant 248 : i32
      %dma_start3A_1293 = arith.constant 0 : i32
      %dma_start3A_1294 = tpu.memref_slice %arg11[%dma_start3A_1292, %dma_start3A_1293] : memref<256x16xf32, #tpu.memory_space<vmem>> -> memref<8x16xf32, #tpu.memory_space<vmem>>
      %dma_start3A_1295 = arith.constant 0 : i32
      %dma_start3A_1296 = tpu.memref_slice %arg5[%multiple_of3A_1281, %dma_start3A_1295] : memref<100000x16xf32, #tpu.memory_space<hbm>> -> memref<8x16xf32, #tpu.memory_space<hbm>>
      %dma_start3A_1297 = arith.constant 248 : i32
      %dma_start3A_1298 = arith.constant 0 : i32
      %dma_start3A_1299 = tpu.memref_slice %arg11[%dma_start3A_1297, %dma_start3A_1298] : memref<256x16xf32, #tpu.memory_space<vmem>> -> memref<8x16xf32, #tpu.memory_space<vmem>>
      %dma_start3A_1300 = arith.constant 0 : i32
      %dma_start3A_1301 = tpu.memref_slice %arg5[%multiple_of3A_1281, %dma_start3A_1300] : memref<100000x16xf32, #tpu.memory_space<hbm>> -> memref<8x16xf32, #tpu.memory_space<hbm>>
      tpu.enqueue_dma source(%dma_start3A_1301 : memref<8x16xf32, #tpu.memory_space<hbm>>) target(%dma_start3A_1299 : memref<8x16xf32, #tpu.memory_space<vmem>>) target_semaphore(%arg14 : memref<!tpu.dma_semaphore, #tpu.memory_space<semaphore_mem>>)
      %dma_start3A_1302 = arith.constant 248 : i32
      %dma_start3A_1303 = arith.constant 0 : i32
      %dma_start3A_1304 = tpu.memref_slice %arg12[%dma_start3A_1302, %dma_start3A_1303] : memref<256x16xf32, #tpu.memory_space<vmem>> -> memref<8x16xf32, #tpu.memory_space<vmem>>
      %dma_start3A_1305 = arith.constant 0 : i32
      %dma_start3A_1306 = tpu.memref_slice %arg6[%multiple_of3A_1281, %dma_start3A_1305] : memref<100000x16xf32, #tpu.memory_space<hbm>> -> memref<8x16xf32, #tpu.memory_space<hbm>>
      %dma_start3A_1307 = arith.constant 248 : i32
      %dma_start3A_1308 = arith.constant 0 : i32
      %dma_start3A_1309 = tpu.memref_slice %arg12[%dma_start3A_1307, %dma_start3A_1308] : memref<256x16xf32, #tpu.memory_space<vmem>> -> memref<8x16xf32, #tpu.memory_space<vmem>>
      %dma_start3A_1310 = arith.constant 0 : i32
      %dma_start3A_1311 = tpu.memref_slice %arg6[%multiple_of3A_1281, %dma_start3A_1310] : memref<100000x16xf32, #tpu.memory_space<hbm>> -> memref<8x16xf32, #tpu.memory_space<hbm>>
      tpu.enqueue_dma source(%dma_start3A_1311 : memref<8x16xf32, #tpu.memory_space<hbm>>) target(%dma_start3A_1309 : memref<8x16xf32, #tpu.memory_space<vmem>>) target_semaphore(%arg14 : memref<!tpu.dma_semaphore, #tpu.memory_space<semaphore_mem>>)
      %dma_wait3A = arith.constant 0 : i32
      %dma_wait3A_1312 = arith.constant 0 : i32
      %dma_wait3A_1313 = tpu.memref_slice %arg4[%dma_wait3A, %dma_wait3A_1312] : memref<1000000x16xf32, #tpu.memory_space<hbm>> -> memref<256x16xf32, #tpu.memory_space<hbm>>
      %dma_wait3A_1314 = arith.constant 0 : i32
      %dma_wait3A_1315 = arith.constant 0 : i32
      %dma_wait3A_1316 = tpu.memref_slice %arg4[%dma_wait3A_1314, %dma_wait3A_1315] : memref<1000000x16xf32, #tpu.memory_space<hbm>> -> memref<256x16xf32, #tpu.memory_space<hbm>>
      tpu.wait_dma2 semaphore(%arg14 : memref<!tpu.dma_semaphore, #tpu.memory_space<semaphore_mem>>) src(%dma_wait3A_1316 : memref<256x16xf32, #tpu.memory_space<hbm>>) dst(%arg10 : memref<256x16xf32, #tpu.memory_space<vmem>>)
      %dma_wait3A_1317 = arith.constant 0 : i32
      %dma_wait3A_1318 = arith.constant 0 : i32
      %dma_wait3A_1319 = tpu.memref_slice %arg4[%dma_wait3A_1317, %dma_wait3A_1318] : memref<1000000x16xf32, #tpu.memory_space<hbm>> -> memref<256x16xf32, #tpu.memory_space<hbm>>
      %dma_wait3A_1320 = arith.constant 0 : i32
      %dma_wait3A_1321 = arith.constant 0 : i32
      %dma_wait3A_1322 = tpu.memref_slice %arg4[%dma_wait3A_1320, %dma_wait3A_1321] : memref<1000000x16xf32, #tpu.memory_space<hbm>> -> memref<256x16xf32, #tpu.memory_space<hbm>>
      tpu.wait_dma2 semaphore(%arg14 : memref<!tpu.dma_semaphore, #tpu.memory_space<semaphore_mem>>) src(%dma_wait3A_1322 : memref<256x16xf32, #tpu.memory_space<hbm>>) dst(%arg11 : memref<256x16xf32, #tpu.memory_space<vmem>>)
      %dma_wait3A_1323 = arith.constant 0 : i32
      %dma_wait3A_1324 = arith.constant 0 : i32
      %dma_wait3A_1325 = tpu.memref_slice %arg4[%dma_wait3A_1323, %dma_wait3A_1324] : memref<1000000x16xf32, #tpu.memory_space<hbm>> -> memref<256x16xf32, #tpu.memory_space<hbm>>
      %dma_wait3A_1326 = arith.constant 0 : i32
      %dma_wait3A_1327 = arith.constant 0 : i32
      %dma_wait3A_1328 = tpu.memref_slice %arg4[%dma_wait3A_1326, %dma_wait3A_1327] : memref<1000000x16xf32, #tpu.memory_space<hbm>> -> memref<256x16xf32, #tpu.memory_space<hbm>>
      tpu.wait_dma2 semaphore(%arg14 : memref<!tpu.dma_semaphore, #tpu.memory_space<semaphore_mem>>) src(%dma_wait3A_1328 : memref<256x16xf32, #tpu.memory_space<hbm>>) dst(%arg12 : memref<256x16xf32, #tpu.memory_space<vmem>>)
      %mul3A_1329 = arith.constant 32 : i32
      %mul3A_1330 = arith.muli %scan3A_13, %mul3A_1329 : i32
      %add3A_1331 = arith.constant 0 : i32
      %add3A_1332 = arith.addi %mul3A_1330, %add3A_1331 : i32
      %get3A_1333 = arith.index_cast %add3A_1332 : i32 to index
      %get3A_1334 = tpu.vector_load %arg8[%get3A_1333] {strides = array<i32>} : memref<512xi32, #tpu.memory_space<vmem>>, vector<16xi32>,
      %get3A_1335 = arith.index_cast %add3A_1332 : i32 to index
      %get3A_1336 = tpu.vector_load %arg9[%get3A_1335] {strides = array<i32>} : memref<512xi32, #tpu.memory_space<vmem>>, vector<16xi32>,
      %add3A_1337 = arith.constant 0 : i32
      %add3A_1338 = vector.broadcast %add3A_1337 : i32 to vector<16xi32>
      %add3A_1339 = arith.addi %iota3A, %add3A_1338 : vector<16xi32>
      %mul3A_1340 = arith.constant 8 : i32
      %mul3A_1341 = vector.broadcast %mul3A_1340 : i32 to vector<16xi32>
      %mul3A_1342 = arith.muli %add3A_1339, %mul3A_1341 : vector<16xi32>
      %and3A_1343 = arith.constant 7 : i32
      %and3A_1344 = vector.broadcast %and3A_1343 : i32 to vector<16xi32>
      %and3A_1345 = arith.andi %get3A_1334, %and3A_1344 : vector<16xi32>
      %add3A_1346 = arith.addi %mul3A_1342, %and3A_1345 : vector<16xi32>
      %add3A_1347 = arith.constant 0 : i32
      %add3A_1348 = vector.broadcast %add3A_1347 : i32 to vector<16xi32>
      %add3A_1349 = arith.addi %iota3A, %add3A_1348 : vector<16xi32>
      %mul3A_1350 = arith.constant 8 : i32
      %mul3A_1351 = vector.broadcast %mul3A_1350 : i32 to vector<16xi32>
      %mul3A_1352 = arith.muli %add3A_1349, %mul3A_1351 : vector<16xi32>
      %and3A_1353 = arith.constant 7 : i32
      %and3A_1354 = vector.broadcast %and3A_1353 : i32 to vector<16xi32>
      %and3A_1355 = arith.andi %get3A_1336, %and3A_1354 : vector<16xi32>
      %add3A_1356 = arith.addi %mul3A_1352, %and3A_1355 : vector<16xi32>
      %broadcast_in_dim3A_1357 = arith.constant 0.000000e+00 : f32
      %broadcast_in_dim3A_1358 = vector.broadcast %broadcast_in_dim3A_1357 : f32 to vector<16xf32>
      %add3A_1359 = arith.constant 0 : i32
      %add3A_1360 = vector.broadcast %add3A_1359 : i32 to vector<16xi32>
      %add3A_1361 = arith.addi %iota3A, %add3A_1360 : vector<16xi32>
      %and3A_1362 = arith.constant 15 : i32
      %and3A_1363 = vector.broadcast %and3A_1362 : i32 to vector<16xi32>
      %and3A_1364 = arith.andi %add3A_1361, %and3A_1363 : vector<16xi32>
      %gather3A = tpu.vector_load_idx %arg10[%add3A_1346, %and3A_1364] : memref<256x16xf32, #tpu.memory_space<vmem>>[vector<16xi32>, vector<16xi32>], vector<16xf32>,
      %gather3A_1365 = tpu.vector_load_idx %arg11[%add3A_1356, %and3A_1364] : memref<256x16xf32, #tpu.memory_space<vmem>>[vector<16xi32>, vector<16xi32>], vector<16xf32>,
      %gather3A_1366 = tpu.vector_load_idx %arg12[%add3A_1356, %and3A_1364] : memref<256x16xf32, #tpu.memory_space<vmem>>[vector<16xi32>, vector<16xi32>], vector<16xf32>,
      %sub3A = arith.subf %gather3A, %gather3A_1366 : vector<16xf32>
      %mul3A_1367 = arith.mulf %gather3A_1365, %sub3A : vector<16xf32>
      %add3A_1368 = arith.addf %broadcast_in_dim3A_1358, %mul3A_1367 : vector<16xf32>
      %add3A_1369 = arith.constant 1 : i32
      %add3A_1370 = vector.broadcast %add3A_1369 : i32 to vector<16xi32>
      %add3A_1371 = arith.addi %iota3A, %add3A_1370 : vector<16xi32>
      %and3A_1372 = arith.constant 15 : i32
      %and3A_1373 = vector.broadcast %and3A_1372 : i32 to vector<16xi32>
      %and3A_1374 = arith.andi %add3A_1371, %and3A_1373 : vector<16xi32>
      %gather3A_1375 = tpu.vector_load_idx %arg10[%add3A_1346, %and3A_1374] : memref<256x16xf32, #tpu.memory_space<vmem>>[vector<16xi32>, vector<16xi32>], vector<16xf32>,
      %gather3A_1376 = tpu.vector_load_idx %arg11[%add3A_1356, %and3A_1374] : memref<256x16xf32, #tpu.memory_space<vmem>>[vector<16xi32>, vector<16xi32>], vector<16xf32>,
      %gather3A_1377 = tpu.vector_load_idx %arg12[%add3A_1356, %and3A_1374] : memref<256x16xf32, #tpu.memory_space<vmem>>[vector<16xi32>, vector<16xi32>], vector<16xf32>,
      %sub3A_1378 = arith.subf %gather3A_1375, %gather3A_1377 : vector<16xf32>
      %mul3A_1379 = arith.mulf %gather3A_1376, %sub3A_1378 : vector<16xf32>
      %add3A_1380 = arith.addf %add3A_1368, %mul3A_1379 : vector<16xf32>
      %add3A_1381 = arith.constant 2 : i32
      %add3A_1382 = vector.broadcast %add3A_1381 : i32 to vector<16xi32>
      %add3A_1383 = arith.addi %iota3A, %add3A_1382 : vector<16xi32>
      %and3A_1384 = arith.constant 15 : i32
      %and3A_1385 = vector.broadcast %and3A_1384 : i32 to vector<16xi32>
      %and3A_1386 = arith.andi %add3A_1383, %and3A_1385 : vector<16xi32>
      %gather3A_1387 = tpu.vector_load_idx %arg10[%add3A_1346, %and3A_1386] : memref<256x16xf32, #tpu.memory_space<vmem>>[vector<16xi32>, vector<16xi32>], vector<16xf32>,
      %gather3A_1388 = tpu.vector_load_idx %arg11[%add3A_1356, %and3A_1386] : memref<256x16xf32, #tpu.memory_space<vmem>>[vector<16xi32>, vector<16xi32>], vector<16xf32>,
      %gather3A_1389 = tpu.vector_load_idx %arg12[%add3A_1356, %and3A_1386] : memref<256x16xf32, #tpu.memory_space<vmem>>[vector<16xi32>, vector<16xi32>], vector<16xf32>,
      %sub3A_1390 = arith.subf %gather3A_1387, %gather3A_1389 : vector<16xf32>
      %mul3A_1391 = arith.mulf %gather3A_1388, %sub3A_1390 : vector<16xf32>
      %add3A_1392 = arith.addf %add3A_1380, %mul3A_1391 : vector<16xf32>
      %add3A_1393 = arith.constant 3 : i32
      %add3A_1394 = vector.broadcast %add3A_1393 : i32 to vector<16xi32>
      %add3A_1395 = arith.addi %iota3A, %add3A_1394 : vector<16xi32>
      %and3A_1396 = arith.constant 15 : i32
      %and3A_1397 = vector.broadcast %and3A_1396 : i32 to vector<16xi32>
      %and3A_1398 = arith.andi %add3A_1395, %and3A_1397 : vector<16xi32>
      %gather3A_1399 = tpu.vector_load_idx %arg10[%add3A_1346, %and3A_1398] : memref<256x16xf32, #tpu.memory_space<vmem>>[vector<16xi32>, vector<16xi32>], vector<16xf32>,
      %gather3A_1400 = tpu.vector_load_idx %arg11[%add3A_1356, %and3A_1398] : memref<256x16xf32, #tpu.memory_space<vmem>>[vector<16xi32>, vector<16xi32>], vector<16xf32>,
      %gather3A_1401 = tpu.vector_load_idx %arg12[%add3A_1356, %and3A_1398] : memref<256x16xf32, #tpu.memory_space<vmem>>[vector<16xi32>, vector<16xi32>], vector<16xf32>,
      %sub3A_1402 = arith.subf %gather3A_1399, %gather3A_1401 : vector<16xf32>
      %mul3A_1403 = arith.mulf %gather3A_1400, %sub3A_1402 : vector<16xf32>
      %add3A_1404 = arith.addf %add3A_1392, %mul3A_1403 : vector<16xf32>
      %add3A_1405 = arith.constant 4 : i32
      %add3A_1406 = vector.broadcast %add3A_1405 : i32 to vector<16xi32>
      %add3A_1407 = arith.addi %iota3A, %add3A_1406 : vector<16xi32>
      %and3A_1408 = arith.constant 15 : i32
      %and3A_1409 = vector.broadcast %and3A_1408 : i32 to vector<16xi32>
      %and3A_1410 = arith.andi %add3A_1407, %and3A_1409 : vector<16xi32>
      %gather3A_1411 = tpu.vector_load_idx %arg10[%add3A_1346, %and3A_1410] : memref<256x16xf32, #tpu.memory_space<vmem>>[vector<16xi32>, vector<16xi32>], vector<16xf32>,
      %gather3A_1412 = tpu.vector_load_idx %arg11[%add3A_1356, %and3A_1410] : memref<256x16xf32, #tpu.memory_space<vmem>>[vector<16xi32>, vector<16xi32>], vector<16xf32>,
      %gather3A_1413 = tpu.vector_load_idx %arg12[%add3A_1356, %and3A_1410] : memref<256x16xf32, #tpu.memory_space<vmem>>[vector<16xi32>, vector<16xi32>], vector<16xf32>,
      %sub3A_1414 = arith.subf %gather3A_1411, %gather3A_1413 : vector<16xf32>
      %mul3A_1415 = arith.mulf %gather3A_1412, %sub3A_1414 : vector<16xf32>
      %add3A_1416 = arith.addf %add3A_1404, %mul3A_1415 : vector<16xf32>
      %add3A_1417 = arith.constant 5 : i32
      %add3A_1418 = vector.broadcast %add3A_1417 : i32 to vector<16xi32>
      %add3A_1419 = arith.addi %iota3A, %add3A_1418 : vector<16xi32>
      %and3A_1420 = arith.constant 15 : i32
      %and3A_1421 = vector.broadcast %and3A_1420 : i32 to vector<16xi32>
      %and3A_1422 = arith.andi %add3A_1419, %and3A_1421 : vector<16xi32>
      %gather3A_1423 = tpu.vector_load_idx %arg10[%add3A_1346, %and3A_1422] : memref<256x16xf32, #tpu.memory_space<vmem>>[vector<16xi32>, vector<16xi32>], vector<16xf32>,
      %gather3A_1424 = tpu.vector_load_idx %arg11[%add3A_1356, %and3A_1422] : memref<256x16xf32, #tpu.memory_space<vmem>>[vector<16xi32>, vector<16xi32>], vector<16xf32>,
      %gather3A_1425 = tpu.vector_load_idx %arg12[%add3A_1356, %and3A_1422] : memref<256x16xf32, #tpu.memory_space<vmem>>[vector<16xi32>, vector<16xi32>], vector<16xf32>,
      %sub3A_1426 = arith.subf %gather3A_1423, %gather3A_1425 : vector<16xf32>
      %mul3A_1427 = arith.mulf %gather3A_1424, %sub3A_1426 : vector<16xf32>
      %add3A_1428 = arith.addf %add3A_1416, %mul3A_1427 : vector<16xf32>
      %add3A_1429 = arith.constant 6 : i32
      %add3A_1430 = vector.broadcast %add3A_1429 : i32 to vector<16xi32>
      %add3A_1431 = arith.addi %iota3A, %add3A_1430 : vector<16xi32>
      %and3A_1432 = arith.constant 15 : i32
      %and3A_1433 = vector.broadcast %and3A_1432 : i32 to vector<16xi32>
      %and3A_1434 = arith.andi %add3A_1431, %and3A_1433 : vector<16xi32>
      %gather3A_1435 = tpu.vector_load_idx %arg10[%add3A_1346, %and3A_1434] : memref<256x16xf32, #tpu.memory_space<vmem>>[vector<16xi32>, vector<16xi32>], vector<16xf32>,
      %gather3A_1436 = tpu.vector_load_idx %arg11[%add3A_1356, %and3A_1434] : memref<256x16xf32, #tpu.memory_space<vmem>>[vector<16xi32>, vector<16xi32>], vector<16xf32>,
      %gather3A_1437 = tpu.vector_load_idx %arg12[%add3A_1356, %and3A_1434] : memref<256x16xf32, #tpu.memory_space<vmem>>[vector<16xi32>, vector<16xi32>], vector<16xf32>,
      %sub3A_1438 = arith.subf %gather3A_1435, %gather3A_1437 : vector<16xf32>
      %mul3A_1439 = arith.mulf %gather3A_1436, %sub3A_1438 : vector<16xf32>
      %add3A_1440 = arith.addf %add3A_1428, %mul3A_1439 : vector<16xf32>
      %add3A_1441 = arith.constant 7 : i32
      %add3A_1442 = vector.broadcast %add3A_1441 : i32 to vector<16xi32>
      %add3A_1443 = arith.addi %iota3A, %add3A_1442 : vector<16xi32>
      %and3A_1444 = arith.constant 15 : i32
      %and3A_1445 = vector.broadcast %and3A_1444 : i32 to vector<16xi32>
      %and3A_1446 = arith.andi %add3A_1443, %and3A_1445 : vector<16xi32>
      %gather3A_1447 = tpu.vector_load_idx %arg10[%add3A_1346, %and3A_1446] : memref<256x16xf32, #tpu.memory_space<vmem>>[vector<16xi32>, vector<16xi32>], vector<16xf32>,
      %gather3A_1448 = tpu.vector_load_idx %arg11[%add3A_1356, %and3A_1446] : memref<256x16xf32, #tpu.memory_space<vmem>>[vector<16xi32>, vector<16xi32>], vector<16xf32>,
      %gather3A_1449 = tpu.vector_load_idx %arg12[%add3A_1356, %and3A_1446] : memref<256x16xf32, #tpu.memory_space<vmem>>[vector<16xi32>, vector<16xi32>], vector<16xf32>,
      %sub3A_1450 = arith.subf %gather3A_1447, %gather3A_1449 : vector<16xf32>
      %mul3A_1451 = arith.mulf %gather3A_1448, %sub3A_1450 : vector<16xf32>
      %add3A_1452 = arith.addf %add3A_1440, %mul3A_1451 : vector<16xf32>
      %add3A_1453 = arith.constant 8 : i32
      %add3A_1454 = vector.broadcast %add3A_1453 : i32 to vector<16xi32>
      %add3A_1455 = arith.addi %iota3A, %add3A_1454 : vector<16xi32>
      %and3A_1456 = arith.constant 15 : i32
      %and3A_1457 = vector.broadcast %and3A_1456 : i32 to vector<16xi32>
      %and3A_1458 = arith.andi %add3A_1455, %and3A_1457 : vector<16xi32>
      %gather3A_1459 = tpu.vector_load_idx %arg10[%add3A_1346, %and3A_1458] : memref<256x16xf32, #tpu.memory_space<vmem>>[vector<16xi32>, vector<16xi32>], vector<16xf32>,
      %gather3A_1460 = tpu.vector_load_idx %arg11[%add3A_1356, %and3A_1458] : memref<256x16xf32, #tpu.memory_space<vmem>>[vector<16xi32>, vector<16xi32>], vector<16xf32>,
      %gather3A_1461 = tpu.vector_load_idx %arg12[%add3A_1356, %and3A_1458] : memref<256x16xf32, #tpu.memory_space<vmem>>[vector<16xi32>, vector<16xi32>], vector<16xf32>,
      %sub3A_1462 = arith.subf %gather3A_1459, %gather3A_1461 : vector<16xf32>
      %mul3A_1463 = arith.mulf %gather3A_1460, %sub3A_1462 : vector<16xf32>
      %add3A_1464 = arith.addf %add3A_1452, %mul3A_1463 : vector<16xf32>
      %add3A_1465 = arith.constant 9 : i32
      %add3A_1466 = vector.broadcast %add3A_1465 : i32 to vector<16xi32>
      %add3A_1467 = arith.addi %iota3A, %add3A_1466 : vector<16xi32>
      %and3A_1468 = arith.constant 15 : i32
      %and3A_1469 = vector.broadcast %and3A_1468 : i32 to vector<16xi32>
      %and3A_1470 = arith.andi %add3A_1467, %and3A_1469 : vector<16xi32>
      %gather3A_1471 = tpu.vector_load_idx %arg10[%add3A_1346, %and3A_1470] : memref<256x16xf32, #tpu.memory_space<vmem>>[vector<16xi32>, vector<16xi32>], vector<16xf32>,
      %gather3A_1472 = tpu.vector_load_idx %arg11[%add3A_1356, %and3A_1470] : memref<256x16xf32, #tpu.memory_space<vmem>>[vector<16xi32>, vector<16xi32>], vector<16xf32>,
      %gather3A_1473 = tpu.vector_load_idx %arg12[%add3A_1356, %and3A_1470] : memref<256x16xf32, #tpu.memory_space<vmem>>[vector<16xi32>, vector<16xi32>], vector<16xf32>,
      %sub3A_1474 = arith.subf %gather3A_1471, %gather3A_1473 : vector<16xf32>
      %mul3A_1475 = arith.mulf %gather3A_1472, %sub3A_1474 : vector<16xf32>
      %add3A_1476 = arith.addf %add3A_1464, %mul3A_1475 : vector<16xf32>
      %add3A_1477 = arith.constant 10 : i32
      %add3A_1478 = vector.broadcast %add3A_1477 : i32 to vector<16xi32>
      %add3A_1479 = arith.addi %iota3A, %add3A_1478 : vector<16xi32>
      %and3A_1480 = arith.constant 15 : i32
      %and3A_1481 = vector.broadcast %and3A_1480 : i32 to vector<16xi32>
      %and3A_1482 = arith.andi %add3A_1479, %and3A_1481 : vector<16xi32>
      %gather3A_1483 = tpu.vector_load_idx %arg10[%add3A_1346, %and3A_1482] : memref<256x16xf32, #tpu.memory_space<vmem>>[vector<16xi32>, vector<16xi32>], vector<16xf32>,
      %gather3A_1484 = tpu.vector_load_idx %arg11[%add3A_1356, %and3A_1482] : memref<256x16xf32, #tpu.memory_space<vmem>>[vector<16xi32>, vector<16xi32>], vector<16xf32>,
      %gather3A_1485 = tpu.vector_load_idx %arg12[%add3A_1356, %and3A_1482] : memref<256x16xf32, #tpu.memory_space<vmem>>[vector<16xi32>, vector<16xi32>], vector<16xf32>,
      %sub3A_1486 = arith.subf %gather3A_1483, %gather3A_1485 : vector<16xf32>
      %mul3A_1487 = arith.mulf %gather3A_1484, %sub3A_1486 : vector<16xf32>
      %add3A_1488 = arith.addf %add3A_1476, %mul3A_1487 : vector<16xf32>
      %add3A_1489 = arith.constant 11 : i32
      %add3A_1490 = vector.broadcast %add3A_1489 : i32 to vector<16xi32>
      %add3A_1491 = arith.addi %iota3A, %add3A_1490 : vector<16xi32>
      %and3A_1492 = arith.constant 15 : i32
      %and3A_1493 = vector.broadcast %and3A_1492 : i32 to vector<16xi32>
      %and3A_1494 = arith.andi %add3A_1491, %and3A_1493 : vector<16xi32>
      %gather3A_1495 = tpu.vector_load_idx %arg10[%add3A_1346, %and3A_1494] : memref<256x16xf32, #tpu.memory_space<vmem>>[vector<16xi32>, vector<16xi32>], vector<16xf32>,
      %gather3A_1496 = tpu.vector_load_idx %arg11[%add3A_1356, %and3A_1494] : memref<256x16xf32, #tpu.memory_space<vmem>>[vector<16xi32>, vector<16xi32>], vector<16xf32>,
      %gather3A_1497 = tpu.vector_load_idx %arg12[%add3A_1356, %and3A_1494] : memref<256x16xf32, #tpu.memory_space<vmem>>[vector<16xi32>, vector<16xi32>], vector<16xf32>,
      %sub3A_1498 = arith.subf %gather3A_1495, %gather3A_1497 : vector<16xf32>
      %mul3A_1499 = arith.mulf %gather3A_1496, %sub3A_1498 : vector<16xf32>
      %add3A_1500 = arith.addf %add3A_1488, %mul3A_1499 : vector<16xf32>
      %add3A_1501 = arith.constant 12 : i32
      %add3A_1502 = vector.broadcast %add3A_1501 : i32 to vector<16xi32>
      %add3A_1503 = arith.addi %iota3A, %add3A_1502 : vector<16xi32>
      %and3A_1504 = arith.constant 15 : i32
      %and3A_1505 = vector.broadcast %and3A_1504 : i32 to vector<16xi32>
      %and3A_1506 = arith.andi %add3A_1503, %and3A_1505 : vector<16xi32>
      %gather3A_1507 = tpu.vector_load_idx %arg10[%add3A_1346, %and3A_1506] : memref<256x16xf32, #tpu.memory_space<vmem>>[vector<16xi32>, vector<16xi32>], vector<16xf32>,
      %gather3A_1508 = tpu.vector_load_idx %arg11[%add3A_1356, %and3A_1506] : memref<256x16xf32, #tpu.memory_space<vmem>>[vector<16xi32>, vector<16xi32>], vector<16xf32>,
      %gather3A_1509 = tpu.vector_load_idx %arg12[%add3A_1356, %and3A_1506] : memref<256x16xf32, #tpu.memory_space<vmem>>[vector<16xi32>, vector<16xi32>], vector<16xf32>,
      %sub3A_1510 = arith.subf %gather3A_1507, %gather3A_1509 : vector<16xf32>
      %mul3A_1511 = arith.mulf %gather3A_1508, %sub3A_1510 : vector<16xf32>
      %add3A_1512 = arith.addf %add3A_1500, %mul3A_1511 : vector<16xf32>
      %add3A_1513 = arith.constant 13 : i32
      %add3A_1514 = vector.broadcast %add3A_1513 : i32 to vector<16xi32>
      %add3A_1515 = arith.addi %iota3A, %add3A_1514 : vector<16xi32>
      %and3A_1516 = arith.constant 15 : i32
      %and3A_1517 = vector.broadcast %and3A_1516 : i32 to vector<16xi32>
      %and3A_1518 = arith.andi %add3A_1515, %and3A_1517 : vector<16xi32>
      %gather3A_1519 = tpu.vector_load_idx %arg10[%add3A_1346, %and3A_1518] : memref<256x16xf32, #tpu.memory_space<vmem>>[vector<16xi32>, vector<16xi32>], vector<16xf32>,
      %gather3A_1520 = tpu.vector_load_idx %arg11[%add3A_1356, %and3A_1518] : memref<256x16xf32, #tpu.memory_space<vmem>>[vector<16xi32>, vector<16xi32>], vector<16xf32>,
      %gather3A_1521 = tpu.vector_load_idx %arg12[%add3A_1356, %and3A_1518] : memref<256x16xf32, #tpu.memory_space<vmem>>[vector<16xi32>, vector<16xi32>], vector<16xf32>,
      %sub3A_1522 = arith.subf %gather3A_1519, %gather3A_1521 : vector<16xf32>
      %mul3A_1523 = arith.mulf %gather3A_1520, %sub3A_1522 : vector<16xf32>
      %add3A_1524 = arith.addf %add3A_1512, %mul3A_1523 : vector<16xf32>
      %add3A_1525 = arith.constant 14 : i32
      %add3A_1526 = vector.broadcast %add3A_1525 : i32 to vector<16xi32>
      %add3A_1527 = arith.addi %iota3A, %add3A_1526 : vector<16xi32>
      %and3A_1528 = arith.constant 15 : i32
      %and3A_1529 = vector.broadcast %and3A_1528 : i32 to vector<16xi32>
      %and3A_1530 = arith.andi %add3A_1527, %and3A_1529 : vector<16xi32>
      %gather3A_1531 = tpu.vector_load_idx %arg10[%add3A_1346, %and3A_1530] : memref<256x16xf32, #tpu.memory_space<vmem>>[vector<16xi32>, vector<16xi32>], vector<16xf32>,
      %gather3A_1532 = tpu.vector_load_idx %arg11[%add3A_1356, %and3A_1530] : memref<256x16xf32, #tpu.memory_space<vmem>>[vector<16xi32>, vector<16xi32>], vector<16xf32>,
      %gather3A_1533 = tpu.vector_load_idx %arg12[%add3A_1356, %and3A_1530] : memref<256x16xf32, #tpu.memory_space<vmem>>[vector<16xi32>, vector<16xi32>], vector<16xf32>,
      %sub3A_1534 = arith.subf %gather3A_1531, %gather3A_1533 : vector<16xf32>
      %mul3A_1535 = arith.mulf %gather3A_1532, %sub3A_1534 : vector<16xf32>
      %add3A_1536 = arith.addf %add3A_1524, %mul3A_1535 : vector<16xf32>
      %add3A_1537 = arith.constant 15 : i32
      %add3A_1538 = vector.broadcast %add3A_1537 : i32 to vector<16xi32>
      %add3A_1539 = arith.addi %iota3A, %add3A_1538 : vector<16xi32>
      %and3A_1540 = arith.constant 15 : i32
      %and3A_1541 = vector.broadcast %and3A_1540 : i32 to vector<16xi32>
      %and3A_1542 = arith.andi %add3A_1539, %and3A_1541 : vector<16xi32>
      %gather3A_1543 = tpu.vector_load_idx %arg10[%add3A_1346, %and3A_1542] : memref<256x16xf32, #tpu.memory_space<vmem>>[vector<16xi32>, vector<16xi32>], vector<16xf32>,
      %gather3A_1544 = tpu.vector_load_idx %arg11[%add3A_1356, %and3A_1542] : memref<256x16xf32, #tpu.memory_space<vmem>>[vector<16xi32>, vector<16xi32>], vector<16xf32>,
      %gather3A_1545 = tpu.vector_load_idx %arg12[%add3A_1356, %and3A_1542] : memref<256x16xf32, #tpu.memory_space<vmem>>[vector<16xi32>, vector<16xi32>], vector<16xf32>,
      %sub3A_1546 = arith.subf %gather3A_1543, %gather3A_1545 : vector<16xf32>
      %mul3A_1547 = arith.mulf %gather3A_1544, %sub3A_1546 : vector<16xf32>
      %add3A_1548 = arith.addf %add3A_1536, %mul3A_1547 : vector<16xf32>
      %neg3A = arith.constant 0.000000e+00 : f32
      %neg3A_1549 = vector.broadcast %neg3A : f32 to vector<16xf32>
      %neg3A_1550 = arith.subf %neg3A_1549, %broadcast_in_dim3A_3 : vector<16xf32>
      %mul3A_1551 = arith.mulf %neg3A_1550, %add3A_1548 : vector<16xf32>
      %exp3A = math.exp %mul3A_1551 : vector<16xf32>
      %add3A_1552 = arith.addf %broadcast_in_dim3A_5, %exp3A : vector<16xf32>
      %div3A = arith.divf %broadcast_in_dim3A_5, %add3A_1552 : vector<16xf32>
      %mul3A_1553 = arith.mulf %broadcast_in_dim3A_7, %div3A : vector<16xf32>
      %add3A_1554 = arith.addf %broadcast_in_dim3A_7, %mul3A_1553 : vector<16xf32>
      %swap3A = arith.index_cast %add3A_1332 : i32 to index
      %swap3A_1555 = tpu.vector_load %arg13[%swap3A] {strides = array<i32>} : memref<512xf32, #tpu.memory_space<vmem>>, vector<16xf32>,
      tpu.vector_store %arg13[%swap3A], %add3A_1554 {strides = array<i32>} : memref<512xf32, #tpu.memory_space<vmem>>, vector<16xf32>,
      %mul3A_1556 = arith.constant 32 : i32
      %mul3A_1557 = arith.muli %scan3A_13, %mul3A_1556 : i32
      %add3A_1558 = arith.constant 16 : i32
      %add3A_1559 = arith.addi %mul3A_1557, %add3A_1558 : i32
      %get3A_1560 = arith.index_cast %add3A_1559 : i32 to index
      %get3A_1561 = tpu.vector_load %arg8[%get3A_1560] {strides = array<i32>} : memref<512xi32, #tpu.memory_space<vmem>>, vector<16xi32>,
      %get3A_1562 = arith.index_cast %add3A_1559 : i32 to index
      %get3A_1563 = tpu.vector_load %arg9[%get3A_1562] {strides = array<i32>} : memref<512xi32, #tpu.memory_space<vmem>>, vector<16xi32>,
      %add3A_1564 = arith.constant 16 : i32
      %add3A_1565 = vector.broadcast %add3A_1564 : i32 to vector<16xi32>
      %add3A_1566 = arith.addi %iota3A, %add3A_1565 : vector<16xi32>
      %mul3A_1567 = arith.constant 8 : i32
      %mul3A_1568 = vector.broadcast %mul3A_1567 : i32 to vector<16xi32>
      %mul3A_1569 = arith.muli %add3A_1566, %mul3A_1568 : vector<16xi32>
      %and3A_1570 = arith.constant 7 : i32
      %and3A_1571 = vector.broadcast %and3A_1570 : i32 to vector<16xi32>
      %and3A_1572 = arith.andi %get3A_1561, %and3A_1571 : vector<16xi32>
      %add3A_1573 = arith.addi %mul3A_1569, %and3A_1572 : vector<16xi32>
      %add3A_1574 = arith.constant 16 : i32
      %add3A_1575 = vector.broadcast %add3A_1574 : i32 to vector<16xi32>
      %add3A_1576 = arith.addi %iota3A, %add3A_1575 : vector<16xi32>
      %mul3A_1577 = arith.constant 8 : i32
      %mul3A_1578 = vector.broadcast %mul3A_1577 : i32 to vector<16xi32>
      %mul3A_1579 = arith.muli %add3A_1576, %mul3A_1578 : vector<16xi32>
      %and3A_1580 = arith.constant 7 : i32
      %and3A_1581 = vector.broadcast %and3A_1580 : i32 to vector<16xi32>
      %and3A_1582 = arith.andi %get3A_1563, %and3A_1581 : vector<16xi32>
      %add3A_1583 = arith.addi %mul3A_1579, %and3A_1582 : vector<16xi32>
      %broadcast_in_dim3A_1584 = arith.constant 0.000000e+00 : f32
      %broadcast_in_dim3A_1585 = vector.broadcast %broadcast_in_dim3A_1584 : f32 to vector<16xf32>
      %add3A_1586 = arith.constant 0 : i32
      %add3A_1587 = vector.broadcast %add3A_1586 : i32 to vector<16xi32>
      %add3A_1588 = arith.addi %iota3A, %add3A_1587 : vector<16xi32>
      %and3A_1589 = arith.constant 15 : i32
      %and3A_1590 = vector.broadcast %and3A_1589 : i32 to vector<16xi32>
      %and3A_1591 = arith.andi %add3A_1588, %and3A_1590 : vector<16xi32>
      %gather3A_1592 = tpu.vector_load_idx %arg10[%add3A_1573, %and3A_1591] : memref<256x16xf32, #tpu.memory_space<vmem>>[vector<16xi32>, vector<16xi32>], vector<16xf32>,
      %gather3A_1593 = tpu.vector_load_idx %arg11[%add3A_1583, %and3A_1591] : memref<256x16xf32, #tpu.memory_space<vmem>>[vector<16xi32>, vector<16xi32>], vector<16xf32>,
      %gather3A_1594 = tpu.vector_load_idx %arg12[%add3A_1583, %and3A_1591] : memref<256x16xf32, #tpu.memory_space<vmem>>[vector<16xi32>, vector<16xi32>], vector<16xf32>,
      %sub3A_1595 = arith.subf %gather3A_1592, %gather3A_1594 : vector<16xf32>
      %mul3A_1596 = arith.mulf %gather3A_1593, %sub3A_1595 : vector<16xf32>
      %add3A_1597 = arith.addf %broadcast_in_dim3A_1585, %mul3A_1596 : vector<16xf32>
      %add3A_1598 = arith.constant 1 : i32
      %add3A_1599 = vector.broadcast %add3A_1598 : i32 to vector<16xi32>
      %add3A_1600 = arith.addi %iota3A, %add3A_1599 : vector<16xi32>
      %and3A_1601 = arith.constant 15 : i32
      %and3A_1602 = vector.broadcast %and3A_1601 : i32 to vector<16xi32>
      %and3A_1603 = arith.andi %add3A_1600, %and3A_1602 : vector<16xi32>
      %gather3A_1604 = tpu.vector_load_idx %arg10[%add3A_1573, %and3A_1603] : memref<256x16xf32, #tpu.memory_space<vmem>>[vector<16xi32>, vector<16xi32>], vector<16xf32>,
      %gather3A_1605 = tpu.vector_load_idx %arg11[%add3A_1583, %and3A_1603] : memref<256x16xf32, #tpu.memory_space<vmem>>[vector<16xi32>, vector<16xi32>], vector<16xf32>,
      %gather3A_1606 = tpu.vector_load_idx %arg12[%add3A_1583, %and3A_1603] : memref<256x16xf32, #tpu.memory_space<vmem>>[vector<16xi32>, vector<16xi32>], vector<16xf32>,
      %sub3A_1607 = arith.subf %gather3A_1604, %gather3A_1606 : vector<16xf32>
      %mul3A_1608 = arith.mulf %gather3A_1605, %sub3A_1607 : vector<16xf32>
      %add3A_1609 = arith.addf %add3A_1597, %mul3A_1608 : vector<16xf32>
      %add3A_1610 = arith.constant 2 : i32
      %add3A_1611 = vector.broadcast %add3A_1610 : i32 to vector<16xi32>
      %add3A_1612 = arith.addi %iota3A, %add3A_1611 : vector<16xi32>
      %and3A_1613 = arith.constant 15 : i32
      %and3A_1614 = vector.broadcast %and3A_1613 : i32 to vector<16xi32>
      %and3A_1615 = arith.andi %add3A_1612, %and3A_1614 : vector<16xi32>
      %gather3A_1616 = tpu.vector_load_idx %arg10[%add3A_1573, %and3A_1615] : memref<256x16xf32, #tpu.memory_space<vmem>>[vector<16xi32>, vector<16xi32>], vector<16xf32>,
      %gather3A_1617 = tpu.vector_load_idx %arg11[%add3A_1583, %and3A_1615] : memref<256x16xf32, #tpu.memory_space<vmem>>[vector<16xi32>, vector<16xi32>], vector<16xf32>,
      %gather3A_1618 = tpu.vector_load_idx %arg12[%add3A_1583, %and3A_1615] : memref<256x16xf32, #tpu.memory_space<vmem>>[vector<16xi32>, vector<16xi32>], vector<16xf32>,
      %sub3A_1619 = arith.subf %gather3A_1616, %gather3A_1618 : vector<16xf32>
      %mul3A_1620 = arith.mulf %gather3A_1617, %sub3A_1619 : vector<16xf32>
      %add3A_1621 = arith.addf %add3A_1609, %mul3A_1620 : vector<16xf32>
      %add3A_1622 = arith.constant 3 : i32
      %add3A_1623 = vector.broadcast %add3A_1622 : i32 to vector<16xi32>
      %add3A_1624 = arith.addi %iota3A, %add3A_1623 : vector<16xi32>
      %and3A_1625 = arith.constant 15 : i32
      %and3A_1626 = vector.broadcast %and3A_1625 : i32 to vector<16xi32>
      %and3A_1627 = arith.andi %add3A_1624, %and3A_1626 : vector<16xi32>
      %gather3A_1628 = tpu.vector_load_idx %arg10[%add3A_1573, %and3A_1627] : memref<256x16xf32, #tpu.memory_space<vmem>>[vector<16xi32>, vector<16xi32>], vector<16xf32>,
      %gather3A_1629 = tpu.vector_load_idx %arg11[%add3A_1583, %and3A_1627] : memref<256x16xf32, #tpu.memory_space<vmem>>[vector<16xi32>, vector<16xi32>], vector<16xf32>,
      %gather3A_1630 = tpu.vector_load_idx %arg12[%add3A_1583, %and3A_1627] : memref<256x16xf32, #tpu.memory_space<vmem>>[vector<16xi32>, vector<16xi32>], vector<16xf32>,
      %sub3A_1631 = arith.subf %gather3A_1628, %gather3A_1630 : vector<16xf32>
      %mul3A_1632 = arith.mulf %gather3A_1629, %sub3A_1631 : vector<16xf32>
      %add3A_1633 = arith.addf %add3A_1621, %mul3A_1632 : vector<16xf32>
      %add3A_1634 = arith.constant 4 : i32
      %add3A_1635 = vector.broadcast %add3A_1634 : i32 to vector<16xi32>
      %add3A_1636 = arith.addi %iota3A, %add3A_1635 : vector<16xi32>
      %and3A_1637 = arith.constant 15 : i32
      %and3A_1638 = vector.broadcast %and3A_1637 : i32 to vector<16xi32>
      %and3A_1639 = arith.andi %add3A_1636, %and3A_1638 : vector<16xi32>
      %gather3A_1640 = tpu.vector_load_idx %arg10[%add3A_1573, %and3A_1639] : memref<256x16xf32, #tpu.memory_space<vmem>>[vector<16xi32>, vector<16xi32>], vector<16xf32>,
      %gather3A_1641 = tpu.vector_load_idx %arg11[%add3A_1583, %and3A_1639] : memref<256x16xf32, #tpu.memory_space<vmem>>[vector<16xi32>, vector<16xi32>], vector<16xf32>,
      %gather3A_1642 = tpu.vector_load_idx %arg12[%add3A_1583, %and3A_1639] : memref<256x16xf32, #tpu.memory_space<vmem>>[vector<16xi32>, vector<16xi32>], vector<16xf32>,
      %sub3A_1643 = arith.subf %gather3A_1640, %gather3A_1642 : vector<16xf32>
      %mul3A_1644 = arith.mulf %gather3A_1641, %sub3A_1643 : vector<16xf32>
      %add3A_1645 = arith.addf %add3A_1633, %mul3A_1644 : vector<16xf32>
      %add3A_1646 = arith.constant 5 : i32
      %add3A_1647 = vector.broadcast %add3A_1646 : i32 to vector<16xi32>
      %add3A_1648 = arith.addi %iota3A, %add3A_1647 : vector<16xi32>
      %and3A_1649 = arith.constant 15 : i32
      %and3A_1650 = vector.broadcast %and3A_1649 : i32 to vector<16xi32>
      %and3A_1651 = arith.andi %add3A_1648, %and3A_1650 : vector<16xi32>
      %gather3A_1652 = tpu.vector_load_idx %arg10[%add3A_1573, %and3A_1651] : memref<256x16xf32, #tpu.memory_space<vmem>>[vector<16xi32>, vector<16xi32>], vector<16xf32>,
      %gather3A_1653 = tpu.vector_load_idx %arg11[%add3A_1583, %and3A_1651] : memref<256x16xf32, #tpu.memory_space<vmem>>[vector<16xi32>, vector<16xi32>], vector<16xf32>,
      %gather3A_1654 = tpu.vector_load_idx %arg12[%add3A_1583, %and3A_1651] : memref<256x16xf32, #tpu.memory_space<vmem>>[vector<16xi32>, vector<16xi32>], vector<16xf32>,
      %sub3A_1655 = arith.subf %gather3A_1652, %gather3A_1654 : vector<16xf32>
      %mul3A_1656 = arith.mulf %gather3A_1653, %sub3A_1655 : vector<16xf32>
      %add3A_1657 = arith.addf %add3A_1645, %mul3A_1656 : vector<16xf32>
      %add3A_1658 = arith.constant 6 : i32
      %add3A_1659 = vector.broadcast %add3A_1658 : i32 to vector<16xi32>
      %add3A_1660 = arith.addi %iota3A, %add3A_1659 : vector<16xi32>
      %and3A_1661 = arith.constant 15 : i32
      %and3A_1662 = vector.broadcast %and3A_1661 : i32 to vector<16xi32>
      %and3A_1663 = arith.andi %add3A_1660, %and3A_1662 : vector<16xi32>
      %gather3A_1664 = tpu.vector_load_idx %arg10[%add3A_1573, %and3A_1663] : memref<256x16xf32, #tpu.memory_space<vmem>>[vector<16xi32>, vector<16xi32>], vector<16xf32>,
      %gather3A_1665 = tpu.vector_load_idx %arg11[%add3A_1583, %and3A_1663] : memref<256x16xf32, #tpu.memory_space<vmem>>[vector<16xi32>, vector<16xi32>], vector<16xf32>,
      %gather3A_1666 = tpu.vector_load_idx %arg12[%add3A_1583, %and3A_1663] : memref<256x16xf32, #tpu.memory_space<vmem>>[vector<16xi32>, vector<16xi32>], vector<16xf32>,
      %sub3A_1667 = arith.subf %gather3A_1664, %gather3A_1666 : vector<16xf32>
      %mul3A_1668 = arith.mulf %gather3A_1665, %sub3A_1667 : vector<16xf32>
      %add3A_1669 = arith.addf %add3A_1657, %mul3A_1668 : vector<16xf32>
      %add3A_1670 = arith.constant 7 : i32
      %add3A_1671 = vector.broadcast %add3A_1670 : i32 to vector<16xi32>
      %add3A_1672 = arith.addi %iota3A, %add3A_1671 : vector<16xi32>
      %and3A_1673 = arith.constant 15 : i32
      %and3A_1674 = vector.broadcast %and3A_1673 : i32 to vector<16xi32>
      %and3A_1675 = arith.andi %add3A_1672, %and3A_1674 : vector<16xi32>
      %gather3A_1676 = tpu.vector_load_idx %arg10[%add3A_1573, %and3A_1675] : memref<256x16xf32, #tpu.memory_space<vmem>>[vector<16xi32>, vector<16xi32>], vector<16xf32>,
      %gather3A_1677 = tpu.vector_load_idx %arg11[%add3A_1583, %and3A_1675] : memref<256x16xf32, #tpu.memory_space<vmem>>[vector<16xi32>, vector<16xi32>], vector<16xf32>,
      %gather3A_1678 = tpu.vector_load_idx %arg12[%add3A_1583, %and3A_1675] : memref<256x16xf32, #tpu.memory_space<vmem>>[vector<16xi32>, vector<16xi32>], vector<16xf32>,
      %sub3A_1679 = arith.subf %gather3A_1676, %gather3A_1678 : vector<16xf32>
      %mul3A_1680 = arith.mulf %gather3A_1677, %sub3A_1679 : vector<16xf32>
      %add3A_1681 = arith.addf %add3A_1669, %mul3A_1680 : vector<16xf32>
      %add3A_1682 = arith.constant 8 : i32
      %add3A_1683 = vector.broadcast %add3A_1682 : i32 to vector<16xi32>
      %add3A_1684 = arith.addi %iota3A, %add3A_1683 : vector<16xi32>
      %and3A_1685 = arith.constant 15 : i32
      %and3A_1686 = vector.broadcast %and3A_1685 : i32 to vector<16xi32>
      %and3A_1687 = arith.andi %add3A_1684, %and3A_1686 : vector<16xi32>
      %gather3A_1688 = tpu.vector_load_idx %arg10[%add3A_1573, %and3A_1687] : memref<256x16xf32, #tpu.memory_space<vmem>>[vector<16xi32>, vector<16xi32>], vector<16xf32>,
      %gather3A_1689 = tpu.vector_load_idx %arg11[%add3A_1583, %and3A_1687] : memref<256x16xf32, #tpu.memory_space<vmem>>[vector<16xi32>, vector<16xi32>], vector<16xf32>,
      %gather3A_1690 = tpu.vector_load_idx %arg12[%add3A_1583, %and3A_1687] : memref<256x16xf32, #tpu.memory_space<vmem>>[vector<16xi32>, vector<16xi32>], vector<16xf32>,
      %sub3A_1691 = arith.subf %gather3A_1688, %gather3A_1690 : vector<16xf32>
      %mul3A_1692 = arith.mulf %gather3A_1689, %sub3A_1691 : vector<16xf32>
      %add3A_1693 = arith.addf %add3A_1681, %mul3A_1692 : vector<16xf32>
      %add3A_1694 = arith.constant 9 : i32
      %add3A_1695 = vector.broadcast %add3A_1694 : i32 to vector<16xi32>
      %add3A_1696 = arith.addi %iota3A, %add3A_1695 : vector<16xi32>
      %and3A_1697 = arith.constant 15 : i32
      %and3A_1698 = vector.broadcast %and3A_1697 : i32 to vector<16xi32>
      %and3A_1699 = arith.andi %add3A_1696, %and3A_1698 : vector<16xi32>
      %gather3A_1700 = tpu.vector_load_idx %arg10[%add3A_1573, %and3A_1699] : memref<256x16xf32, #tpu.memory_space<vmem>>[vector<16xi32>, vector<16xi32>], vector<16xf32>,
      %gather3A_1701 = tpu.vector_load_idx %arg11[%add3A_1583, %and3A_1699] : memref<256x16xf32, #tpu.memory_space<vmem>>[vector<16xi32>, vector<16xi32>], vector<16xf32>,
      %gather3A_1702 = tpu.vector_load_idx %arg12[%add3A_1583, %and3A_1699] : memref<256x16xf32, #tpu.memory_space<vmem>>[vector<16xi32>, vector<16xi32>], vector<16xf32>,
      %sub3A_1703 = arith.subf %gather3A_1700, %gather3A_1702 : vector<16xf32>
      %mul3A_1704 = arith.mulf %gather3A_1701, %sub3A_1703 : vector<16xf32>
      %add3A_1705 = arith.addf %add3A_1693, %mul3A_1704 : vector<16xf32>
      %add3A_1706 = arith.constant 10 : i32
      %add3A_1707 = vector.broadcast %add3A_1706 : i32 to vector<16xi32>
      %add3A_1708 = arith.addi %iota3A, %add3A_1707 : vector<16xi32>
      %and3A_1709 = arith.constant 15 : i32
      %and3A_1710 = vector.broadcast %and3A_1709 : i32 to vector<16xi32>
      %and3A_1711 = arith.andi %add3A_1708, %and3A_1710 : vector<16xi32>
      %gather3A_1712 = tpu.vector_load_idx %arg10[%add3A_1573, %and3A_1711] : memref<256x16xf32, #tpu.memory_space<vmem>>[vector<16xi32>, vector<16xi32>], vector<16xf32>,
      %gather3A_1713 = tpu.vector_load_idx %arg11[%add3A_1583, %and3A_1711] : memref<256x16xf32, #tpu.memory_space<vmem>>[vector<16xi32>, vector<16xi32>], vector<16xf32>,
      %gather3A_1714 = tpu.vector_load_idx %arg12[%add3A_1583, %and3A_1711] : memref<256x16xf32, #tpu.memory_space<vmem>>[vector<16xi32>, vector<16xi32>], vector<16xf32>,
      %sub3A_1715 = arith.subf %gather3A_1712, %gather3A_1714 : vector<16xf32>
      %mul3A_1716 = arith.mulf %gather3A_1713, %sub3A_1715 : vector<16xf32>
      %add3A_1717 = arith.addf %add3A_1705, %mul3A_1716 : vector<16xf32>
      %add3A_1718 = arith.constant 11 : i32
      %add3A_1719 = vector.broadcast %add3A_1718 : i32 to vector<16xi32>
      %add3A_1720 = arith.addi %iota3A, %add3A_1719 : vector<16xi32>
      %and3A_1721 = arith.constant 15 : i32
      %and3A_1722 = vector.broadcast %and3A_1721 : i32 to vector<16xi32>
      %and3A_1723 = arith.andi %add3A_1720, %and3A_1722 : vector<16xi32>
      %gather3A_1724 = tpu.vector_load_idx %arg10[%add3A_1573, %and3A_1723] : memref<256x16xf32, #tpu.memory_space<vmem>>[vector<16xi32>, vector<16xi32>], vector<16xf32>,
      %gather3A_1725 = tpu.vector_load_idx %arg11[%add3A_1583, %and3A_1723] : memref<256x16xf32, #tpu.memory_space<vmem>>[vector<16xi32>, vector<16xi32>], vector<16xf32>,
      %gather3A_1726 = tpu.vector_load_idx %arg12[%add3A_1583, %and3A_1723] : memref<256x16xf32, #tpu.memory_space<vmem>>[vector<16xi32>, vector<16xi32>], vector<16xf32>,
      %sub3A_1727 = arith.subf %gather3A_1724, %gather3A_1726 : vector<16xf32>
      %mul3A_1728 = arith.mulf %gather3A_1725, %sub3A_1727 : vector<16xf32>
      %add3A_1729 = arith.addf %add3A_1717, %mul3A_1728 : vector<16xf32>
      %add3A_1730 = arith.constant 12 : i32
      %add3A_1731 = vector.broadcast %add3A_1730 : i32 to vector<16xi32>
      %add3A_1732 = arith.addi %iota3A, %add3A_1731 : vector<16xi32>
      %and3A_1733 = arith.constant 15 : i32
      %and3A_1734 = vector.broadcast %and3A_1733 : i32 to vector<16xi32>
      %and3A_1735 = arith.andi %add3A_1732, %and3A_1734 : vector<16xi32>
      %gather3A_1736 = tpu.vector_load_idx %arg10[%add3A_1573, %and3A_1735] : memref<256x16xf32, #tpu.memory_space<vmem>>[vector<16xi32>, vector<16xi32>], vector<16xf32>,
      %gather3A_1737 = tpu.vector_load_idx %arg11[%add3A_1583, %and3A_1735] : memref<256x16xf32, #tpu.memory_space<vmem>>[vector<16xi32>, vector<16xi32>], vector<16xf32>,
      %gather3A_1738 = tpu.vector_load_idx %arg12[%add3A_1583, %and3A_1735] : memref<256x16xf32, #tpu.memory_space<vmem>>[vector<16xi32>, vector<16xi32>], vector<16xf32>,
      %sub3A_1739 = arith.subf %gather3A_1736, %gather3A_1738 : vector<16xf32>
      %mul3A_1740 = arith.mulf %gather3A_1737, %sub3A_1739 : vector<16xf32>
      %add3A_1741 = arith.addf %add3A_1729, %mul3A_1740 : vector<16xf32>
      %add3A_1742 = arith.constant 13 : i32
      %add3A_1743 = vector.broadcast %add3A_1742 : i32 to vector<16xi32>
      %add3A_1744 = arith.addi %iota3A, %add3A_1743 : vector<16xi32>
      %and3A_1745 = arith.constant 15 : i32
      %and3A_1746 = vector.broadcast %and3A_1745 : i32 to vector<16xi32>
      %and3A_1747 = arith.andi %add3A_1744, %and3A_1746 : vector<16xi32>
      %gather3A_1748 = tpu.vector_load_idx %arg10[%add3A_1573, %and3A_1747] : memref<256x16xf32, #tpu.memory_space<vmem>>[vector<16xi32>, vector<16xi32>], vector<16xf32>,
      %gather3A_1749 = tpu.vector_load_idx %arg11[%add3A_1583, %and3A_1747] : memref<256x16xf32, #tpu.memory_space<vmem>>[vector<16xi32>, vector<16xi32>], vector<16xf32>,
      %gather3A_1750 = tpu.vector_load_idx %arg12[%add3A_1583, %and3A_1747] : memref<256x16xf32, #tpu.memory_space<vmem>>[vector<16xi32>, vector<16xi32>], vector<16xf32>,
      %sub3A_1751 = arith.subf %gather3A_1748, %gather3A_1750 : vector<16xf32>
      %mul3A_1752 = arith.mulf %gather3A_1749, %sub3A_1751 : vector<16xf32>
      %add3A_1753 = arith.addf %add3A_1741, %mul3A_1752 : vector<16xf32>
      %add3A_1754 = arith.constant 14 : i32
      %add3A_1755 = vector.broadcast %add3A_1754 : i32 to vector<16xi32>
      %add3A_1756 = arith.addi %iota3A, %add3A_1755 : vector<16xi32>
      %and3A_1757 = arith.constant 15 : i32
      %and3A_1758 = vector.broadcast %and3A_1757 : i32 to vector<16xi32>
      %and3A_1759 = arith.andi %add3A_1756, %and3A_1758 : vector<16xi32>
      %gather3A_1760 = tpu.vector_load_idx %arg10[%add3A_1573, %and3A_1759] : memref<256x16xf32, #tpu.memory_space<vmem>>[vector<16xi32>, vector<16xi32>], vector<16xf32>,
      %gather3A_1761 = tpu.vector_load_idx %arg11[%add3A_1583, %and3A_1759] : memref<256x16xf32, #tpu.memory_space<vmem>>[vector<16xi32>, vector<16xi32>], vector<16xf32>,
      %gather3A_1762 = tpu.vector_load_idx %arg12[%add3A_1583, %and3A_1759] : memref<256x16xf32, #tpu.memory_space<vmem>>[vector<16xi32>, vector<16xi32>], vector<16xf32>,
      %sub3A_1763 = arith.subf %gather3A_1760, %gather3A_1762 : vector<16xf32>
      %mul3A_1764 = arith.mulf %gather3A_1761, %sub3A_1763 : vector<16xf32>
      %add3A_1765 = arith.addf %add3A_1753, %mul3A_1764 : vector<16xf32>
      %add3A_1766 = arith.constant 15 : i32
      %add3A_1767 = vector.broadcast %add3A_1766 : i32 to vector<16xi32>
      %add3A_1768 = arith.addi %iota3A, %add3A_1767 : vector<16xi32>
      %and3A_1769 = arith.constant 15 : i32
      %and3A_1770 = vector.broadcast %and3A_1769 : i32 to vector<16xi32>
      %and3A_1771 = arith.andi %add3A_1768, %and3A_1770 : vector<16xi32>
      %gather3A_1772 = tpu.vector_load_idx %arg10[%add3A_1573, %and3A_1771] : memref<256x16xf32, #tpu.memory_space<vmem>>[vector<16xi32>, vector<16xi32>], vector<16xf32>,
      %gather3A_1773 = tpu.vector_load_idx %arg11[%add3A_1583, %and3A_1771] : memref<256x16xf32, #tpu.memory_space<vmem>>[vector<16xi32>, vector<16xi32>], vector<16xf32>,
      %gather3A_1774 = tpu.vector_load_idx %arg12[%add3A_1583, %and3A_1771] : memref<256x16xf32, #tpu.memory_space<vmem>>[vector<16xi32>, vector<16xi32>], vector<16xf32>,
      %sub3A_1775 = arith.subf %gather3A_1772, %gather3A_1774 : vector<16xf32>
      %mul3A_1776 = arith.mulf %gather3A_1773, %sub3A_1775 : vector<16xf32>
      %add3A_1777 = arith.addf %add3A_1765, %mul3A_1776 : vector<16xf32>
      %neg3A_1778 = arith.constant 0.000000e+00 : f32
      %neg3A_1779 = vector.broadcast %neg3A_1778 : f32 to vector<16xf32>
      %neg3A_1780 = arith.subf %neg3A_1779, %broadcast_in_dim3A_3 : vector<16xf32>
      %mul3A_1781 = arith.mulf %neg3A_1780, %add3A_1777 : vector<16xf32>
      %exp3A_1782 = math.exp %mul3A_1781 : vector<16xf32>
      %add3A_1783 = arith.addf %broadcast_in_dim3A_5, %exp3A_1782 : vector<16xf32>
      %div3A_1784 = arith.divf %broadcast_in_dim3A_5, %add3A_1783 : vector<16xf32>
      %mul3A_1785 = arith.mulf %broadcast_in_dim3A_7, %div3A_1784 : vector<16xf32>
      %add3A_1786 = arith.addf %broadcast_in_dim3A_7, %mul3A_1785 : vector<16xf32>
      %swap3A_1787 = arith.index_cast %add3A_1559 : i32 to index
      %swap3A_1788 = tpu.vector_load %arg13[%swap3A_1787] {strides = array<i32>} : memref<512xf32, #tpu.memory_space<vmem>>, vector<16xf32>,
      tpu.vector_store %arg13[%swap3A_1787], %add3A_1786 {strides = array<i32>} : memref<512xf32, #tpu.memory_space<vmem>>, vector<16xf32>,
    }
    %scan3A_12 = arith.constant 16 : i32
    "tpu.region"() ({
      %run_scoped3A = tpu.sem_alloc : memref<!tpu.dma_semaphore, #tpu.memory_space<semaphore_mem>>
      %dma_start3A = tpu.memref_slice %arg7[%mul3A_2] : memref<16384xf32, #tpu.memory_space<hbm>> -> memref<512xf32, #tpu.memory_space<hbm>>
      %dma_start3A_13 = tpu.memref_slice %arg7[%mul3A_2] : memref<16384xf32, #tpu.memory_space<hbm>> -> memref<512xf32, #tpu.memory_space<hbm>>
      tpu.enqueue_dma source(%arg13 : memref<512xf32, #tpu.memory_space<vmem>>) target(%dma_start3A_13 : memref<512xf32, #tpu.memory_space<hbm>>) target_semaphore(%run_scoped3A : memref<!tpu.dma_semaphore, #tpu.memory_space<semaphore_mem>>)
      %dma_wait3A = tpu.memref_slice %arg7[%mul3A_2] : memref<16384xf32, #tpu.memory_space<hbm>> -> memref<512xf32, #tpu.memory_space<hbm>>
      %dma_wait3A_14 = tpu.memref_slice %arg7[%mul3A_2] : memref<16384xf32, #tpu.memory_space<hbm>> -> memref<512xf32, #tpu.memory_space<hbm>>
      tpu.wait_dma2 semaphore(%run_scoped3A : memref<!tpu.dma_semaphore, #tpu.memory_space<semaphore_mem>>) src(%arg13 : memref<512xf32, #tpu.memory_space<vmem>>) dst(%dma_wait3A_14 : memref<512xf32, #tpu.memory_space<hbm>>)
      tpu.yield
    }) : () -> ()
    return
  }
}

</mosaic_0001>

<sc_bundles>
// kernel: kernel.3.cloned.1.call-start
scs
__scs_entry_jumppad:
0x0: {  	(pc) =	sbr.rel $0x88, $3  }
0x1: {  	(tag) =	ssettag $0x0;
	lr =	simm.s32 $0x1  }
0x2: {  	[smem:$0x3F9C] =	sst lr;
	_ =	strace $0xD0000000  }
0x3: {  	_ = 	snop  }
0x4: {  	_ = 	snop  }
0x5: {  	_ = 	snop  }
0x6: {  	_ = 	snop  }
0x7: {  	_ = 	snop  }
__scs_overlays_trampoline_lowered:
0x8: {  	[smem:$0x3FAB] =	sst s0  }
0x9: {  	[smem:$0x3FAC] =	sst s1  }
0xa: {  	[smem:$0x3FAD] =	sst s2  }
0xb: {  	[smem:$0x3FAE] =	sst s3  }
0xc: {  	[smem:$0x3FAF] =	sst s4  }
0xd: {  	[smem:$0x3FB0] =	sst s5  }
0xe: {  	[smem:$0x3FB1] =	sst s6  }
0xf: {  	[smem:$0x3FB2] =	sst s7  }
0x10: {  	[smem:$0x3FB3] =	sst s8  }
0x11: {  	[smem:$0x3FB4] =	sst s9;
	s0 =	simm.s32 @!p0 $0x0  }
0x12: {  	s1 =	sld [smem:$0x3F9A];
	s0 =	simm.s32 @p0 $0x1  }
0x13: {  	[smem:$0x3FB5] =	sst s0;
	s0 =	simm.s32 @!p1 $0x0  }
0x14: {  	s2 =	sld [smem:$0x3F99];
	s0 =	simm.s32 @p1 $0x1  }
0x15: {  	[smem:$0x3FB6] =	sst s0;
	s0 =	simm.s32 @!p2 $0x0  }
0x16: {  	s3 =	sld [smem:$0x3FDB];
	s0 =	simm.s32 @p2 $0x1  }
0x17: {  	s4 =	simm.s32 $0x1BF5;
	[smem:$0x3FB8] =	sst s0  }
0x18: {  	s0 =	sld [smem:$0x3F9B];
	_ =	swait.ge [sflag:s4], $0x0  }
0x19: {  	s7 =	sld [smem:$0x3F9C]  }
0x1a: {  	s8 =	sadd.s32 $0xFFFFE003, lr  }
0x1b: {  	s9 =	sadd.s32 $0xFFFFFEF7, lr;
	s5 =	simm.s32 $0xFFFFFFFF;
	p2 =	slt.u32 s8, $0xFFFFF086  }
0x1c: {  	p1 =	slt.u32 s9, $0xF7A;
	s5 =	simm.s32 @!p2 $0x0  }
0x1d: {  	s5 =	simm.s32 @p1 $0x1;
	p0 =	seq.s32 s7, s2  }
0x1e: {  	s7 =	smul.u32 @!p0 $0xF7A, s2;
	p2 =	seq.s32 @!p0 s5, $0x0  }
0x1f: {  	s9 =	smul.u32 $0xF7A, s1;
	s8 =	simm.s32 @!p0 $0x1BF5;
	p2 =	por !p2, p0  }
0x20: {  	[sflag:s8] =	ssyncset.s32 @!p0 $0xFFFFF086;
	s6 =	sadd.s32 @!p0 s3, s7;
	s7 =	simm.s32 @!p0 $0x108  }
0x21: {  	s3 =	sadd.s32 s3, s9;
	s6 =	sadd.s32 @!p0 $0x88, s6;
	s7 =	simm.s32 @p2 $0x1082  }
0x22: {  	[simem:s7], [sflag:s8] =	dma.local @!p0 [hbm:s6], $0xF7A  }
0x23: {  	s9 =	sor.u32 $0xD0000000, s2;
	s6 =	simm.s32 $0x108;
	_ =	swait.ge @!p0 [sflag:s8], $0x0  }
0x24: {  	s3 =	sadd.s32 $0x88, s3;
	s6 =	simm.s32 @!p1 $0x1082;
	[sflag:s4] =	ssyncset.s32 $0xFFFFF086  }
0x25: {  	[simem:s6], [sflag:s4] =	dma.local [hbm:s3], $0xF7A  }
0x26: {  	[smem:$0x3F9C] =	sst s1;
	(tag) =	ssettag s2;
	_ =	strace s9  }
0x27: {  	s1 =	sld [smem:$0x3FAC]  }
0x28: {  	s2 =	sld [smem:$0x3FAD]  }
0x29: {  	s4 =	sld [smem:$0x3FAF]  }
0x2a: {  	p0 =	seq.s32 s5, $0x0;
	s5 =	sld [smem:$0x3FB0]  }
0x2b: {  	s6 =	sld [smem:$0x3FB1]  }
0x2c: {  	s7 =	sld [smem:$0x3FB2]  }
0x2d: {  	s3 =	simm.s32 $0x108;
	s8 =	sld [smem:$0x3FB3]  }
0x2e: {  	s3 =	simm.s32 @!p0 $0x1082;
	s9 =	sld [smem:$0x3FB4]  }
0x2f: {  	lr =	sadd.s32 s0, s3;
	s0 =	sld [smem:$0x3FAB]  }
0x30: {  	s3 =	sld [smem:$0x3FAE]  }
0x31: {  	[smem:$0x3FB7] =	sst s10  }
0x32: {  	s10 =	sld [smem:$0x3FB5];
	_ =	sdelay $0x3  }
0x33: {  	p0 =	seq.s32 s10, $0x1;
	s10 =	sld [smem:$0x3FB7];
	_ =	sdelay $0x3  }
0x34: {  	[smem:$0x3FB7] =	sst s10  }
0x35: {  	s10 =	sld [smem:$0x3FB6];
	_ =	sdelay $0x3  }
0x36: {  	p1 =	seq.s32 s10, $0x1;
	s10 =	sld [smem:$0x3FB7];
	_ =	sdelay $0x3  }
0x37: {  	[smem:$0x3FB7] =	sst s10  }
0x38: {  	s10 =	sld [smem:$0x3FB8]  }
0x39: {  	_ = 	snop;
	(pc) =	sbr.ind lr, $3  }
0x3a: {  	_ = 	snop  }
0x3b: {  	_ = 	snop  }
0x3c: {  	p2 =	seq.s32 s10, $0x1;
	s10 =	sld [smem:$0x3FB7]  }
0x3d: {  	_ =	shalt  }
0x3e: {  	_ =	shalt  }
0x3f: {  	_ =	shalt  }
0x40: {  	_ =	shalt  }
0x41: {  	_ =	shalt  }
0x42: {  	_ =	shalt  }
0x43: {  	_ =	shalt  }
0x44: {  	_ =	shalt  }
0x45: {  	_ =	shalt  }
0x46: {  	_ =	shalt  }
0x47: {  	_ =	shalt  }
0x48: {  	_ =	shalt  }
0x49: {  	_ =	shalt  }
0x4a: {  	_ =	shalt  }
0x4b: {  	_ =	shalt  }
0x4c: {  	_ =	shalt  }
0x4d: {  	_ =	shalt  }
0x4e: {  	_ =	shalt  }
0x4f: {  	_ =	shalt  }
0x50: {  	_ =	shalt  }
0x51: {  	_ =	shalt  }
0x52: {  	_ =	shalt  }
0x53: {  	_ =	shalt  }
0x54: {  	_ =	shalt  }
0x55: {  	_ =	shalt  }
0x56: {  	_ =	shalt  }
0x57: {  	_ =	shalt  }
0x58: {  	_ =	shalt  }
0x59: {  	_ =	shalt  }
0x5a: {  	_ =	shalt  }
0x5b: {  	_ =	shalt  }
0x5c: {  	_ =	shalt  }
0x5d: {  	_ =	shalt  }
0x5e: {  	_ =	shalt  }
0x5f: {  	_ =	shalt  }
0x60: {  	_ =	shalt  }
0x61: {  	_ =	shalt  }
0x62: {  	_ =	shalt  }
0x63: {  	_ =	shalt  }
0x64: {  	_ =	shalt  }
0x65: {  	_ =	shalt  }
0x66: {  	_ =	shalt  }
0x67: {  	_ =	shalt  }
0x68: {  	_ =	shalt  }
0x69: {  	_ =	shalt  }
0x6a: {  	_ =	shalt  }
0x6b: {  	_ =	shalt  }
0x6c: {  	_ =	shalt  }
0x6d: {  	_ =	shalt  }
0x6e: {  	_ =	shalt  }
0x6f: {  	_ =	shalt  }
0x70: {  	_ =	shalt  }
0x71: {  	_ =	shalt  }
0x72: {  	_ =	shalt  }
0x73: {  	_ =	shalt  }
0x74: {  	_ =	shalt  }
0x75: {  	_ =	shalt  }
0x76: {  	_ =	shalt  }
0x77: {  	_ =	shalt  }
0x78: {  	_ =	shalt  }
0x79: {  	_ =	shalt  }
0x7a: {  	_ =	shalt  }
0x7b: {  	_ =	shalt  }
0x7c: {  	_ =	shalt  }
0x7d: {  	_ =	shalt  }
0x7e: {  	_ =	shalt  }
0x7f: {  	_ =	shalt  }
0x80: {  	_ =	shalt  }
0x81: {  	_ =	shalt  }
0x82: {  	_ =	shalt  }
0x83: {  	_ =	shalt  }
0x84: {  	_ =	shalt  }
0x85: {  	_ =	shalt  }
0x86: {  	_ =	shalt  }
0x87: {  	_ =	shalt  }
.Lfunc_end0:
.L_simem_size_0:
called_computation_lowered:
.L_overlay_start_0:
0x88: {  	s2 =	sld [smem:$0x3FD9]  }
0x89: {  	s3 =	sld [smem:$0x3FFE];
	_ =	sdelay $0x1  }
0x8a: {  	s1 =	srdreg.scid  }
0x8b: {  	s0 =	sand.u32 $0x1, s1  }
0x8c: {  	s17 =	sshll.u32 s0, $0xA;
	s2 =	sadd.s32 s3, s2  }
0x8d: {  	s2 =	sadd.s32 s2, s17  }
0x8e: {  	[smem:$0x3FC3] =	sst s2  }
0x8f: {  	_ = 	snop  }
0x90: {  	s2 =	sld [smem:$0x3FC9]  }
0x91: {  	s18 =	sld [smem:$0x3FC8]  }
0x92: {  	s4 =	sld [smem:$0x3FD0];
	(tm) =	ssettm $0x1  }
0x93: {  	s5 =	sld [smem:$0x3FFB];
	_ =	sdelay $0x3  }
0x94: {  	_ =	strace s5  }
0x95: {  	s5 =	sld [smem:$0x3FFC];
	_ =	sdelay $0x3  }
0x96: {  	_ =	strace s5  }
0x97: {  	s5 =	sld [smem:$0x3FFD];
	_ =	sdelay $0x3  }
0x98: {  	_ =	strace s5  }
0x99: {  	_ =	strace $0x8FFFFFFF  }
0x9a: {  	s19 =	sld [smem:$0x3FDB];
	_ =	sdelay $0x1  }
0x9b: {  	s6 =	simm.s32 $_scs_section_size  }
0x9c: {  	s7 =	simm.s32 $_size__tile_overlayer_lowered;
	s8 =	simm.s32 $_tile_overlayer_lowered  }
0x9d: {  	s22 =	simm.s32 $0x1BFF;
	s21 =	sshll.u32 s8, $0x1;
	s5 =	sadd.s32 s6, s19  }
0x9e: {  	s9 =	simm.s32 $0x0;
	s20 =	sshll.u32 s7, $0x1;
	s7 =	sadd.s32 s21, s5  }
0x9f: {  	[timem:s9], [sflag:s22] =	dma.local [hbm:s7], s20  }
0xa0: {  	_ =	swait.ge [sflag:s22], s20  }
0xa1: {  	s6 =	ssub.s32 $0x0, s20;
	[sflag:s22] =	ssyncset.done $0x0  }
0xa2: {  	[sflag:s22] =	ssyncadd.s32 s6;
	_ =	sdelay $0x1  }
0xa3: {  	s23 =	simm.s32 $0x1B8B  }
0xa4: {  	_ =	swait.ge [sflag:s23], $0x1  }
0xa5: {  	[sflag:s23] =	ssyncset.done $0x0  }
0xa6: {  	s25 =	simm.s32 $0x1B8E;
	s24 =	sld [smem:$0x3FFE];
	[sflag:s23] =	ssyncadd.s32 $0xFFFFFFFF  }
0xa7: {  	s26 =	simm.s32 $execute0_lowered;
	[smem:$0x3FD2] =	sst s25  }
0xa8: {  	s7 =	sshll.u32 s26, $0x1;
	_ =	strace $0x80000046;
	[dreg:$0x1] =	wrdreg $0xFFFFFFFF  }
0xa9: {  	s28 =	simm.s32 $_size_execute0_lowered;
	s5 =	sadd.s32 s5, s7;
	[dreg:$0x0] =	wrdreg $0x0  }
0xaa: {  	s7 =	sshll.u32 s28, $0x1;
	[dreg:$0x2] =	wrdreg s5  }
0xab: {  	[dreg:$0x3] =	wrdreg s7  }
0xac: {  	[dreg:$0x4] =	wrdreg $0xC0  }
0xad: {  	_ =	task [dreg:s9], $0x5FFFF  }
0xae: {  	[dreg:$0x1] =	wrdreg $0xFFFFFFFF  }
0xaf: {  	[dreg:$0x0] =	wrdreg $0x60  }
0xb0: {  	[dreg:$0x2] =	wrdreg s2  }
0xb1: {  	[dreg:$0x3] =	wrdreg s18  }
0xb2: {  	[dreg:$0x4] =	wrdreg s24  }
0xb3: {  	[dreg:$0x5] =	wrdreg s4  }
0xb4: {  	[dreg:$0x6] =	wrdreg $0x9  }
0xb5: {  	_ =	task.clear_ibuf [dreg:s9], $0x7FFFF;
	_ =	strace $0x90000046  }
0xb6: {  	s29 =	simm.s32 $0x9;
	_ =	strace $0x80000048  }
0xb7: {  	_ =	swait.ge [sflag:s29], $0x1  }
0xb8: {  	[sflag:s29] =	ssyncadd.s32 $0xFFFFFFFF  }
0xb9: {  	_ =	strace $0x90000048  }
0xba: {  	_ =	sfence  }
0xbb: {  	s30 =	sld [smem:$0x0];
	_ =	sdelay $0x2  }
0xbc: {  	s31 =	sshll.u32 s1, $0xD;
	s1 =	sshrl.u32 s1, $0x2  }
0xbd: {  	s3 =	sand.u32 $0x4000, s31;
	s1 =	sadd.s32 s1, s30  }
0xbe: {  	s0 =	sor.u32 s3, s0;
	s1 =	sshll.u32 s1, $0x11  }
0xbf: {  	s0 =	sor.u32 s1, s0  }
0xc0: {  	s0 =	sadd.s32 $0x8F2B, s0  }
0xc1: {  	[sflag:s0] =	ssyncadd.remote.s32 $0x1  }
0xc2: {  	_ =	sfence.sel $0xFFFF  }
0xc3: {  	[dreg:$0x0] =	wrdreg $0xFFFFFFFF;
	(pc) =	sbr.abs _section_cstart, $3  }
0xc4: {  	[dreg:$0x1] =	wrdreg $0xFFFFFFFF  }
0xc5: {  	_ =	task.clear_ibuf [dreg:s9], $0x2FFFF;
	_ =	strace $0x9FFFFFFF  }
0xc6: {  	(tm) =	ssettm $0x7FFFFFFF  }
0xc7: {  	_ =	shalt  }
tec
execute0_lowered:
.L_overlay_start_1:
0x0: {  	(tag) =	ssettag $0x1  }
0x1: {  	s6 =	rddreg [dreg:$0x0]  }
0x2: {  	s7 =	rddreg [dreg:$0x1]  }
0x3: {  	s4 =	rddreg [dreg:$0x2]  }
0x4: {  	s8 =	rddreg [dreg:$0x3]  }
0x5: {  	s0 =	rddreg [dreg:$0x4];
	s1 =	simm.s32 $0x0  }
0x6: {  	s2 =	simm.s32 $0x800;
	[smem:$0x7FF] =	sst s1  }
0x7: {  	s15 =	simm.s32 $0x8800;
	_ =	strace $0x80000047;
	[dreg:$0x5] =	wrdreg s2  }
0x8: {  	s16 =	simm.s32 $0x10800;
	[dreg:$0x6] =	wrdreg s15  }
0x9: {  	s17 =	simm.s32 $0xC00;
	[dreg:$0x7] =	wrdreg s16  }
0xa: {  	s18 =	simm.s32 $0x8C00;
	[dreg:$0x8] =	wrdreg s17  }
0xb: {  	s19 =	simm.s32 $0x10C00;
	[dreg:$0x9] =	wrdreg s18  }
0xc: {  	s20 =	simm.s32 $0x1000;
	[dreg:$0xa] =	wrdreg s19  }
0xd: {  	s21 =	simm.s32 $0x9000;
	[dreg:$0xb] =	wrdreg s20  }
0xe: {  	s22 =	simm.s32 $0x11000;
	[dreg:$0xc] =	wrdreg s21  }
0xf: {  	s23 =	simm.s32 $0x1400;
	[dreg:$0xd] =	wrdreg s22  }
0x10: {  	s24 =	simm.s32 $0x9400;
	[dreg:$0xe] =	wrdreg s23  }
0x11: {  	s25 =	simm.s32 $0x11400;
	[dreg:$0xf] =	wrdreg s24  }
0x12: {  	s26 =	simm.s32 $0x1800;
	[dreg:$0x10] =	wrdreg s25  }
0x13: {  	s28 =	simm.s32 $0x9800;
	[dreg:$0x11] =	wrdreg s26  }
0x14: {  	s29 =	simm.s32 $0x11800;
	[dreg:$0x12] =	wrdreg s28  }
0x15: {  	s30 =	simm.s32 $0x1C00;
	[dreg:$0x13] =	wrdreg s29  }
0x16: {  	s31 =	simm.s32 $0x9C00;
	[dreg:$0x14] =	wrdreg s30  }
0x17: {  	s3 =	simm.s32 $0x11C00;
	[dreg:$0x15] =	wrdreg s31  }
0x18: {  	s5 =	simm.s32 $0x2000;
	[dreg:$0x16] =	wrdreg s3  }
0x19: {  	s9 =	simm.s32 $0xA000;
	[dreg:$0x17] =	wrdreg s5  }
0x1a: {  	s10 =	simm.s32 $0x12000;
	[dreg:$0x18] =	wrdreg s9  }
0x1b: {  	s11 =	simm.s32 $0x2400;
	[dreg:$0x19] =	wrdreg s10  }
0x1c: {  	s12 =	simm.s32 $0xA400;
	[dreg:$0x1a] =	wrdreg s11  }
0x1d: {  	s13 =	simm.s32 $0x12400;
	[dreg:$0x1b] =	wrdreg s12  }
0x1e: {  	s14 =	simm.s32 $0x2800;
	[dreg:$0x1c] =	wrdreg s13  }
0x1f: {  	[dreg:$0x1d] =	wrdreg s14;
	s15 =	simm.s32 $0xA800  }
0x20: {  	s16 =	simm.s32 $0x12800;
	[dreg:$0x1e] =	wrdreg s15  }
0x21: {  	s17 =	simm.s32 $0x2C00;
	[dreg:$0x1f] =	wrdreg s16  }
0x22: {  	s18 =	simm.s32 $0xAC00;
	[smem:$0x7BC] =	sst s17  }
0x23: {  	s19 =	simm.s32 $0x12C00;
	[smem:$0x7BD] =	sst s18  }
0x24: {  	s20 =	simm.s32 $0x3000;
	[smem:$0x7BE] =	sst s19  }
0x25: {  	s21 =	simm.s32 $0xB000;
	[smem:$0x7BF] =	sst s20  }
0x26: {  	s22 =	simm.s32 $0x13000;
	[smem:$0x7C0] =	sst s21  }
0x27: {  	s23 =	simm.s32 $0x3400;
	[smem:$0x7C1] =	sst s22  }
0x28: {  	s24 =	simm.s32 $0xB400;
	[smem:$0x7C2] =	sst s23  }
0x29: {  	s25 =	simm.s32 $0x13400;
	[smem:$0x7C3] =	sst s24  }
0x2a: {  	s26 =	simm.s32 $0x3800;
	[smem:$0x7C4] =	sst s25  }
0x2b: {  	s28 =	simm.s32 $0xB800;
	[smem:$0x7C5] =	sst s26  }
0x2c: {  	s29 =	simm.s32 $0x13800;
	[smem:$0x7C6] =	sst s28  }
0x2d: {  	s30 =	simm.s32 $0x3C00;
	[smem:$0x7C7] =	sst s29  }
0x2e: {  	s31 =	simm.s32 $0xBC00;
	[smem:$0x7C8] =	sst s30  }
0x2f: {  	s3 =	simm.s32 $0x13C00;
	[smem:$0x7C9] =	sst s31  }
0x30: {  	s5 =	simm.s32 $0x4000;
	[smem:$0x7CA] =	sst s3  }
0x31: {  	s9 =	simm.s32 $0xC000;
	[smem:$0x7CB] =	sst s5  }
0x32: {  	s10 =	simm.s32 $0x14000;
	[smem:$0x7CC] =	sst s9  }
0x33: {  	s11 =	simm.s32 $0x4400;
	[smem:$0x7CD] =	sst s10  }
0x34: {  	s12 =	simm.s32 $0xC400;
	[smem:$0x7CE] =	sst s11  }
0x35: {  	s13 =	simm.s32 $0x14400;
	[smem:$0x7CF] =	sst s12  }
0x36: {  	s14 =	simm.s32 $0x4800;
	[smem:$0x7D0] =	sst s13  }
0x37: {  	[smem:$0x7D1] =	sst s14;
	s15 =	simm.s32 $0xC800  }
0x38: {  	s16 =	simm.s32 $0x14800;
	[smem:$0x7D2] =	sst s15  }
0x39: {  	s17 =	simm.s32 $0x4C00;
	[smem:$0x7D3] =	sst s16  }
0x3a: {  	s18 =	simm.s32 $0xCC00;
	[smem:$0x7D4] =	sst s17  }
0x3b: {  	s19 =	simm.s32 $0x14C00;
	[smem:$0x7D5] =	sst s18  }
0x3c: {  	s20 =	simm.s32 $0x5000;
	[smem:$0x7D6] =	sst s19  }
0x3d: {  	s21 =	simm.s32 $0xD000;
	[smem:$0x7D7] =	sst s20  }
0x3e: {  	s22 =	simm.s32 $0x15000;
	[smem:$0x7D8] =	sst s21  }
0x3f: {  	s23 =	simm.s32 $0x5400;
	[smem:$0x7D9] =	sst s22  }
0x40: {  	s24 =	simm.s32 $0xD400;
	[smem:$0x7DA] =	sst s23  }
0x41: {  	s25 =	simm.s32 $0x15400;
	[smem:$0x7DB] =	sst s24  }
0x42: {  	s26 =	simm.s32 $0x5800;
	[smem:$0x7DC] =	sst s25  }
0x43: {  	s28 =	simm.s32 $0xD800;
	[smem:$0x7DD] =	sst s26  }
0x44: {  	s29 =	simm.s32 $0x15800;
	[smem:$0x7DE] =	sst s28  }
0x45: {  	s30 =	simm.s32 $0x5C00;
	[smem:$0x7DF] =	sst s29  }
0x46: {  	s31 =	simm.s32 $0xDC00;
	[smem:$0x7E0] =	sst s30  }
0x47: {  	s3 =	simm.s32 $0x15C00;
	[smem:$0x7E1] =	sst s31  }
0x48: {  	s5 =	simm.s32 $0x6000;
	[smem:$0x7E2] =	sst s3  }
0x49: {  	s9 =	simm.s32 $0xE000;
	[smem:$0x7E3] =	sst s5  }
0x4a: {  	s10 =	simm.s32 $0x16000;
	[smem:$0x7E4] =	sst s9  }
0x4b: {  	s11 =	simm.s32 $0x6400;
	[smem:$0x7E5] =	sst s10  }
0x4c: {  	v2 =	vimm.s32 $0xFEDCBA9;
	s12 =	simm.s32 $0xE400;
	[smem:$0x7E6] =	sst s11  }
0x4d: {  	v4 =	vimm.s32 $0x87654321;
	v5 =	vimm.s32 $0x98765432;
	s13 =	simm.s32 $0x16400;
	[smem:$0x7E7] =	sst s12  }
0x4e: {  	v6 =	vimm.s32 $0x210FEDCB;
	v7 =	vimm.s32 $0xA9876543;
	s14 =	simm.s32 $0x6800;
	[smem:$0x7E8] =	sst s13  }
0x4f: {  	v17 =	vimm.s32 $0xCBA98765;
	v19 =	vimm.s32 $0x6543210F;
	[smem:$0x7E9] =	sst s14;
	s3 =	simm.s32 $0xE800  }
0x50: {  	v0 =	vlaneseq.u32;
	v20 =	vimm.s32 $0xEDCBA987;
	v21 =	vimm.s32 $0xFEDCBA98;
	s5 =	simm.s32 $0x16800;
	[smem:$0x7EA] =	sst s3  }
0x51: {  	v22 =	vimm.s32 $0x76543210;
	v1 =	vmul.u32 $0x400, v0;
	s15 =	simm.s32 $0x6C00;
	[smem:$0x7EB] =	sst s5  }
0x52: {  	v3 =	vunpack.c.l.s4.s8 v2;
	v5 =	vunpack.c.l.s4.s8 v5;
	v6 =	vunpack.c.l.s4.s8 v6;
	s16 =	simm.s32 $0xEC00;
	[smem:$0x7EC] =	sst s15  }
0x53: {  	v19 =	vunpack.c.l.s4.s8 v19;
	v20 =	vunpack.c.l.s4.s8 v20;
	v21 =	vunpack.c.l.s4.s8 v21;
	s10 =	simm.s32 $0x16C00;
	[smem:$0x7ED] =	sst s16  }
0x54: {  	v2 =	vor.u32 $0x4000, v1;
	v9 =	vunpack.c.0.s8.s32 v3;
	v3 =	vunpack.c.l.s4.s8 v4;
	s17 =	simm.s32 $0x7000;
	[smem:$0x7EE] =	sst s10  }
0x55: {  	v4 =	vimm.s32 $0x10FEDCBA;
	v12 =	vunpack.c.0.s8.s32 v5;
	v13 =	vunpack.c.0.s8.s32 v6;
	s18 =	simm.s32 $0xF000;
	[smem:$0x7EF] =	sst s17  }
0x56: {  	v19 =	vunpack.c.0.s8.s32 v19;
	v20 =	vunpack.c.0.s8.s32 v20;
	v4 =	vunpack.c.l.s4.s8 v4;
	s19 =	simm.s32 $0x17000;
	[smem:$0x7F0] =	sst s18  }
0x57: {  	v21 =	vunpack.c.0.s8.s32 v21;
	s20 =	simm.s32 $0x7400;
	v10 =	vunpack.c.0.s8.s32 v3;
	v3 =	vunpack.c.l.s4.s8 v7;
	[smem:$0x7F1] =	sst s19  }
0x58: {  	s21 =	simm.s32 $0xF400;
	[smem:$0x7F2] =	sst s20;
	v25 =	vcombine.low v20, v19;
	v11 =	vunpack.c.0.s8.s32 v4;
	v4 =	vimm.s32 $0x3210FEDC  }
0x59: {  	s23 =	simm.s32 $0x17400;
	[smem:$0x7F3] =	sst s21;
	v21 =	vand.u32 $0xF, v21;
	v14 =	vunpack.c.0.s8.s32 v3;
	v3 =	vunpack.c.l.s4.s8 v4  }
0x5a: {  	s24 =	simm.s32 $0x7800;
	[smem:$0x7F4] =	sst s23;
	v4 =	vimm.s32 $0xBA987654;
	v5 =	vcombine.low v10, v9;
	v63 =	vcombine.low v9, v10  }
0x5b: {  	s25 =	simm.s32 $0xF800;
	[smem:$0x7F5] =	sst s24;
	v10 =	vand.u32 $0xF, v25;
	v6 =	vcombine.low v12, v11;
	v4 =	vunpack.c.l.s4.s8 v4  }
0x5c: {  	s2 =	sadd.s32 $0x30E000, s4;
	s26 =	simm.s32 $0x17800;
	[smem:$0x7F6] =	sst s25;
	v12 =	vcombine.low v11, v12;
	v7 =	vcombine.low v14, v13;
	v15 =	vunpack.c.0.s8.s32 v3  }
0x5d: {  	s9 =	srdreg.scid;
	s28 =	simm.s32 $0x7C00;
	[smem:$0x7F7] =	sst s26;
	v3 =	vimm.s32 $0x43210FED;
	v13 =	vcombine.low v13, v14;
	v16 =	vunpack.c.0.s8.s32 v4  }
0x5e: {  	s29 =	simm.s32 $0xFC00;
	s30 =	simm.s32 $0x17C00;
	[smem:$0x7F8] =	sst s28;
	v8 =	vunpack.c.l.s4.s8 v3;
	v4 =	vand.u32 $0xF, v6;
	v6 =	vunpack.c.l.s4.s8 v17  }
0x5f: {  	s31 =	simm.s32 $0x8000;
	s13 =	simm.s32 $0x10000;
	[smem:$0x7F9] =	sst s29;
	v11 =	vand.u32 $0xF, v63;
	v3 =	vand.u32 $0xF, v5;
	v12 =	vand.u32 $0xF, v12  }
0x60: {  	s3 =	sadd.s32 $0xC00, s4;
	s4 =	sadd.s32 $0x187600, s4;
	[smem:$0x7FA] =	sst s30;
	v5 =	vand.u32 $0xF, v7;
	v17 =	vunpack.c.0.s8.s32 v8;
	v18 =	vunpack.c.0.s8.s32 v6  }
0x61: {  	s14 =	simm.s32 $0x10400;
	s5 =	stileid.u32;
	[smem:$0x7FB] =	sst s31;
	v6 =	vimm.s32 $0x543210FE;
	v8 =	vimm.s32 $0xDCBA9876;
	v14 =	vcombine.low v15, v16  }
0x62: {  	s9 =	sand.u32 $0x1, s9;
	s10 =	simm.s32 $0x2;
	[smem:$0x7FC] =	sst s13;
	v13 =	vand.u32 $0xF, v13;
	v6 =	vunpack.c.l.s4.s8 v6;
	v8 =	vunpack.c.l.s4.s8 v8  }
0x63: {  	s15 =	simm.s32 $0x18000;
	s13 =	simm.s32 $0x8400;
	s16 =	simm.s32 $0x18400;
	v7 =	vcombine.low v16, v15;
	v15 =	vcombine.low v17, v18;
	v14 =	vand.u32 $0xF, v14  }
0x64: {  	s17 =	simm.s32 $0x0;
	s11 =	ssub.s32 $0x2, s9;
	s22 =	sshll.u32 s5, $0x7;
	v23 =	vunpack.c.0.s8.s32 v6;
	v24 =	vunpack.c.0.s8.s32 v8;
	v8 =	vunpack.c.l.s4.s8 v22  }
0x65: {  	s9 =	sshll.u32 s9, $0x6;
	[smem:$0x7FD] =	sst s15;
	s12 =	sshrl.u32 s11, $0x1;
	v6 =	vand.u32 $0xF, v7;
	v7 =	vcombine.low v18, v17;
	v17 =	vcombine.low v19, v20  }
0x66: {  	s15 =	simm.s32 $0x1;
	s9 =	sor.u32 s9, s22;
	s11 =	ssub.s32 s11, s12;
	v8 =	vunpack.c.0.s8.s32 v8;
	v62 =	vcombine.low v24, v23;
	v16 =	vcombine.low v23, v24  }
0x67: {  	s6 =	sadd.s32 s6, s9;
	s7 =	sadd.s32 s7, s9;
	s8 =	sadd.s32 s8, s9;
	v15 =	vand.u32 $0xF, v15;
	v7 =	vand.u32 $0xF, v7;
	v17 =	vand.u32 $0xF, v17  }
0x68: {  	s12 =	simm.s32 $0x400;
	s9 =	smax.u32 s11, $0x1;
	s11 =	simm.s32 $0x200;
	v8 =	vcombine.low v21, v8;
	v9 =	vand.u32 $0xF, v62;
	v16 =	vand.u32 $0xF, v16  }
.LBB2_1:
0x69: {  	[tilespmem:s1], [sflag:$0x2] =	stream.linear.gather [hbm4b:s6+s1], $0x200, $0x38;
	[tilespmem:$0x18600] =	vst v63  }
0x6a: {  	_ =	swait.ge [sflag:s10], $0x200  }
0x6b: {  	[sflag:s10] =	ssyncset.done $0x0  }
0x6c: {  	[sflag:s10] =	ssyncadd.s32 $0xFFFFFE00  }
0x6d: {  	[tilespmem:s11], [sflag:$0x2] =	stream.linear.gather [hbm4b:s7+s1], $0x200, $0x38;
	[tilespmem:$0x18600] =	vst v63  }
0x6e: {  	_ =	swait.ge [sflag:s10], $0x200  }
0x6f: {  	[sflag:s10] =	ssyncset.done $0x0  }
0x70: {  	s18 =	simm.s32 $0x0;
	[sflag:s10] =	ssyncadd.s32 $0xFFFFFE00  }
.LBB2_2:
0x71: {  	s19 =	sshra.s32 s18, $0x2  }
0x72: {  	v18 =	vld [tilespmem:s19+$0x0];
	_ =	sdelay $0x1  }
0x73: {  	v20 =	vld [tilespmem:s19+$0x200];
	_ =	sdelay $0x2  }
0x74: {  	v19 =	vshll.u32 v18, $0x4  }
0x75: {  	(v2sf) =	vpush v19, $0x0  }
0x76: {  	v18 =	vshll.u32 v20, $0x4  }
0x77: {  	(v2sf) =	vpush v18, $0x0;
	_ =	sdelay $0x4  }
0x78: {  	(v2sf) =	vpush v19, $0x1;
	_ =	sdelay $0x2  }
0x79: {  	(v2sf) =	vpush v18, $0x1;
	_ =	sdelay $0x4  }
0x7a: {  	s20 =	spop (v2sf)  }
0x7b: {  	s20 =	sand.u32 $0xFFFFF80, s20  }
0x7c: {  	(v2sf) =	vpush v19, $0x2;
	s26 =	spop (v2sf);
	s20 =	sadd.s32 s2, s20  }
0x7d: {  	[tilespmem:s12], [sflag:$0x1] =	stream.linear.gather [hbm4b:s20+s1], $0x400, $0x38;
	[tilespmem:$0x18600] =	vst v63  }
0x7e: {  	(v2sf) =	vpush v18, $0x2;
	s20 =	sand.u32 $0xFFFFF80, s26  }
0x7f: {  	s21 =	sadd.s32 s3, s20  }
0x80: {  	[tilespmem:s13], [sflag:$0x1] =	stream.linear.gather [hbm4b:s21+s1], $0x400, $0x38;
	[tilespmem:$0x18600] =	vst v63  }
0x81: {  	s28 =	spop (v2sf);
	s20 =	sadd.s32 s4, s20  }
0x82: {  	[tilespmem:s14], [sflag:$0x1] =	stream.linear.gather [hbm4b:s20+s1], $0x400, $0x38;
	[tilespmem:$0x18600] =	vst v63  }
0x83: {  	(v2sf) =	vpush v19, $0x3;
	s20 =	sand.u32 $0xFFFFF80, s28  }
0x84: {  	s29 =	rddreg [dreg:$0x5];
	s30 =	spop (v2sf);
	s20 =	sadd.s32 s2, s20  }
0x85: {  	[tilespmem:s29], [sflag:$0x1] =	stream.linear.gather [hbm4b:s20+s1], $0x400, $0x38;
	[tilespmem:$0x18600] =	vst v63  }
0x86: {  	(v2sf) =	vpush v18, $0x3;
	s20 =	sand.u32 $0xFFFFF80, s30  }
0x87: {  	s31 =	rddreg [dreg:$0x6];
	s22 =	sadd.s32 s3, s20  }
0x88: {  	[tilespmem:s31], [sflag:$0x1] =	stream.linear.gather [hbm4b:s22+s1], $0x400, $0x38;
	[tilespmem:$0x18600] =	vst v63  }
0x89: {  	s23 =	rddreg [dreg:$0x7];
	s20 =	sadd.s32 s4, s20  }
0x8a: {  	[tilespmem:s23], [sflag:$0x1] =	stream.linear.gather [hbm4b:s20+s1], $0x400, $0x38;
	[tilespmem:$0x18600] =	vst v63  }
0x8b: {  	s23 =	spop (v2sf)  }
0x8c: {  	s20 =	sand.u32 $0xFFFFF80, s23  }
0x8d: {  	s24 =	rddreg [dreg:$0x8];
	(v2sf) =	vpush v19, $0x4;
	s25 =	spop (v2sf);
	s20 =	sadd.s32 s2, s20  }
0x8e: {  	[tilespmem:s24], [sflag:$0x1] =	stream.linear.gather [hbm4b:s20+s1], $0x400, $0x38;
	[tilespmem:$0x18600] =	vst v63  }
0x8f: {  	(v2sf) =	vpush v18, $0x4;
	s20 =	sand.u32 $0xFFFFF80, s25  }
0x90: {  	s26 =	rddreg [dreg:$0x9];
	s28 =	sadd.s32 s3, s20  }
0x91: {  	[tilespmem:s26], [sflag:$0x1] =	stream.linear.gather [hbm4b:s28+s1], $0x400, $0x38;
	[tilespmem:$0x18600] =	vst v63  }
0x92: {  	s29 =	rddreg [dreg:$0xa];
	s30 =	spop (v2sf);
	s20 =	sadd.s32 s4, s20  }
0x93: {  	[tilespmem:s29], [sflag:$0x1] =	stream.linear.gather [hbm4b:s20+s1], $0x400, $0x38;
	[tilespmem:$0x18600] =	vst v63  }
0x94: {  	(v2sf) =	vpush v19, $0x5;
	s20 =	sand.u32 $0xFFFFF80, s30  }
0x95: {  	s31 =	rddreg [dreg:$0xb];
	s21 =	spop (v2sf);
	s20 =	sadd.s32 s2, s20  }
0x96: {  	[tilespmem:s31], [sflag:$0x1] =	stream.linear.gather [hbm4b:s20+s1], $0x400, $0x38;
	[tilespmem:$0x18600] =	vst v63  }
0x97: {  	(v2sf) =	vpush v18, $0x5;
	s20 =	sand.u32 $0xFFFFF80, s21  }
0x98: {  	s22 =	rddreg [dreg:$0xc];
	s23 =	sadd.s32 s3, s20  }
0x99: {  	[tilespmem:s22], [sflag:$0x1] =	stream.linear.gather [hbm4b:s23+s1], $0x400, $0x38;
	[tilespmem:$0x18600] =	vst v63  }
0x9a: {  	s24 =	rddreg [dreg:$0xd];
	s20 =	sadd.s32 s4, s20  }
0x9b: {  	[tilespmem:s24], [sflag:$0x1] =	stream.linear.gather [hbm4b:s20+s1], $0x400, $0x38;
	[tilespmem:$0x18600] =	vst v63  }
0x9c: {  	s25 =	spop (v2sf)  }
0x9d: {  	s20 =	sand.u32 $0xFFFFF80, s25  }
0x9e: {  	s26 =	rddreg [dreg:$0xe];
	(v2sf) =	vpush v19, $0x6;
	s28 =	spop (v2sf);
	s20 =	sadd.s32 s2, s20  }
0x9f: {  	[tilespmem:s26], [sflag:$0x1] =	stream.linear.gather [hbm4b:s20+s1], $0x400, $0x38;
	[tilespmem:$0x18600] =	vst v63  }
0xa0: {  	(v2sf) =	vpush v18, $0x6;
	s20 =	sand.u32 $0xFFFFF80, s28  }
0xa1: {  	s29 =	rddreg [dreg:$0xf];
	s30 =	sadd.s32 s3, s20  }
0xa2: {  	[tilespmem:s29], [sflag:$0x1] =	stream.linear.gather [hbm4b:s30+s1], $0x400, $0x38;
	[tilespmem:$0x18600] =	vst v63  }
0xa3: {  	s31 =	rddreg [dreg:$0x10];
	s23 =	spop (v2sf);
	s20 =	sadd.s32 s4, s20  }
0xa4: {  	[tilespmem:s31], [sflag:$0x1] =	stream.linear.gather [hbm4b:s20+s1], $0x400, $0x38;
	[tilespmem:$0x18600] =	vst v63  }
0xa5: {  	(v2sf) =	vpush v19, $0x7;
	s20 =	sand.u32 $0xFFFFF80, s23  }
0xa6: {  	s24 =	rddreg [dreg:$0x11];
	s25 =	spop (v2sf);
	s20 =	sadd.s32 s2, s20  }
0xa7: {  	[tilespmem:s24], [sflag:$0x1] =	stream.linear.gather [hbm4b:s20+s1], $0x400, $0x38;
	[tilespmem:$0x18600] =	vst v63  }
0xa8: {  	(v2sf) =	vpush v18, $0x7;
	s20 =	sand.u32 $0xFFFFF80, s25  }
0xa9: {  	s26 =	rddreg [dreg:$0x12];
	s28 =	sadd.s32 s3, s20  }
0xaa: {  	[tilespmem:s26], [sflag:$0x1] =	stream.linear.gather [hbm4b:s28+s1], $0x400, $0x38;
	[tilespmem:$0x18600] =	vst v63  }
0xab: {  	s29 =	rddreg [dreg:$0x13];
	s20 =	sadd.s32 s4, s20  }
0xac: {  	[tilespmem:s29], [sflag:$0x1] =	stream.linear.gather [hbm4b:s20+s1], $0x400, $0x38;
	[tilespmem:$0x18600] =	vst v63  }
0xad: {  	s30 =	spop (v2sf)  }
0xae: {  	s20 =	sand.u32 $0xFFFFF80, s30  }
0xaf: {  	s31 =	rddreg [dreg:$0x14];
	(v2sf) =	vpush v19, $0x8;
	s21 =	spop (v2sf);
	s20 =	sadd.s32 s2, s20  }
0xb0: {  	[tilespmem:s31], [sflag:$0x1] =	stream.linear.gather [hbm4b:s20+s1], $0x400, $0x38;
	[tilespmem:$0x18600] =	vst v63  }
0xb1: {  	(v2sf) =	vpush v18, $0x8;
	s20 =	sand.u32 $0xFFFFF80, s21  }
0xb2: {  	s22 =	rddreg [dreg:$0x15];
	s23 =	sadd.s32 s3, s20  }
0xb3: {  	[tilespmem:s22], [sflag:$0x1] =	stream.linear.gather [hbm4b:s23+s1], $0x400, $0x38;
	[tilespmem:$0x18600] =	vst v63  }
0xb4: {  	s24 =	rddreg [dreg:$0x16];
	s25 =	spop (v2sf);
	s20 =	sadd.s32 s4, s20  }
0xb5: {  	[tilespmem:s24], [sflag:$0x1] =	stream.linear.gather [hbm4b:s20+s1], $0x400, $0x38;
	[tilespmem:$0x18600] =	vst v63  }
0xb6: {  	(v2sf) =	vpush v19, $0x9;
	s20 =	sand.u32 $0xFFFFF80, s25  }
0xb7: {  	s26 =	rddreg [dreg:$0x17];
	s28 =	spop (v2sf);
	s20 =	sadd.s32 s2, s20  }
0xb8: {  	[tilespmem:s26], [sflag:$0x1] =	stream.linear.gather [hbm4b:s20+s1], $0x400, $0x38;
	[tilespmem:$0x18600] =	vst v63  }
0xb9: {  	(v2sf) =	vpush v18, $0x9;
	s20 =	sand.u32 $0xFFFFF80, s28  }
0xba: {  	s29 =	rddreg [dreg:$0x18];
	s30 =	sadd.s32 s3, s20  }
0xbb: {  	[tilespmem:s29], [sflag:$0x1] =	stream.linear.gather [hbm4b:s30+s1], $0x400, $0x38;
	[tilespmem:$0x18600] =	vst v63  }
0xbc: {  	s31 =	rddreg [dreg:$0x19];
	s20 =	sadd.s32 s4, s20  }
0xbd: {  	[tilespmem:s31], [sflag:$0x1] =	stream.linear.gather [hbm4b:s20+s1], $0x400, $0x38;
	[tilespmem:$0x18600] =	vst v63  }
0xbe: {  	s23 =	spop (v2sf)  }
0xbf: {  	s20 =	sand.u32 $0xFFFFF80, s23  }
0xc0: {  	s24 =	rddreg [dreg:$0x1a];
	(v2sf) =	vpush v19, $0xA;
	s25 =	spop (v2sf);
	s20 =	sadd.s32 s2, s20  }
0xc1: {  	[tilespmem:s24], [sflag:$0x1] =	stream.linear.gather [hbm4b:s20+s1], $0x400, $0x38;
	[tilespmem:$0x18600] =	vst v63  }
0xc2: {  	(v2sf) =	vpush v18, $0xA;
	s20 =	sand.u32 $0xFFFFF80, s25  }
0xc3: {  	s26 =	rddreg [dreg:$0x1b];
	s28 =	sadd.s32 s3, s20  }
0xc4: {  	[tilespmem:s26], [sflag:$0x1] =	stream.linear.gather [hbm4b:s28+s1], $0x400, $0x38;
	[tilespmem:$0x18600] =	vst v63  }
0xc5: {  	s29 =	rddreg [dreg:$0x1c];
	s30 =	spop (v2sf);
	s20 =	sadd.s32 s4, s20  }
0xc6: {  	[tilespmem:s29], [sflag:$0x1] =	stream.linear.gather [hbm4b:s20+s1], $0x400, $0x38;
	[tilespmem:$0x18600] =	vst v63  }
0xc7: {  	(v2sf) =	vpush v19, $0xB;
	s20 =	sand.u32 $0xFFFFF80, s30  }
0xc8: {  	s31 =	rddreg [dreg:$0x1d];
	s21 =	spop (v2sf);
	s20 =	sadd.s32 s2, s20  }
0xc9: {  	[tilespmem:s31], [sflag:$0x1] =	stream.linear.gather [hbm4b:s20+s1], $0x400, $0x38;
	[tilespmem:$0x18600] =	vst v63  }
0xca: {  	(v2sf) =	vpush v18, $0xB;
	s20 =	sand.u32 $0xFFFFF80, s21  }
0xcb: {  	s22 =	rddreg [dreg:$0x1e];
	s23 =	sadd.s32 s3, s20  }
0xcc: {  	[tilespmem:s22], [sflag:$0x1] =	stream.linear.gather [hbm4b:s23+s1], $0x400, $0x38;
	[tilespmem:$0x18600] =	vst v63  }
0xcd: {  	s24 =	rddreg [dreg:$0x1f];
	s20 =	sadd.s32 s4, s20  }
0xce: {  	[tilespmem:s24], [sflag:$0x1] =	stream.linear.gather [hbm4b:s20+s1], $0x400, $0x38;
	[tilespmem:$0x18600] =	vst v63  }
0xcf: {  	s26 =	sld [smem:$0x7BC];
	s25 =	spop (v2sf)  }
0xd0: {  	s20 =	sand.u32 $0xFFFFF80, s25  }
0xd1: {  	s29 =	sld [smem:$0x7BD];
	(v2sf) =	vpush v19, $0xC;
	s28 =	spop (v2sf);
	s20 =	sadd.s32 s2, s20  }
0xd2: {  	[tilespmem:s26], [sflag:$0x1] =	stream.linear.gather [hbm4b:s20+s1], $0x400, $0x38;
	[tilespmem:$0x18600] =	vst v63  }
0xd3: {  	(v2sf) =	vpush v18, $0xC;
	s20 =	sand.u32 $0xFFFFF80, s28  }
0xd4: {  	s31 =	sld [smem:$0x7BE];
	s30 =	sadd.s32 s3, s20  }
0xd5: {  	[tilespmem:s29], [sflag:$0x1] =	stream.linear.gather [hbm4b:s30+s1], $0x400, $0x38;
	[tilespmem:$0x18600] =	vst v63  }
0xd6: {  	s24 =	sld [smem:$0x7BF];
	s23 =	spop (v2sf);
	s20 =	sadd.s32 s4, s20  }
0xd7: {  	[tilespmem:s31], [sflag:$0x1] =	stream.linear.gather [hbm4b:s20+s1], $0x400, $0x38;
	[tilespmem:$0x18600] =	vst v63  }
0xd8: {  	(v2sf) =	vpush v19, $0xD;
	s20 =	sand.u32 $0xFFFFF80, s23  }
0xd9: {  	s25 =	spop (v2sf);
	s26 =	sld [smem:$0x7C0];
	s20 =	sadd.s32 s2, s20  }
0xda: {  	[tilespmem:s24], [sflag:$0x1] =	stream.linear.gather [hbm4b:s20+s1], $0x400, $0x38;
	[tilespmem:$0x18600] =	vst v63  }
0xdb: {  	(v2sf) =	vpush v18, $0xD;
	s20 =	sand.u32 $0xFFFFF80, s25  }
0xdc: {  	s29 =	sld [smem:$0x7C1];
	s28 =	sadd.s32 s3, s20  }
0xdd: {  	[tilespmem:s26], [sflag:$0x1] =	stream.linear.gather [hbm4b:s28+s1], $0x400, $0x38;
	[tilespmem:$0x18600] =	vst v63  }
0xde: {  	s20 =	sadd.s32 s4, s20  }
0xdf: {  	[tilespmem:s29], [sflag:$0x1] =	stream.linear.gather [hbm4b:s20+s1], $0x400, $0x38;
	[tilespmem:$0x18600] =	vst v63  }
0xe0: {  	s31 =	sld [smem:$0x7C2];
	s30 =	spop (v2sf)  }
0xe1: {  	s20 =	sand.u32 $0xFFFFF80, s30  }
0xe2: {  	s22 =	sld [smem:$0x7C3];
	(v2sf) =	vpush v19, $0xE;
	s21 =	spop (v2sf);
	s20 =	sadd.s32 s2, s20  }
0xe3: {  	[tilespmem:s31], [sflag:$0x1] =	stream.linear.gather [hbm4b:s20+s1], $0x400, $0x38;
	[tilespmem:$0x18600] =	vst v63  }
0xe4: {  	(v2sf) =	vpush v18, $0xE;
	s20 =	sand.u32 $0xFFFFF80, s21  }
0xe5: {  	s24 =	sld [smem:$0x7C4];
	s23 =	sadd.s32 s3, s20  }
0xe6: {  	[tilespmem:s22], [sflag:$0x1] =	stream.linear.gather [hbm4b:s23+s1], $0x400, $0x38;
	[tilespmem:$0x18600] =	vst v63  }
0xe7: {  	s26 =	sld [smem:$0x7C5];
	s25 =	spop (v2sf);
	s20 =	sadd.s32 s4, s20  }
0xe8: {  	[tilespmem:s24], [sflag:$0x1] =	stream.linear.gather [hbm4b:s20+s1], $0x400, $0x38;
	[tilespmem:$0x18600] =	vst v63  }
0xe9: {  	(v2sf) =	vpush v19, $0xF;
	s20 =	sand.u32 $0xFFFFF80, s25  }
0xea: {  	s29 =	sld [smem:$0x7C6];
	s28 =	spop (v2sf);
	s20 =	sadd.s32 s2, s20  }
0xeb: {  	[tilespmem:s26], [sflag:$0x1] =	stream.linear.gather [hbm4b:s20+s1], $0x400, $0x38;
	[tilespmem:$0x18600] =	vst v63  }
0xec: {  	(v2sf) =	vpush v18, $0xF;
	s20 =	sand.u32 $0xFFFFF80, s28  }
0xed: {  	s31 =	sld [smem:$0x7C7];
	s30 =	sadd.s32 s3, s20  }
0xee: {  	[tilespmem:s29], [sflag:$0x1] =	stream.linear.gather [hbm4b:s30+s1], $0x400, $0x38;
	[tilespmem:$0x18600] =	vst v63  }
0xef: {  	s20 =	sadd.s32 s4, s20  }
0xf0: {  	[tilespmem:s31], [sflag:$0x1] =	stream.linear.gather [hbm4b:s20+s1], $0x400, $0x38;
	[tilespmem:$0x18600] =	vst v63  }
0xf1: {  	s24 =	sld [smem:$0x7C8];
	s23 =	spop (v2sf)  }
0xf2: {  	s20 =	sand.u32 $0xFFFFF80, s23  }
0xf3: {  	s26 =	sld [smem:$0x7C9];
	s25 =	spop (v2sf);
	s20 =	sadd.s32 s2, s20  }
0xf4: {  	[tilespmem:s24], [sflag:$0x1] =	stream.linear.gather [hbm4b:s20+s1], $0x400, $0x38;
	[tilespmem:$0x18600] =	vst v63  }
0xf5: {  	s20 =	sand.u32 $0xFFFFF80, s25  }
0xf6: {  	s29 =	sld [smem:$0x7CA];
	s28 =	sadd.s32 s3, s20  }
0xf7: {  	[tilespmem:s26], [sflag:$0x1] =	stream.linear.gather [hbm4b:s28+s1], $0x400, $0x38;
	[tilespmem:$0x18600] =	vst v63  }
0xf8: {  	s31 =	sld [smem:$0x7CB];
	s30 =	spop (v2sf);
	s20 =	sadd.s32 s4, s20  }
0xf9: {  	[tilespmem:s29], [sflag:$0x1] =	stream.linear.gather [hbm4b:s20+s1], $0x400, $0x38;
	[tilespmem:$0x18600] =	vst v63  }
0xfa: {  	s20 =	sand.u32 $0xFFFFF80, s30  }
0xfb: {  	s22 =	sld [smem:$0x7CC];
	s21 =	spop (v2sf);
	s20 =	sadd.s32 s2, s20  }
0xfc: {  	[tilespmem:s31], [sflag:$0x1] =	stream.linear.gather [hbm4b:s20+s1], $0x400, $0x38;
	[tilespmem:$0x18600] =	vst v63  }
0xfd: {  	s20 =	sand.u32 $0xFFFFF80, s21  }
0xfe: {  	s24 =	sld [smem:$0x7CD];
	s23 =	sadd.s32 s3, s20  }
0xff: {  	[tilespmem:s22], [sflag:$0x1] =	stream.linear.gather [hbm4b:s23+s1], $0x400, $0x38;
	[tilespmem:$0x18600] =	vst v63  }
0x100: {  	s20 =	sadd.s32 s4, s20  }
0x101: {  	[tilespmem:s24], [sflag:$0x1] =	stream.linear.gather [hbm4b:s20+s1], $0x400, $0x38;
	[tilespmem:$0x18600] =	vst v63  }
0x102: {  	v18 =	vld [tilespmem:s19+$0x10];
	_ =	sdelay $0x1  }
0x103: {  	v55 =	vld [tilespmem:s19+$0x210];
	_ =	sdelay $0x2  }
0x104: {  	v19 =	vshll.u32 v18, $0x4  }
0x105: {  	(v2sf) =	vpush v19, $0x0  }
0x106: {  	v18 =	vshll.u32 v55, $0x4  }
0x107: {  	(v2sf) =	vpush v18, $0x0;
	_ =	sdelay $0x4  }
0x108: {  	(v2sf) =	vpush v19, $0x1;
	_ =	sdelay $0x2  }
0x109: {  	(v2sf) =	vpush v18, $0x1;
	_ =	sdelay $0x4  }
0x10a: {  	s26 =	sld [smem:$0x7CE];
	s25 =	spop (v2sf)  }
0x10b: {  	s20 =	sand.u32 $0xFFFFF80, s25  }
0x10c: {  	s29 =	sld [smem:$0x7CF];
	(v2sf) =	vpush v19, $0x2;
	s28 =	spop (v2sf);
	s20 =	sadd.s32 s2, s20  }
0x10d: {  	[tilespmem:s26], [sflag:$0x1] =	stream.linear.gather [hbm4b:s20+s1], $0x400, $0x38;
	[tilespmem:$0x18600] =	vst v63  }
0x10e: {  	(v2sf) =	vpush v18, $0x2;
	s20 =	sand.u32 $0xFFFFF80, s28  }
0x10f: {  	s31 =	sld [smem:$0x7D0];
	s30 =	sadd.s32 s3, s20  }
0x110: {  	[tilespmem:s29], [sflag:$0x1] =	stream.linear.gather [hbm4b:s30+s1], $0x400, $0x38;
	[tilespmem:$0x18600] =	vst v63  }
0x111: {  	s24 =	sld [smem:$0x7D1];
	s23 =	spop (v2sf);
	s20 =	sadd.s32 s4, s20  }
0x112: {  	[tilespmem:s31], [sflag:$0x1] =	stream.linear.gather [hbm4b:s20+s1], $0x400, $0x38;
	[tilespmem:$0x18600] =	vst v63  }
0x113: {  	(v2sf) =	vpush v19, $0x3;
	s20 =	sand.u32 $0xFFFFF80, s23  }
0x114: {  	s25 =	spop (v2sf);
	s26 =	sld [smem:$0x7D2];
	s20 =	sadd.s32 s2, s20  }
0x115: {  	[tilespmem:s24], [sflag:$0x1] =	stream.linear.gather [hbm4b:s20+s1], $0x400, $0x38;
	[tilespmem:$0x18600] =	vst v63  }
0x116: {  	(v2sf) =	vpush v18, $0x3;
	s20 =	sand.u32 $0xFFFFF80, s25  }
0x117: {  	s29 =	sld [smem:$0x7D3];
	s28 =	sadd.s32 s3, s20  }
0x118: {  	[tilespmem:s26], [sflag:$0x1] =	stream.linear.gather [hbm4b:s28+s1], $0x400, $0x38;
	[tilespmem:$0x18600] =	vst v63  }
0x119: {  	s20 =	sadd.s32 s4, s20  }
0x11a: {  	[tilespmem:s29], [sflag:$0x1] =	stream.linear.gather [hbm4b:s20+s1], $0x400, $0x38;
	[tilespmem:$0x18600] =	vst v63  }
0x11b: {  	s31 =	sld [smem:$0x7D4];
	s30 =	spop (v2sf)  }
0x11c: {  	s20 =	sand.u32 $0xFFFFF80, s30  }
0x11d: {  	s22 =	sld [smem:$0x7D5];
	(v2sf) =	vpush v19, $0x4;
	s21 =	spop (v2sf);
	s20 =	sadd.s32 s2, s20  }
0x11e: {  	[tilespmem:s31], [sflag:$0x1] =	stream.linear.gather [hbm4b:s20+s1], $0x400, $0x38;
	[tilespmem:$0x18600] =	vst v63  }
0x11f: {  	(v2sf) =	vpush v18, $0x4;
	s20 =	sand.u32 $0xFFFFF80, s21  }
0x120: {  	s24 =	sld [smem:$0x7D6];
	s23 =	sadd.s32 s3, s20  }
0x121: {  	[tilespmem:s22], [sflag:$0x1] =	stream.linear.gather [hbm4b:s23+s1], $0x400, $0x38;
	[tilespmem:$0x18600] =	vst v63  }
0x122: {  	s26 =	sld [smem:$0x7D7];
	s25 =	spop (v2sf);
	s20 =	sadd.s32 s4, s20  }
0x123: {  	[tilespmem:s24], [sflag:$0x1] =	stream.linear.gather [hbm4b:s20+s1], $0x400, $0x38;
	[tilespmem:$0x18600] =	vst v63  }
0x124: {  	(v2sf) =	vpush v19, $0x5;
	s20 =	sand.u32 $0xFFFFF80, s25  }
0x125: {  	s29 =	sld [smem:$0x7D8];
	s28 =	spop (v2sf);
	s20 =	sadd.s32 s2, s20  }
0x126: {  	[tilespmem:s26], [sflag:$0x1] =	stream.linear.gather [hbm4b:s20+s1], $0x400, $0x38;
	[tilespmem:$0x18600] =	vst v63  }
0x127: {  	(v2sf) =	vpush v18, $0x5;
	s20 =	sand.u32 $0xFFFFF80, s28  }
0x128: {  	s31 =	sld [smem:$0x7D9];
	s30 =	sadd.s32 s3, s20  }
0x129: {  	[tilespmem:s29], [sflag:$0x1] =	stream.linear.gather [hbm4b:s30+s1], $0x400, $0x38;
	[tilespmem:$0x18600] =	vst v63  }
0x12a: {  	s20 =	sadd.s32 s4, s20  }
0x12b: {  	[tilespmem:s31], [sflag:$0x1] =	stream.linear.gather [hbm4b:s20+s1], $0x400, $0x38;
	[tilespmem:$0x18600] =	vst v63  }
0x12c: {  	s24 =	sld [smem:$0x7DA];
	s23 =	spop (v2sf)  }
0x12d: {  	s20 =	sand.u32 $0xFFFFF80, s23  }
0x12e: {  	s26 =	sld [smem:$0x7DB];
	(v2sf) =	vpush v19, $0x6;
	s25 =	spop (v2sf);
	s20 =	sadd.s32 s2, s20  }
0x12f: {  	[tilespmem:s24], [sflag:$0x1] =	stream.linear.gather [hbm4b:s20+s1], $0x400, $0x38;
	[tilespmem:$0x18600] =	vst v63  }
0x130: {  	(v2sf) =	vpush v18, $0x6;
	s20 =	sand.u32 $0xFFFFF80, s25  }
0x131: {  	s29 =	sld [smem:$0x7DC];
	s28 =	sadd.s32 s3, s20  }
0x132: {  	[tilespmem:s26], [sflag:$0x1] =	stream.linear.gather [hbm4b:s28+s1], $0x400, $0x38;
	[tilespmem:$0x18600] =	vst v63  }
0x133: {  	s31 =	sld [smem:$0x7DD];
	s30 =	spop (v2sf);
	s20 =	sadd.s32 s4, s20  }
0x134: {  	[tilespmem:s29], [sflag:$0x1] =	stream.linear.gather [hbm4b:s20+s1], $0x400, $0x38;
	[tilespmem:$0x18600] =	vst v63  }
0x135: {  	(v2sf) =	vpush v19, $0x7;
	s20 =	sand.u32 $0xFFFFF80, s30  }
0x136: {  	s22 =	sld [smem:$0x7DE];
	s21 =	spop (v2sf);
	s20 =	sadd.s32 s2, s20  }
0x137: {  	[tilespmem:s31], [sflag:$0x1] =	stream.linear.gather [hbm4b:s20+s1], $0x400, $0x38;
	[tilespmem:$0x18600] =	vst v63  }
0x138: {  	(v2sf) =	vpush v18, $0x7;
	s20 =	sand.u32 $0xFFFFF80, s21  }
0x139: {  	s24 =	sld [smem:$0x7DF];
	s23 =	sadd.s32 s3, s20  }
0x13a: {  	[tilespmem:s22], [sflag:$0x1] =	stream.linear.gather [hbm4b:s23+s1], $0x400, $0x38;
	[tilespmem:$0x18600] =	vst v63  }
0x13b: {  	s20 =	sadd.s32 s4, s20  }
0x13c: {  	[tilespmem:s24], [sflag:$0x1] =	stream.linear.gather [hbm4b:s20+s1], $0x400, $0x38;
	[tilespmem:$0x18600] =	vst v63  }
0x13d: {  	s26 =	sld [smem:$0x7E0];
	s25 =	spop (v2sf)  }
0x13e: {  	s20 =	sand.u32 $0xFFFFF80, s25  }
0x13f: {  	s29 =	sld [smem:$0x7E1];
	(v2sf) =	vpush v19, $0x8;
	s28 =	spop (v2sf);
	s20 =	sadd.s32 s2, s20  }
0x140: {  	[tilespmem:s26], [sflag:$0x1] =	stream.linear.gather [hbm4b:s20+s1], $0x400, $0x38;
	[tilespmem:$0x18600] =	vst v63  }
0x141: {  	(v2sf) =	vpush v18, $0x8;
	s20 =	sand.u32 $0xFFFFF80, s28  }
0x142: {  	s31 =	sld [smem:$0x7E2];
	s30 =	sadd.s32 s3, s20  }
0x143: {  	[tilespmem:s29], [sflag:$0x1] =	stream.linear.gather [hbm4b:s30+s1], $0x400, $0x38;
	[tilespmem:$0x18600] =	vst v63  }
0x144: {  	s24 =	sld [smem:$0x7E3];
	s23 =	spop (v2sf);
	s20 =	sadd.s32 s4, s20  }
0x145: {  	[tilespmem:s31], [sflag:$0x1] =	stream.linear.gather [hbm4b:s20+s1], $0x400, $0x38;
	[tilespmem:$0x18600] =	vst v63  }
0x146: {  	(v2sf) =	vpush v19, $0x9;
	s20 =	sand.u32 $0xFFFFF80, s23  }
0x147: {  	s25 =	spop (v2sf);
	s26 =	sld [smem:$0x7E4];
	s20 =	sadd.s32 s2, s20  }
0x148: {  	[tilespmem:s24], [sflag:$0x1] =	stream.linear.gather [hbm4b:s20+s1], $0x400, $0x38;
	[tilespmem:$0x18600] =	vst v63  }
0x149: {  	(v2sf) =	vpush v18, $0x9;
	s20 =	sand.u32 $0xFFFFF80, s25  }
0x14a: {  	s29 =	sld [smem:$0x7E5];
	s28 =	sadd.s32 s3, s20  }
0x14b: {  	[tilespmem:s26], [sflag:$0x1] =	stream.linear.gather [hbm4b:s28+s1], $0x400, $0x38;
	[tilespmem:$0x18600] =	vst v63  }
0x14c: {  	s20 =	sadd.s32 s4, s20  }
0x14d: {  	[tilespmem:s29], [sflag:$0x1] =	stream.linear.gather [hbm4b:s20+s1], $0x400, $0x38;
	[tilespmem:$0x18600] =	vst v63  }
0x14e: {  	s31 =	sld [smem:$0x7E6];
	s30 =	spop (v2sf)  }
0x14f: {  	s20 =	sand.u32 $0xFFFFF80, s30  }
0x150: {  	s22 =	sld [smem:$0x7E7];
	(v2sf) =	vpush v19, $0xA;
	s21 =	spop (v2sf);
	s20 =	sadd.s32 s2, s20  }
0x151: {  	[tilespmem:s31], [sflag:$0x1] =	stream.linear.gather [hbm4b:s20+s1], $0x400, $0x38;
	[tilespmem:$0x18600] =	vst v63  }
0x152: {  	(v2sf) =	vpush v18, $0xA;
	s20 =	sand.u32 $0xFFFFF80, s21  }
0x153: {  	s24 =	sld [smem:$0x7E8];
	s23 =	sadd.s32 s3, s20  }
0x154: {  	[tilespmem:s22], [sflag:$0x1] =	stream.linear.gather [hbm4b:s23+s1], $0x400, $0x38;
	[tilespmem:$0x18600] =	vst v63  }
0x155: {  	s26 =	sld [smem:$0x7E9];
	s25 =	spop (v2sf);
	s20 =	sadd.s32 s4, s20  }
0x156: {  	[tilespmem:s24], [sflag:$0x1] =	stream.linear.gather [hbm4b:s20+s1], $0x400, $0x38;
	[tilespmem:$0x18600] =	vst v63  }
0x157: {  	(v2sf) =	vpush v19, $0xB;
	s20 =	sand.u32 $0xFFFFF80, s25  }
0x158: {  	s29 =	sld [smem:$0x7EA];
	s28 =	spop (v2sf);
	s20 =	sadd.s32 s2, s20  }
0x159: {  	[tilespmem:s26], [sflag:$0x1] =	stream.linear.gather [hbm4b:s20+s1], $0x400, $0x38;
	[tilespmem:$0x18600] =	vst v63  }
0x15a: {  	(v2sf) =	vpush v18, $0xB;
	s20 =	sand.u32 $0xFFFFF80, s28  }
0x15b: {  	s31 =	sld [smem:$0x7EB];
	s30 =	sadd.s32 s3, s20  }
0x15c: {  	[tilespmem:s29], [sflag:$0x1] =	stream.linear.gather [hbm4b:s30+s1], $0x400, $0x38;
	[tilespmem:$0x18600] =	vst v63  }
0x15d: {  	s20 =	sadd.s32 s4, s20  }
0x15e: {  	[tilespmem:s31], [sflag:$0x1] =	stream.linear.gather [hbm4b:s20+s1], $0x400, $0x38;
	[tilespmem:$0x18600] =	vst v63  }
0x15f: {  	s24 =	sld [smem:$0x7EC];
	s23 =	spop (v2sf)  }
0x160: {  	s20 =	sand.u32 $0xFFFFF80, s23  }
0x161: {  	s26 =	sld [smem:$0x7ED];
	(v2sf) =	vpush v19, $0xC;
	s25 =	spop (v2sf);
	s20 =	sadd.s32 s2, s20  }
0x162: {  	[tilespmem:s24], [sflag:$0x1] =	stream.linear.gather [hbm4b:s20+s1], $0x400, $0x38;
	[tilespmem:$0x18600] =	vst v63  }
0x163: {  	(v2sf) =	vpush v18, $0xC;
	s20 =	sand.u32 $0xFFFFF80, s25  }
0x164: {  	s29 =	sld [smem:$0x7EE];
	s28 =	sadd.s32 s3, s20  }
0x165: {  	[tilespmem:s26], [sflag:$0x1] =	stream.linear.gather [hbm4b:s28+s1], $0x400, $0x38;
	[tilespmem:$0x18600] =	vst v63  }
0x166: {  	s31 =	sld [smem:$0x7EF];
	s30 =	spop (v2sf);
	s20 =	sadd.s32 s4, s20  }
0x167: {  	[tilespmem:s29], [sflag:$0x1] =	stream.linear.gather [hbm4b:s20+s1], $0x400, $0x38;
	[tilespmem:$0x18600] =	vst v63  }
0x168: {  	(v2sf) =	vpush v19, $0xD;
	s20 =	sand.u32 $0xFFFFF80, s30  }
0x169: {  	s22 =	sld [smem:$0x7F0];
	s21 =	spop (v2sf);
	s20 =	sadd.s32 s2, s20  }
0x16a: {  	[tilespmem:s31], [sflag:$0x1] =	stream.linear.gather [hbm4b:s20+s1], $0x400, $0x38;
	[tilespmem:$0x18600] =	vst v63  }
0x16b: {  	(v2sf) =	vpush v18, $0xD;
	s20 =	sand.u32 $0xFFFFF80, s21  }
0x16c: {  	s24 =	sld [smem:$0x7F1];
	s23 =	sadd.s32 s3, s20  }
0x16d: {  	[tilespmem:s22], [sflag:$0x1] =	stream.linear.gather [hbm4b:s23+s1], $0x400, $0x38;
	[tilespmem:$0x18600] =	vst v63  }
0x16e: {  	s20 =	sadd.s32 s4, s20  }
0x16f: {  	[tilespmem:s24], [sflag:$0x1] =	stream.linear.gather [hbm4b:s20+s1], $0x400, $0x38;
	[tilespmem:$0x18600] =	vst v63  }
0x170: {  	s26 =	sld [smem:$0x7F2];
	s25 =	spop (v2sf)  }
0x171: {  	s20 =	sand.u32 $0xFFFFF80, s25  }
0x172: {  	s29 =	sld [smem:$0x7F3];
	(v2sf) =	vpush v19, $0xE;
	s28 =	spop (v2sf);
	s20 =	sadd.s32 s2, s20  }
0x173: {  	[tilespmem:s26], [sflag:$0x1] =	stream.linear.gather [hbm4b:s20+s1], $0x400, $0x38;
	[tilespmem:$0x18600] =	vst v63  }
0x174: {  	(v2sf) =	vpush v18, $0xE;
	s20 =	sand.u32 $0xFFFFF80, s28  }
0x175: {  	s31 =	sld [smem:$0x7F4];
	s30 =	sadd.s32 s3, s20  }
0x176: {  	[tilespmem:s29], [sflag:$0x1] =	stream.linear.gather [hbm4b:s30+s1], $0x400, $0x38;
	[tilespmem:$0x18600] =	vst v63  }
0x177: {  	s24 =	sld [smem:$0x7F5];
	s23 =	spop (v2sf);
	s20 =	sadd.s32 s4, s20  }
0x178: {  	[tilespmem:s31], [sflag:$0x1] =	stream.linear.gather [hbm4b:s20+s1], $0x400, $0x38;
	[tilespmem:$0x18600] =	vst v63  }
0x179: {  	(v2sf) =	vpush v19, $0xF;
	s20 =	sand.u32 $0xFFFFF80, s23  }
0x17a: {  	s25 =	spop (v2sf);
	s26 =	sld [smem:$0x7F6];
	s20 =	sadd.s32 s2, s20  }
0x17b: {  	[tilespmem:s24], [sflag:$0x1] =	stream.linear.gather [hbm4b:s20+s1], $0x400, $0x38;
	[tilespmem:$0x18600] =	vst v63  }
0x17c: {  	(v2sf) =	vpush v18, $0xF;
	s20 =	sand.u32 $0xFFFFF80, s25  }
0x17d: {  	s29 =	sld [smem:$0x7F7];
	s28 =	sadd.s32 s3, s20  }
0x17e: {  	[tilespmem:s26], [sflag:$0x1] =	stream.linear.gather [hbm4b:s28+s1], $0x400, $0x38;
	[tilespmem:$0x18600] =	vst v63  }
0x17f: {  	s20 =	sadd.s32 s4, s20  }
0x180: {  	[tilespmem:s29], [sflag:$0x1] =	stream.linear.gather [hbm4b:s20+s1], $0x400, $0x38;
	[tilespmem:$0x18600] =	vst v63  }
0x181: {  	s31 =	sld [smem:$0x7F8];
	s30 =	spop (v2sf)  }
0x182: {  	s20 =	sand.u32 $0xFFFFF80, s30  }
0x183: {  	s22 =	sld [smem:$0x7F9];
	s21 =	spop (v2sf);
	s20 =	sadd.s32 s2, s20  }
0x184: {  	[tilespmem:s31], [sflag:$0x1] =	stream.linear.gather [hbm4b:s20+s1], $0x400, $0x38;
	[tilespmem:$0x18600] =	vst v63  }
0x185: {  	s20 =	sand.u32 $0xFFFFF80, s21  }
0x186: {  	s24 =	sld [smem:$0x7FA];
	s23 =	sadd.s32 s3, s20  }
0x187: {  	[tilespmem:s22], [sflag:$0x1] =	stream.linear.gather [hbm4b:s23+s1], $0x400, $0x38;
	[tilespmem:$0x18600] =	vst v63  }
0x188: {  	s26 =	sld [smem:$0x7FB];
	s25 =	spop (v2sf);
	s20 =	sadd.s32 s4, s20  }
0x189: {  	[tilespmem:s24], [sflag:$0x1] =	stream.linear.gather [hbm4b:s20+s1], $0x400, $0x38;
	[tilespmem:$0x18600] =	vst v63  }
0x18a: {  	s20 =	sand.u32 $0xFFFFF80, s25  }
0x18b: {  	s29 =	sld [smem:$0x7FC];
	s28 =	spop (v2sf);
	s20 =	sadd.s32 s2, s20  }
0x18c: {  	[tilespmem:s26], [sflag:$0x1] =	stream.linear.gather [hbm4b:s20+s1], $0x400, $0x38;
	[tilespmem:$0x18600] =	vst v63  }
0x18d: {  	s20 =	sand.u32 $0xFFFFF80, s28  }
0x18e: {  	s31 =	sld [smem:$0x7FD];
	s30 =	sadd.s32 s3, s20  }
0x18f: {  	[tilespmem:s29], [sflag:$0x1] =	stream.linear.gather [hbm4b:s30+s1], $0x400, $0x38;
	[tilespmem:$0x18600] =	vst v63  }
0x190: {  	s20 =	sadd.s32 s4, s20  }
0x191: {  	[tilespmem:s31], [sflag:$0x1] =	stream.linear.gather [hbm4b:s20+s1], $0x400, $0x38;
	[tilespmem:$0x18600] =	vst v63  }
0x192: {  	_ =	swait.ge [sflag:s15], $0x8000  }
0x193: {  	[sflag:s15] =	ssyncset.done $0x0  }
0x194: {  	[sflag:s15] =	ssyncadd.s32 $0xFFFF8000  }
0x195: {  	_ =	swait.ge [sflag:s15], $0x8000  }
0x196: {  	[sflag:s15] =	ssyncset.done $0x0  }
0x197: {  	[sflag:s15] =	ssyncadd.s32 $0xFFFF8000  }
0x198: {  	_ =	swait.ge [sflag:s15], $0x8000  }
0x199: {  	[sflag:s15] =	ssyncset.done $0x0  }
0x19a: {  	[sflag:s15] =	ssyncadd.s32 $0xFFFF8000  }
0x19b: {  	v18 =	vld [tilespmem:s19+$0x0]  }
0x19c: {  	v19 =	vld [tilespmem:s19+$0x200];
	_ =	sdelay $0x3  }
0x19d: {  	v18 =	vand.u32 $0x7, v18  }
0x19e: {  	v19 =	vand.u32 $0x7, v19;
	v18 =	vshll.u32 v18, $0x7  }
0x19f: {  	v19 =	vshll.u32 v19, $0x7;
	v18 =	vor.u32 v1, v18  }
0x1a0: {  	v19 =	vor.u32 v1, v19;
	v56 =	vor.u32 v0, v18  }
0x1a1: {  	v21 =	vor.u32 v0, v19;
	_ =	sdelay $0x1  }
0x1a2: {  	v22 =	vor.u32 v3, v18  }
0x1a3: {  	v23 =	vor.u32 v3, v19  }
0x1a4: {  	v20 =	vld.idx.msk [tilespmem:v56+s12+$0x0], $0xffff  }
0x1a5: {  	v25 =	vor.u32 v4, v18;
	v24 =	vld.idx.msk [tilespmem:v21+s13+$0x0], $0xffff  }
0x1a6: {  	v26 =	vor.u32 v4, v19;
	v21 =	vld.idx.msk [tilespmem:v21+s14+$0x0], $0xffff  }
0x1a7: {  	v22 =	vld.idx.msk [tilespmem:v22+s12+$0x0], $0xffff  }
0x1a8: {  	v28 =	vor.u32 v5, v18;
	v27 =	vld.idx.msk [tilespmem:v23+s13+$0x0], $0xffff  }
0x1a9: {  	v29 =	vor.u32 v5, v19;
	v23 =	vld.idx.msk [tilespmem:v23+s14+$0x0], $0xffff  }
0x1aa: {  	v25 =	vld.idx.msk [tilespmem:v25+s12+$0x0], $0xffff  }
0x1ab: {  	v31 =	vor.u32 v6, v18;
	v30 =	vld.idx.msk [tilespmem:v26+s13+$0x0], $0xffff  }
0x1ac: {  	v32 =	vor.u32 v6, v19;
	v26 =	vld.idx.msk [tilespmem:v26+s14+$0x0], $0xffff  }
0x1ad: {  	v28 =	vld.idx.msk [tilespmem:v28+s12+$0x0], $0xffff  }
0x1ae: {  	v34 =	vor.u32 v7, v18;
	v33 =	vld.idx.msk [tilespmem:v29+s13+$0x0], $0xffff  }
0x1af: {  	v35 =	vor.u32 v7, v19;
	v29 =	vld.idx.msk [tilespmem:v29+s14+$0x0], $0xffff  }
0x1b0: {  	v31 =	vld.idx.msk [tilespmem:v31+s12+$0x0], $0xffff  }
0x1b1: {  	v37 =	vor.u32 v9, v18;
	v36 =	vld.idx.msk [tilespmem:v32+s13+$0x0], $0xffff  }
0x1b2: {  	v38 =	vor.u32 v9, v19;
	v32 =	vld.idx.msk [tilespmem:v32+s14+$0x0], $0xffff  }
0x1b3: {  	v34 =	vld.idx.msk [tilespmem:v34+s12+$0x0], $0xffff  }
0x1b4: {  	v40 =	vor.u32 v10, v18;
	v39 =	vld.idx.msk [tilespmem:v35+s13+$0x0], $0xffff  }
0x1b5: {  	v58 =	vor.u32 v10, v19;
	v57 =	vld.idx.msk [tilespmem:v35+s14+$0x0], $0xffff  }
0x1b6: {  	v41 =	vor.u32 v8, v18;
	v37 =	vld.idx.msk [tilespmem:v37+s12+$0x0], $0xffff  }
0x1b7: {  	v61 =	vor.u32 v8, v19;
	v59 =	vld.idx.msk [tilespmem:v38+s13+$0x0], $0xffff  }
0x1b8: {  	v60 =	vld.idx.msk [tilespmem:v38+s14+$0x0], $0xffff  }
0x1b9: {  	v42 =	vor.u32 v11, v19;
	v40 =	vld.idx.msk [tilespmem:v40+s12+$0x0], $0xffff;
	v20 =	vsub.f32 v20, v21  }
0x1ba: {  	v35 =	vld.idx.msk [tilespmem:v58+s14+$0x0], $0xffff  }
0x1bb: {  	v49 =	vor.u32 v12, v19;
	v44 =	vld.idx.msk [tilespmem:v41+s12+$0x0], $0xffff;
	v22 =	vsub.f32 v22, v23;
	v20 =	vmul.f32 v20, v24  }
0x1bc: {  	v55 =	vor.u32 v14, v18;
	v45 =	vld.idx.msk [tilespmem:v61+s13+$0x0], $0xffff  }
0x1bd: {  	v48 =	vld.idx.msk [tilespmem:v61+s14+$0x0], $0xffff;
	v25 =	vsub.f32 v25, v26;
	v22 =	vmul.f32 v22, v27;
	v20 =	vadd.f32 $0.0e+00, v20  }
0x1be: {  	v51 =	vor.u32 v13, v18;
	v50 =	vld.idx.msk [tilespmem:v42+s13+$0x0], $0xffff;
	v56 =	vor.u32 v14, v19  }
0x1bf: {  	v52 =	vld.idx.msk [tilespmem:v42+s14+$0x0], $0xffff;
	v43 =	vsub.f32 v28, v29;
	v63 =	vmul.f32 v25, v30;
	v20 =	vadd.f32 v22, v20  }
0x1c0: {  	v62 =	vor.u32 v11, v18;
	v54 =	vld.idx.msk [tilespmem:v49+s13+$0x0], $0xffff;
	v41 =	vor.u32 v16, v18  }
0x1c1: {  	v38 =	vld.idx.msk [tilespmem:v55+s12+$0x0], $0xffff;
	v31 =	vsub.f32 v31, v32;
	v47 =	vmul.f32 v43, v33;
	v20 =	vadd.f32 v63, v20  }
0x1c2: {  	v46 =	vor.u32 v12, v18;
	v26 =	vld.idx.msk [tilespmem:v58+s13+$0x0], $0xffff  }
0x1c3: {  	v21 =	vsub.f32 v34, v57;
	v57 =	vld.idx.msk [tilespmem:v51+s12+$0x0], $0xffff;
	v31 =	vmul.f32 v31, v36;
	v20 =	vadd.f32 v47, v20  }
0x1c4: {  	v53 =	vor.u32 v13, v19;
	v58 =	vsub.f32 v40, v35;
	v40 =	vld.idx.msk [tilespmem:v56+s13+$0x0], $0xffff  }
0x1c5: {  	v23 =	vsub.f32 v37, v60;
	v27 =	vld.idx.msk [tilespmem:v62+s12+$0x0], $0xffff;
	v21 =	vmul.f32 v21, v39;
	v20 =	vadd.f32 v31, v20  }
0x1c6: {  	v28 =	vld.idx.msk [tilespmem:v41+s12+$0x0], $0xffff  }
0x1c7: {  	v61 =	vor.u32 v15, v19;
	v30 =	vld.idx.msk [tilespmem:v46+s12+$0x0], $0xffff;
	v23 =	vmul.f32 v23, v59;
	v20 =	vadd.f32 v21, v20  }
0x1c8: {  	v60 =	vor.u32 v15, v18;
	v33 =	vld.idx.msk [tilespmem:v49+s14+$0x0], $0xffff  }
0x1c9: {  	v59 =	vld.idx.msk [tilespmem:v53+s13+$0x0], $0xffff;
	v62 =	vmul.f32 v58, v26;
	v63 =	vsub.f32 v44, v48;
	v20 =	vadd.f32 v23, v20  }
0x1ca: {  	v18 =	vor.u32 v17, v18;
	v36 =	vld.idx.msk [tilespmem:v53+s14+$0x0], $0xffff;
	v27 =	vsub.f32 v27, v52  }
0x1cb: {  	v43 =	vld.idx.msk [tilespmem:v56+s14+$0x0], $0xffff;
	v44 =	vor.u32 v16, v19;
	v42 =	vmul.f32 v63, v45;
	v20 =	vadd.f32 v62, v20  }
0x1cc: {  	v46 =	vld.idx.msk [tilespmem:v61+s13+$0x0], $0xffff;
	v19 =	vor.u32 v17, v19  }
0x1cd: {  	v48 =	vld.idx.msk [tilespmem:v61+s14+$0x0], $0xffff;
	v22 =	vmul.f32 v27, v50;
	v47 =	vsub.f32 v30, v33;
	v20 =	vadd.f32 v42, v20  }
0x1ce: {  	v45 =	vld.idx.msk [tilespmem:v60+s12+$0x0], $0xffff  }
0x1cf: {  	v18 =	vld.idx.msk [tilespmem:v18+s12+$0x0], $0xffff;
	v49 =	vmul.f32 v47, v54;
	v21 =	vsub.f32 v57, v36;
	v20 =	vadd.f32 v22, v20  }
0x1d0: {  	v29 =	vld.idx.msk [tilespmem:v44+s14+$0x0], $0xffff  }
0x1d1: {  	v51 =	vsub.f32 v38, v43;
	v50 =	vld.idx.msk [tilespmem:v44+s13+$0x0], $0xffff;
	v21 =	vmul.f32 v21, v59;
	v20 =	vadd.f32 v49, v20  }
0x1d2: {  	v52 =	vld.idx.msk [tilespmem:v19+s14+$0x0], $0xffff  }
0x1d3: {  	v53 =	vmul.f32 v51, v40;
	v54 =	vsub.f32 v45, v48;
	v20 =	vadd.f32 v21, v20  }
0x1d4: {  	v19 =	vld.idx.msk [tilespmem:v19+s13+$0x0], $0xffff  }
0x1d5: {  	v55 =	vmul.f32 v54, v46;
	v56 =	vsub.f32 v28, v29;
	v20 =	vadd.f32 v53, v20;
	_ =	sdelay $0x1  }
0x1d6: {  	v18 =	vsub.f32 v18, v52;
	v57 =	vmul.f32 v56, v50;
	v20 =	vadd.f32 v55, v20;
	_ =	sdelay $0x1  }
0x1d7: {  	v18 =	vmul.f32 v18, v19;
	v20 =	vadd.f32 v57, v20;
	_ =	sdelay $0x1  }
0x1d8: {  	v18 =	vadd.f32 v18, v20;
	_ =	sdelay $0x1  }
0x1d9: {  	v18 =	vmul.f32 $-1.702000020e+00, v18;
	_ =	sdelay $0x1  }
0x1da: {  	v18 =	vmul.f32 $1.442695020e+00, v18;
	_ =	sdelay $0x1  }
0x1db: {  	(erf) = vpow2.f32 v18;
	_ =	sdelay $0x8  }
0x1dc: {  	v18 =	vpop (erf)  }
0x1dd: {  	v18 =	vadd.f32 $1.000000000e+00, v18;
	_ =	sdelay $0x1  }
0x1de: {  	(erf) = vrcp.f32 v18;
	_ =	sdelay $0x1  }
0x1df: {  	v18 =	vld [tilespmem:s19+$0x10]  }
0x1e0: {  	v19 =	vld [tilespmem:s19+$0x210];
	_ =	sdelay $0x3  }
0x1e1: {  	v18 =	vand.u32 $0x7, v18  }
0x1e2: {  	v19 =	vand.u32 $0x7, v19;
	v18 =	vshll.u32 v18, $0x7  }
0x1e3: {  	v19 =	vshll.u32 v19, $0x7;
	v18 =	vor.u32 v2, v18;
	v58 =	vpop (erf)  }
0x1e4: {  	v19 =	vor.u32 v2, v19;
	v59 =	vor.u32 v0, v18;
	v20 =	vmul.f32 $5.000000000e-01, v58  }
0x1e5: {  	v60 =	vor.u32 v0, v19  }
0x1e6: {  	v20 =	vadd.f32 $5.000000000e-01, v20  }
0x1e7: {  	v61 =	vor.u32 v3, v18  }
0x1e8: {  	v62 =	vor.u32 v3, v19;
	[tilespmem:s19+$0x18400] =	vst v20  }
0x1e9: {  	v21 =	vld.idx.msk [tilespmem:v59+s12+$0x0], $0xffff  }
0x1ea: {  	v43 =	vor.u32 v4, v18;
	v63 =	vld.idx.msk [tilespmem:v60+s13+$0x0], $0xffff  }
0x1eb: {  	v44 =	vor.u32 v4, v19;
	v22 =	vld.idx.msk [tilespmem:v60+s14+$0x0], $0xffff  }
0x1ec: {  	v23 =	vld.idx.msk [tilespmem:v61+s12+$0x0], $0xffff  }
0x1ed: {  	v46 =	vor.u32 v5, v18;
	v45 =	vld.idx.msk [tilespmem:v62+s13+$0x0], $0xffff  }
0x1ee: {  	v47 =	vor.u32 v5, v19;
	v20 =	vld.idx.msk [tilespmem:v62+s14+$0x0], $0xffff  }
0x1ef: {  	v25 =	vld.idx.msk [tilespmem:v43+s12+$0x0], $0xffff  }
0x1f0: {  	v49 =	vor.u32 v6, v18;
	v48 =	vld.idx.msk [tilespmem:v44+s13+$0x0], $0xffff  }
0x1f1: {  	v50 =	vor.u32 v6, v19;
	v26 =	vld.idx.msk [tilespmem:v44+s14+$0x0], $0xffff  }
0x1f2: {  	v28 =	vld.idx.msk [tilespmem:v46+s12+$0x0], $0xffff  }
0x1f3: {  	v52 =	vor.u32 v7, v18;
	v51 =	vld.idx.msk [tilespmem:v47+s13+$0x0], $0xffff  }
0x1f4: {  	v53 =	vor.u32 v7, v19;
	v29 =	vld.idx.msk [tilespmem:v47+s14+$0x0], $0xffff  }
0x1f5: {  	v31 =	vld.idx.msk [tilespmem:v49+s12+$0x0], $0xffff  }
0x1f6: {  	v54 =	vor.u32 v9, v18;
	v36 =	vld.idx.msk [tilespmem:v50+s13+$0x0], $0xffff  }
0x1f7: {  	v55 =	vor.u32 v9, v19;
	v32 =	vld.idx.msk [tilespmem:v50+s14+$0x0], $0xffff  }
0x1f8: {  	v34 =	vld.idx.msk [tilespmem:v52+s12+$0x0], $0xffff  }
0x1f9: {  	v56 =	vor.u32 v10, v18;
	v39 =	vld.idx.msk [tilespmem:v53+s13+$0x0], $0xffff  }
0x1fa: {  	v58 =	vor.u32 v10, v19;
	v57 =	vld.idx.msk [tilespmem:v53+s14+$0x0], $0xffff  }
0x1fb: {  	v37 =	vld.idx.msk [tilespmem:v54+s12+$0x0], $0xffff  }
0x1fc: {  	v24 =	vld.idx.msk [tilespmem:v55+s13+$0x0], $0xffff;
	v59 =	vor.u32 v8, v18  }
0x1fd: {  	v60 =	vld.idx.msk [tilespmem:v55+s14+$0x0], $0xffff;
	v61 =	vor.u32 v8, v19  }
0x1fe: {  	v40 =	vld.idx.msk [tilespmem:v56+s12+$0x0], $0xffff;
	v62 =	vor.u32 v11, v18;
	v21 =	vsub.f32 v21, v22  }
0x1ff: {  	v35 =	vld.idx.msk [tilespmem:v58+s14+$0x0], $0xffff;
	v53 =	vor.u32 v13, v18  }
0x200: {  	v20 =	vsub.f32 v23, v20;
	v25 =	vsub.f32 v25, v26;
	v26 =	vld.idx.msk [tilespmem:v58+s13+$0x0], $0xffff;
	v21 =	vmul.f32 v21, v63  }
0x201: {  	v55 =	vor.u32 v13, v19;
	v46 =	vld.idx.msk [tilespmem:v59+s12+$0x0], $0xffff  }
0x202: {  	v47 =	vld.idx.msk [tilespmem:v61+s13+$0x0], $0xffff;
	v20 =	vmul.f32 v20, v45;
	v21 =	vadd.f32 $0.0e+00, v21  }
0x203: {  	v27 =	vld.idx.msk [tilespmem:v62+s12+$0x0], $0xffff;
	v58 =	vor.u32 v14, v19;
	v62 =	vor.u32 v15, v18  }
0x204: {  	v50 =	vld.idx.msk [tilespmem:v61+s14+$0x0], $0xffff;
	v44 =	vmul.f32 v25, v48;
	v45 =	vsub.f32 v28, v29;
	v20 =	vadd.f32 v20, v21  }
0x205: {  	v31 =	vsub.f32 v31, v32;
	v59 =	vld.idx.msk [tilespmem:v53+s12+$0x0], $0xffff;
	v63 =	vor.u32 v11, v19  }
0x206: {  	v61 =	vld.idx.msk [tilespmem:v55+s13+$0x0], $0xffff;
	v49 =	vmul.f32 v45, v51;
	v20 =	vadd.f32 v44, v20  }
0x207: {  	v48 =	vor.u32 v12, v18;
	v31 =	vmul.f32 v31, v36;
	v36 =	vld.idx.msk [tilespmem:v55+s14+$0x0], $0xffff  }
0x208: {  	v22 =	vsub.f32 v34, v57;
	v51 =	vor.u32 v12, v19;
	v45 =	vld.idx.msk [tilespmem:v58+s13+$0x0], $0xffff;
	v20 =	vadd.f32 v49, v20  }
0x209: {  	v43 =	vsub.f32 v46, v50;
	v50 =	vld.idx.msk [tilespmem:v62+s12+$0x0], $0xffff  }
0x20a: {  	v23 =	vsub.f32 v37, v60;
	v22 =	vmul.f32 v22, v39;
	v52 =	vld.idx.msk [tilespmem:v63+s13+$0x0], $0xffff;
	v20 =	vadd.f32 v31, v20  }
0x20b: {  	v57 =	vor.u32 v14, v18;
	v60 =	vsub.f32 v40, v35;
	v54 =	vld.idx.msk [tilespmem:v63+s14+$0x0], $0xffff  }
0x20c: {  	v23 =	vmul.f32 v23, v24;
	v46 =	vor.u32 v16, v18;
	v30 =	vld.idx.msk [tilespmem:v48+s12+$0x0], $0xffff;
	v20 =	vadd.f32 v22, v20  }
0x20d: {  	v18 =	vor.u32 v17, v18;
	v33 =	vld.idx.msk [tilespmem:v51+s14+$0x0], $0xffff  }
0x20e: {  	v42 =	vmul.f32 v60, v26;
	v63 =	vor.u32 v15, v19;
	v48 =	vld.idx.msk [tilespmem:v58+s14+$0x0], $0xffff;
	v20 =	vadd.f32 v23, v20  }
0x20f: {  	v47 =	vmul.f32 v43, v47;
	v56 =	vld.idx.msk [tilespmem:v51+s13+$0x0], $0xffff  }
0x210: {  	v44 =	vld.idx.msk [tilespmem:v57+s12+$0x0], $0xffff;
	v49 =	vor.u32 v16, v19;
	v27 =	vsub.f32 v27, v54;
	v20 =	vadd.f32 v42, v20  }
0x211: {  	v19 =	vor.u32 v17, v19;
	v28 =	vld.idx.msk [tilespmem:v46+s12+$0x0], $0xffff  }
0x212: {  	v18 =	vld.idx.msk [tilespmem:v18+s12+$0x0], $0xffff;
	v21 =	vmul.f32 v27, v52;
	v52 =	vsub.f32 v30, v33;
	v20 =	vadd.f32 v47, v20  }
0x213: {  	v53 =	vld.idx.msk [tilespmem:v63+s14+$0x0], $0xffff  }
0x214: {  	v51 =	vld.idx.msk [tilespmem:v63+s13+$0x0], $0xffff;
	v22 =	vsub.f32 v59, v36;
	v54 =	vmul.f32 v52, v56;
	v20 =	vadd.f32 v21, v20  }
0x215: {  	v29 =	vld.idx.msk [tilespmem:v49+s14+$0x0], $0xffff  }
0x216: {  	v57 =	vsub.f32 v44, v48;
	v55 =	vld.idx.msk [tilespmem:v49+s13+$0x0], $0xffff;
	v56 =	vmul.f32 v22, v61;
	v20 =	vadd.f32 v54, v20  }
0x217: {  	v58 =	vld.idx.msk [tilespmem:v19+s14+$0x0], $0xffff  }
0x218: {  	v59 =	vmul.f32 v57, v45;
	v60 =	vsub.f32 v50, v53;
	v20 =	vadd.f32 v56, v20  }
0x219: {  	v19 =	vld.idx.msk [tilespmem:v19+s13+$0x0], $0xffff  }
0x21a: {  	v61 =	vmul.f32 v60, v51;
	v62 =	vsub.f32 v28, v29;
	v20 =	vadd.f32 v59, v20;
	_ =	sdelay $0x1  }
0x21b: {  	v18 =	vsub.f32 v18, v58;
	v63 =	vmul.f32 v62, v55;
	v20 =	vadd.f32 v61, v20;
	_ =	sdelay $0x1  }
0x21c: {  	v18 =	vmul.f32 v18, v19;
	v20 =	vadd.f32 v63, v20;
	_ =	sdelay $0x1  }
0x21d: {  	v18 =	vadd.f32 v18, v20;
	_ =	sdelay $0x1  }
0x21e: {  	v18 =	vmul.f32 $-1.702000020e+00, v18;
	_ =	sdelay $0x1  }
0x21f: {  	v18 =	vmul.f32 $1.442695020e+00, v18;
	_ =	sdelay $0x1  }
0x220: {  	(erf) = vpow2.f32 v18;
	_ =	sdelay $0x8  }
0x221: {  	v18 =	vpop (erf)  }
0x222: {  	v18 =	vadd.f32 $1.000000000e+00, v18;
	_ =	sdelay $0x1  }
0x223: {  	(erf) = vrcp.f32 v18;
	_ =	sdelay $0x8  }
0x224: {  	p0 =	sne.s32 s18, $0x780;
	v18 =	vpop (erf)  }
.Ltmp0:
0x225: {  	v18 =	vmul.f32 $5.000000000e-01, v18;
	(pc) =	sbr.rel @p0 .LBB2_2-.Ltmp0, $3  }
0x226: {  	_ = 	snop  }
0x227: {  	v18 =	vadd.f32 $5.000000000e-01, v18;
	_ =	sdelay $0x1  }
0x228: {  	s18 =	sadd.s32 $0x80, s18;
	[tilespmem:s19+$0x18410] =	vst v18  }
0x229: {  	s17 =	sadd.s32 $0x1, s17  }
0x22a: {  	p0 =	sne.s32 s17, s9  }
.Ltmp1:
0x22b: {  	_ = 	snop;
	(pc) =	sbr.rel @p0 .LBB2_1-.Ltmp1, $4  }
0x22c: {  	[hbm4b:s8+s1] =	stream.linear.scatter [tilespmem:s16], [sflag:$0x2], $0x200, $0x38;
	[tilespmem:$0x18600] =	vst v63  }
0x22d: {  	_ =	swait.ge [sflag:s10], $0x200  }
0x22e: {  	[sflag:s10] =	ssyncset.done $0x0  }
0x22f: {  	[sflag:s10] =	ssyncadd.s32 $0xFFFFFE00  }
0x230: {  	_ =	sfence.sel $0x180000  }
0x231: {  	[bflag:$0x0] =	sbarrier.arrive $0xFFFF  }
0x232: {  	p0 =	sne.s32 s5, $0x0;
	_ =	strace $0x90000047  }
0x233: {  	s0 =	sadd.s32 @!p0 $0x100000, s0;
	[bflag:$0x2] =	sbarrier.arrive $0xFFFF  }
0x234: {  	[sflag:s0] =	ssyncadd.tile.s32 @!p0 $0x1;
	_ =	shalt  }
.Lfunc_end2:
_tile_overlayer_lowered:
.L_overlay_start_2:
0x235: {  	(tag) =	ssettag $0x2  }
0x236: {  	s0 =	rddreg [dreg:$0x0];
	s2 =	stileid.u32  }
0x237: {  	s1 =	rddreg [dreg:$0x1];
	p0 =	sne.s32 s2, $0x0  }
0x238: {  	s3 =	rddreg [dreg:$0x2];
	[bflag:$0x3] =	sbarrier.arrive $0xFFFF;
	s2 =	simm.s32 @!p0 $0x1C02  }
0x239: {  	[timem:s3], [sflag:s2] =	dma.local @!p0 [hbm:s0], s1  }
0x23a: {  	s0 =	simm.s32 @!p0 $0x2  }
0x23b: {  	_ =	swait.ge @!p0 [sflag:s0], s1  }
0x23c: {  	s1 =	ssub.s32 @!p0 $0x0, s1;
	[sflag:s0] =	ssyncset.done @!p0 $0x0  }
0x23d: {  	[sflag:s0] =	ssyncadd.s32 @!p0 s1  }
0x23e: {  	[bflag:$0x3] =	sbarrier.arrive $0xFFFF  }
0x23f: {  	_ =	shalt  }

</sc_bundles>
